<compile_context>
chip_gen: v7x
topology: tpu7x:2x2x1
jax: 0.10.2.dev20260603
libtpu: 0.0.44.dev20260713+nightly
codegen_flags: <defaults>
</compile_context>

<pallas_src>
import functools

import jax
import jax.numpy as jnp
from jax import lax
from jax.experimental import pallas as pl
from jax.experimental.pallas import tpu as pltpu, tpu_sc as plsc

NC = 2
NS = 16
L = 16
D = 128
CHUNK = 128
NSLOT = 3
UNROLL = 2


def _rsqrt(x):
    i = plsc.bitcast(x, jnp.int32)
    i = jnp.int32(0x5F3759DF) - (i >> 1)
    y = plsc.bitcast(i, jnp.float32)
    for _ in range(3):
        y = y * (1.5 - 0.5 * x * y * y)
    return y


def _make_kernel(B, V):
    n_workers = NC * NS
    per_w = B // n_workers
    n_chunks = per_w // CHUNK
    mesh = plsc.VectorSubcoreMesh(core_axis_name="c", subcore_axis_name="s")

    @functools.partial(
        pl.kernel,
        out_type=jax.ShapeDtypeStruct((B,), jnp.float32),
        mesh=mesh,
        compiler_params=pltpu.CompilerParams(needs_layout_passes=False, use_tc_tiling_on_sc=False),
        scratch_types=[
            pltpu.VMEM((per_w,), jnp.int32),
            pltpu.VMEM((per_w,), jnp.int32),
            pltpu.VMEM((NSLOT, CHUNK, D), jnp.float32),
            pltpu.VMEM((NSLOT, CHUNK, D), jnp.float32),
            pltpu.VMEM((2, L), jnp.float32),
            pltpu.VMEM((per_w + L,), jnp.float32),
            pltpu.VMEM((per_w + L,), jnp.float32),
            pltpu.VMEM((per_w + L,), jnp.float32),
            pltpu.VMEM((per_w,), jnp.float32),
        ] + [pltpu.SemaphoreType.DMA] * NSLOT,
    )
    def _k(words_hbm, ctx_hbm, table_hbm, wb_hbm, out_hbm,
           widx, cidx, webuf, cebuf, wb_v,
           dotbuf, w2buf, c2buf, outbuf, *sems):
        wid = lax.axis_index("s") * NC + lax.axis_index("c")
        base = wid * per_w

        pltpu.sync_copy(words_hbm.at[pl.ds(base, per_w)], widx)
        pltpu.sync_copy(ctx_hbm.at[pl.ds(base, per_w)], cidx)
        pltpu.sync_copy(wb_hbm, wb_v)

        def start(c):
            slot = c % NSLOT
            return (
                pltpu.async_copy(table_hbm.at[widx.at[pl.ds(c * CHUNK, CHUNK)]],
                                 webuf.at[slot], sems[slot]),
                pltpu.async_copy(table_hbm.at[cidx.at[pl.ds(c * CHUNK, CHUNK)]],
                                 cebuf.at[slot], sems[slot]),
            )

        inflight = [start(c) for c in range(NSLOT - 1)]
        for c in range(n_chunks):
            if c + NSLOT - 1 < n_chunks:
                inflight.append(start(c + NSLOT - 1))
            for h in inflight.pop(0):
                h.wait()
            we_b = webuf.at[c % NSLOT]
            ce_b = cebuf.at[c % NSLOT]

            def pair_body(p):
                dotv = jnp.zeros((L,), jnp.float32)
                w2v = jnp.zeros((L,), jnp.float32)
                c2v = jnp.zeros((L,), jnp.float32)
                for k in range(D // L):
                    we = we_b[p, pl.ds(k * L, L)]
                    ce = ce_b[p, pl.ds(k * L, L)]
                    dotv += we * ce
                    w2v += we * we
                    c2v += ce * ce
                m15 = lax.iota(jnp.int32, L) == (L - 1)
                q = c * CHUNK + p
                plsc.store_compressed(dotbuf.at[pl.ds(q, L)],
                                      plsc.cumsum(dotv), mask=m15)
                plsc.store_compressed(w2buf.at[pl.ds(q, L)],
                                      plsc.cumsum(w2v), mask=m15)
                plsc.store_compressed(c2buf.at[pl.ds(q, L)],
                                      plsc.cumsum(c2v), mask=m15)

            plsc.parallel_loop(0, CHUNK, unroll=UNROLL)(pair_body)

        wv = wb_v[0, pl.ds(0, L)]
        bv = wb_v[1, pl.ds(0, L)]

        def group_body(g):
            dot = dotbuf[pl.ds(g * L, L)]
            w2 = w2buf[pl.ds(g * L, L)]
            c2 = c2buf[pl.ds(g * L, L)]
            sim = dot * _rsqrt(jnp.maximum(w2, 1e-16)) \
                      * _rsqrt(jnp.maximum(c2, 1e-16))
            logit = sim * wv + bv
            outbuf[pl.ds(g * L, L)] = 1.0 / (1.0 + jnp.exp(-logit))

        plsc.parallel_loop(0, per_w // L, unroll=2)(group_body)

        pltpu.sync_copy(outbuf, out_hbm.at[pl.ds(base, per_w)])

    return _k


def kernel(words, contexts, table, W, b):
    B = words.shape[0]
    V, d = table.shape
    assert d == D and B % (NC * NS * CHUNK) == 0
    wb = jnp.stack([jnp.full((L,), W[0, 0], jnp.float32),
                    jnp.full((L,), b[0], jnp.float32)])
    if words.dtype != jnp.int32:
        words = words.astype(jnp.int32)
    if contexts.dtype != jnp.int32:
        contexts = contexts.astype(jnp.int32)
    out = _make_kernel(B, V)(words, contexts, table, wb)
    return out.reshape(B, 1, 1)

# --- scband reference (transcript-rebuilt; emitter-appended) ---
"""Pipeline reference for scband-word2-vec-45011257262797 (READ-ONLY COPY).

The authoritative reference and input builder live on the scoring server;
editing this copy changes nothing except your own understanding.
"""

import jax, jax.numpy as jnp
import numpy as np

VOCAB = 100000
EMBED = 128
BATCH = 16384


def setup_inputs(seed: int = 0) -> dict:
    key = jax.random.key(seed)
    k1, k2, k3, k4, k5 = jax.random.split(key, 5)
    words = jax.random.randint(k1, (BATCH,), 0, VOCAB, dtype=jnp.int64 if jax.config.jax_enable_x64 else jnp.int32)
    contexts = jax.random.randint(k2, (BATCH,), 0, VOCAB, dtype=jnp.int64 if jax.config.jax_enable_x64 else jnp.int32)
    table = jax.random.normal(k3, (VOCAB, EMBED), dtype=jnp.float32)
    # nn.Linear(1, 1): weight [1,1], bias [1]
    W = jax.random.normal(k4, (1, 1), dtype=jnp.float32)
    b = jax.random.normal(k5, (1,), dtype=jnp.float32)
    return {"words": words, "contexts": contexts, "table": table, "W": W, "b": b}


def reference(words, contexts, table, W, b):
    eps = 1e-8
    we = jnp.take(table, words, axis=0)      # [B, D]
    ce = jnp.take(table, contexts, axis=0)   # [B, D]
    dot = jnp.sum(we * ce, axis=1)           # [B]
    nw = jnp.maximum(jnp.linalg.norm(we, axis=1), eps)
    nc = jnp.maximum(jnp.linalg.norm(ce, axis=1), eps)
    sim = dot / (nw * nc)                    # [B]
    # similarity.view(-1, 1, 1) -> Linear(1,1) -> sigmoid
    x = sim.reshape(-1, 1, 1)
    out = jax.nn.sigmoid(x * W[0, 0] + b[0])  # [B, 1, 1]
    return out

if __name__ == "__main__":
    import jax
    _d = setup_inputs()
    print(jax.jit(kernel)(*tuple(_d.values())))

</pallas_src>

<mosaic_0001>
#map = affine_map<(d0, d1) -> (0)>
#map1 = affine_map<(d0, d1) -> (0, 0)>
module attributes {stable_mosaic.version = 14 : i64} {
  func.func @_k(%arg0: i32, %arg1: i32, %arg2: memref<16384xi32, #tpu.memory_space<hbm>>, %arg3: memref<16384xi32, #tpu.memory_space<hbm>>, %arg4: memref<100000x128xf32, #tpu.memory_space<hbm>>, %arg5: memref<2x16xf32, #tpu.memory_space<hbm>>, %arg6: memref<16384xf32, #tpu.memory_space<hbm>>, %arg7: memref<512xi32, #tpu.memory_space<vmem>>, %arg8: memref<512xi32, #tpu.memory_space<vmem>>, %arg9: memref<3x128x128xf32, #tpu.memory_space<vmem>>, %arg10: memref<3x128x128xf32, #tpu.memory_space<vmem>>, %arg11: memref<2x16xf32, #tpu.memory_space<vmem>>, %arg12: memref<528xf32, #tpu.memory_space<vmem>>, %arg13: memref<528xf32, #tpu.memory_space<vmem>>, %arg14: memref<528xf32, #tpu.memory_space<vmem>>, %arg15: memref<512xf32, #tpu.memory_space<vmem>>, %arg16: memref<!tpu.dma_semaphore, #tpu.memory_space<semaphore_mem>>, %arg17: memref<!tpu.dma_semaphore, #tpu.memory_space<semaphore_mem>>, %arg18: memref<!tpu.dma_semaphore, #tpu.memory_space<semaphore_mem>>) attributes {dimension_semantics = [#tpu.dimension_semantics<core_parallel>, #tpu.dimension_semantics<subcore_parallel>], iteration_bounds = array<i64: 2, 16>, scalar_prefetch = 0 : i64, scratch_operands = 12 : i64, tpu.core_type = #tpu.core_type<sc_vector_subcore>, window_params = [{transform_indices = #map}, {transform_indices = #map}, {transform_indices = #map1}, {transform_indices = #map1}, {transform_indices = #map}]} {
    %mul3A = arith.constant 2 : i32
    %mul3A_0 = arith.muli %arg1, %mul3A : i32
    %add3A = arith.addi %mul3A_0, %arg0 : i32
    %mul3A_1 = arith.constant 512 : i32
    %mul3A_2 = arith.muli %add3A, %mul3A_1 : i32
    "tpu.region"() ({
      %run_scoped3A = tpu.sem_alloc : memref<!tpu.dma_semaphore, #tpu.memory_space<semaphore_mem>>
      %dma_start3A_190 = tpu.memref_slice %arg2[%mul3A_2] : memref<16384xi32, #tpu.memory_space<hbm>> -> memref<512xi32, #tpu.memory_space<hbm>>
      %dma_start3A_191 = tpu.memref_slice %arg2[%mul3A_2] : memref<16384xi32, #tpu.memory_space<hbm>> -> memref<512xi32, #tpu.memory_space<hbm>>
      tpu.enqueue_dma source(%dma_start3A_191 : memref<512xi32, #tpu.memory_space<hbm>>) target(%arg7 : memref<512xi32, #tpu.memory_space<vmem>>) target_semaphore(%run_scoped3A : memref<!tpu.dma_semaphore, #tpu.memory_space<semaphore_mem>>)
      %dma_wait3A_192 = tpu.memref_slice %arg2[%mul3A_2] : memref<16384xi32, #tpu.memory_space<hbm>> -> memref<512xi32, #tpu.memory_space<hbm>>
      %dma_wait3A_193 = tpu.memref_slice %arg2[%mul3A_2] : memref<16384xi32, #tpu.memory_space<hbm>> -> memref<512xi32, #tpu.memory_space<hbm>>
      tpu.wait_dma2 semaphore(%run_scoped3A : memref<!tpu.dma_semaphore, #tpu.memory_space<semaphore_mem>>) src(%dma_wait3A_193 : memref<512xi32, #tpu.memory_space<hbm>>) dst(%arg7 : memref<512xi32, #tpu.memory_space<vmem>>)
      tpu.yield
    }) : () -> ()
    "tpu.region"() ({
      %run_scoped3A = tpu.sem_alloc : memref<!tpu.dma_semaphore, #tpu.memory_space<semaphore_mem>>
      %dma_start3A_190 = tpu.memref_slice %arg3[%mul3A_2] : memref<16384xi32, #tpu.memory_space<hbm>> -> memref<512xi32, #tpu.memory_space<hbm>>
      %dma_start3A_191 = tpu.memref_slice %arg3[%mul3A_2] : memref<16384xi32, #tpu.memory_space<hbm>> -> memref<512xi32, #tpu.memory_space<hbm>>
      tpu.enqueue_dma source(%dma_start3A_191 : memref<512xi32, #tpu.memory_space<hbm>>) target(%arg8 : memref<512xi32, #tpu.memory_space<vmem>>) target_semaphore(%run_scoped3A : memref<!tpu.dma_semaphore, #tpu.memory_space<semaphore_mem>>)
      %dma_wait3A_192 = tpu.memref_slice %arg3[%mul3A_2] : memref<16384xi32, #tpu.memory_space<hbm>> -> memref<512xi32, #tpu.memory_space<hbm>>
      %dma_wait3A_193 = tpu.memref_slice %arg3[%mul3A_2] : memref<16384xi32, #tpu.memory_space<hbm>> -> memref<512xi32, #tpu.memory_space<hbm>>
      tpu.wait_dma2 semaphore(%run_scoped3A : memref<!tpu.dma_semaphore, #tpu.memory_space<semaphore_mem>>) src(%dma_wait3A_193 : memref<512xi32, #tpu.memory_space<hbm>>) dst(%arg8 : memref<512xi32, #tpu.memory_space<vmem>>)
      tpu.yield
    }) : () -> ()
    "tpu.region"() ({
      %run_scoped3A = tpu.sem_alloc : memref<!tpu.dma_semaphore, #tpu.memory_space<semaphore_mem>>
      tpu.enqueue_dma source(%arg5 : memref<2x16xf32, #tpu.memory_space<hbm>>) target(%arg11 : memref<2x16xf32, #tpu.memory_space<vmem>>) target_semaphore(%run_scoped3A : memref<!tpu.dma_semaphore, #tpu.memory_space<semaphore_mem>>)
      tpu.wait_dma2 semaphore(%run_scoped3A : memref<!tpu.dma_semaphore, #tpu.memory_space<semaphore_mem>>) src(%arg5 : memref<2x16xf32, #tpu.memory_space<hbm>>) dst(%arg11 : memref<2x16xf32, #tpu.memory_space<vmem>>)
      tpu.yield
    }) : () -> ()
    %dma_start3A = arith.constant 0 : i32
    %dma_start3A_3 = arith.constant 0 : i32
    %dma_start3A_4 = arith.constant 0 : i32
    %dma_start3A_5 = tpu.memref_slice %arg9[%dma_start3A, %dma_start3A_3, %dma_start3A_4] : memref<3x128x128xf32, #tpu.memory_space<vmem>> -> memref<1x128x128xf32, #tpu.memory_space<vmem>>
    %dma_start3A_6 = tpu.memref_squeeze %dma_start3A_5 : memref<1x128x128xf32, #tpu.memory_space<vmem>> -> memref<128x128xf32, #tpu.memory_space<vmem>>
    %dma_start3A_7 = arith.constant 0 : i32
    %dma_start3A_8 = tpu.memref_slice %arg7[%dma_start3A_7] : memref<512xi32, #tpu.memory_space<vmem>> -> memref<128xi32, #tpu.memory_space<vmem>>
    %dma_start3A_9 = arith.constant 0 : i32
    %dma_start3A_10 = arith.constant 0 : i32
    %dma_start3A_11 = tpu.memref_slice %arg4[%dma_start3A_9, %dma_start3A_10] : memref<100000x128xf32, #tpu.memory_space<hbm>> -> memref<100000x128xf32, #tpu.memory_space<hbm>>
    tpu.enqueue_indirect_dma source(%dma_start3A_11 : memref<100000x128xf32, #tpu.memory_space<hbm>>) target(%dma_start3A_6 : memref<128x128xf32, #tpu.memory_space<vmem>>) offsets(%dma_start3A_8 : memref<128xi32, #tpu.memory_space<vmem>>) semaphore(%arg16 : memref<!tpu.dma_semaphore, #tpu.memory_space<semaphore_mem>>)
    %dma_start3A_12 = arith.constant 0 : i32
    %dma_start3A_13 = arith.constant 0 : i32
    %dma_start3A_14 = arith.constant 0 : i32
    %dma_start3A_15 = tpu.memref_slice %arg10[%dma_start3A_12, %dma_start3A_13, %dma_start3A_14] : memref<3x128x128xf32, #tpu.memory_space<vmem>> -> memref<1x128x128xf32, #tpu.memory_space<vmem>>
    %dma_start3A_16 = tpu.memref_squeeze %dma_start3A_15 : memref<1x128x128xf32, #tpu.memory_space<vmem>> -> memref<128x128xf32, #tpu.memory_space<vmem>>
    %dma_start3A_17 = arith.constant 0 : i32
    %dma_start3A_18 = tpu.memref_slice %arg8[%dma_start3A_17] : memref<512xi32, #tpu.memory_space<vmem>> -> memref<128xi32, #tpu.memory_space<vmem>>
    %dma_start3A_19 = arith.constant 0 : i32
    %dma_start3A_20 = arith.constant 0 : i32
    %dma_start3A_21 = tpu.memref_slice %arg4[%dma_start3A_19, %dma_start3A_20] : memref<100000x128xf32, #tpu.memory_space<hbm>> -> memref<100000x128xf32, #tpu.memory_space<hbm>>
    tpu.enqueue_indirect_dma source(%dma_start3A_21 : memref<100000x128xf32, #tpu.memory_space<hbm>>) target(%dma_start3A_16 : memref<128x128xf32, #tpu.memory_space<vmem>>) offsets(%dma_start3A_18 : memref<128xi32, #tpu.memory_space<vmem>>) semaphore(%arg16 : memref<!tpu.dma_semaphore, #tpu.memory_space<semaphore_mem>>)
    %dma_start3A_22 = arith.constant 1 : i32
    %dma_start3A_23 = arith.constant 0 : i32
    %dma_start3A_24 = arith.constant 0 : i32
    %dma_start3A_25 = tpu.memref_slice %arg9[%dma_start3A_22, %dma_start3A_23, %dma_start3A_24] : memref<3x128x128xf32, #tpu.memory_space<vmem>> -> memref<1x128x128xf32, #tpu.memory_space<vmem>>
    %dma_start3A_26 = tpu.memref_squeeze %dma_start3A_25 : memref<1x128x128xf32, #tpu.memory_space<vmem>> -> memref<128x128xf32, #tpu.memory_space<vmem>>
    %dma_start3A_27 = arith.constant 128 : i32
    %dma_start3A_28 = tpu.memref_slice %arg7[%dma_start3A_27] : memref<512xi32, #tpu.memory_space<vmem>> -> memref<128xi32, #tpu.memory_space<vmem>>
    %dma_start3A_29 = arith.constant 0 : i32
    %dma_start3A_30 = arith.constant 0 : i32
    %dma_start3A_31 = tpu.memref_slice %arg4[%dma_start3A_29, %dma_start3A_30] : memref<100000x128xf32, #tpu.memory_space<hbm>> -> memref<100000x128xf32, #tpu.memory_space<hbm>>
    tpu.enqueue_indirect_dma source(%dma_start3A_31 : memref<100000x128xf32, #tpu.memory_space<hbm>>) target(%dma_start3A_26 : memref<128x128xf32, #tpu.memory_space<vmem>>) offsets(%dma_start3A_28 : memref<128xi32, #tpu.memory_space<vmem>>) semaphore(%arg17 : memref<!tpu.dma_semaphore, #tpu.memory_space<semaphore_mem>>)
    %dma_start3A_32 = arith.constant 1 : i32
    %dma_start3A_33 = arith.constant 0 : i32
    %dma_start3A_34 = arith.constant 0 : i32
    %dma_start3A_35 = tpu.memref_slice %arg10[%dma_start3A_32, %dma_start3A_33, %dma_start3A_34] : memref<3x128x128xf32, #tpu.memory_space<vmem>> -> memref<1x128x128xf32, #tpu.memory_space<vmem>>
    %dma_start3A_36 = tpu.memref_squeeze %dma_start3A_35 : memref<1x128x128xf32, #tpu.memory_space<vmem>> -> memref<128x128xf32, #tpu.memory_space<vmem>>
    %dma_start3A_37 = arith.constant 128 : i32
    %dma_start3A_38 = tpu.memref_slice %arg8[%dma_start3A_37] : memref<512xi32, #tpu.memory_space<vmem>> -> memref<128xi32, #tpu.memory_space<vmem>>
    %dma_start3A_39 = arith.constant 0 : i32
    %dma_start3A_40 = arith.constant 0 : i32
    %dma_start3A_41 = tpu.memref_slice %arg4[%dma_start3A_39, %dma_start3A_40] : memref<100000x128xf32, #tpu.memory_space<hbm>> -> memref<100000x128xf32, #tpu.memory_space<hbm>>
    tpu.enqueue_indirect_dma source(%dma_start3A_41 : memref<100000x128xf32, #tpu.memory_space<hbm>>) target(%dma_start3A_36 : memref<128x128xf32, #tpu.memory_space<vmem>>) offsets(%dma_start3A_38 : memref<128xi32, #tpu.memory_space<vmem>>) semaphore(%arg17 : memref<!tpu.dma_semaphore, #tpu.memory_space<semaphore_mem>>)
    %dma_start3A_42 = arith.constant 2 : i32
    %dma_start3A_43 = arith.constant 0 : i32
    %dma_start3A_44 = arith.constant 0 : i32
    %dma_start3A_45 = tpu.memref_slice %arg9[%dma_start3A_42, %dma_start3A_43, %dma_start3A_44] : memref<3x128x128xf32, #tpu.memory_space<vmem>> -> memref<1x128x128xf32, #tpu.memory_space<vmem>>
    %dma_start3A_46 = tpu.memref_squeeze %dma_start3A_45 : memref<1x128x128xf32, #tpu.memory_space<vmem>> -> memref<128x128xf32, #tpu.memory_space<vmem>>
    %dma_start3A_47 = arith.constant 256 : i32
    %dma_start3A_48 = tpu.memref_slice %arg7[%dma_start3A_47] : memref<512xi32, #tpu.memory_space<vmem>> -> memref<128xi32, #tpu.memory_space<vmem>>
    %dma_start3A_49 = arith.constant 0 : i32
    %dma_start3A_50 = arith.constant 0 : i32
    %dma_start3A_51 = tpu.memref_slice %arg4[%dma_start3A_49, %dma_start3A_50] : memref<100000x128xf32, #tpu.memory_space<hbm>> -> memref<100000x128xf32, #tpu.memory_space<hbm>>
    tpu.enqueue_indirect_dma source(%dma_start3A_51 : memref<100000x128xf32, #tpu.memory_space<hbm>>) target(%dma_start3A_46 : memref<128x128xf32, #tpu.memory_space<vmem>>) offsets(%dma_start3A_48 : memref<128xi32, #tpu.memory_space<vmem>>) semaphore(%arg18 : memref<!tpu.dma_semaphore, #tpu.memory_space<semaphore_mem>>)
    %dma_start3A_52 = arith.constant 2 : i32
    %dma_start3A_53 = arith.constant 0 : i32
    %dma_start3A_54 = arith.constant 0 : i32
    %dma_start3A_55 = tpu.memref_slice %arg10[%dma_start3A_52, %dma_start3A_53, %dma_start3A_54] : memref<3x128x128xf32, #tpu.memory_space<vmem>> -> memref<1x128x128xf32, #tpu.memory_space<vmem>>
    %dma_start3A_56 = tpu.memref_squeeze %dma_start3A_55 : memref<1x128x128xf32, #tpu.memory_space<vmem>> -> memref<128x128xf32, #tpu.memory_space<vmem>>
    %dma_start3A_57 = arith.constant 256 : i32
    %dma_start3A_58 = tpu.memref_slice %arg8[%dma_start3A_57] : memref<512xi32, #tpu.memory_space<vmem>> -> memref<128xi32, #tpu.memory_space<vmem>>
    %dma_start3A_59 = arith.constant 0 : i32
    %dma_start3A_60 = arith.constant 0 : i32
    %dma_start3A_61 = tpu.memref_slice %arg4[%dma_start3A_59, %dma_start3A_60] : memref<100000x128xf32, #tpu.memory_space<hbm>> -> memref<100000x128xf32, #tpu.memory_space<hbm>>
    tpu.enqueue_indirect_dma source(%dma_start3A_61 : memref<100000x128xf32, #tpu.memory_space<hbm>>) target(%dma_start3A_56 : memref<128x128xf32, #tpu.memory_space<vmem>>) offsets(%dma_start3A_58 : memref<128xi32, #tpu.memory_space<vmem>>) semaphore(%arg18 : memref<!tpu.dma_semaphore, #tpu.memory_space<semaphore_mem>>)
    %dma_wait3A = arith.constant 0 : i32
    %dma_wait3A_62 = arith.constant 0 : i32
    %dma_wait3A_63 = arith.constant 0 : i32
    %dma_wait3A_64 = tpu.memref_slice %arg9[%dma_wait3A, %dma_wait3A_62, %dma_wait3A_63] : memref<3x128x128xf32, #tpu.memory_space<vmem>> -> memref<1x128x128xf32, #tpu.memory_space<vmem>>
    %dma_wait3A_65 = tpu.memref_squeeze %dma_wait3A_64 : memref<1x128x128xf32, #tpu.memory_space<vmem>> -> memref<128x128xf32, #tpu.memory_space<vmem>>
    %dma_wait3A_66 = arith.constant 0 : i32
    %dma_wait3A_67 = tpu.memref_slice %arg7[%dma_wait3A_66] : memref<512xi32, #tpu.memory_space<vmem>> -> memref<128xi32, #tpu.memory_space<vmem>>
    %dma_wait3A_68 = arith.constant 0 : i32
    %dma_wait3A_69 = arith.constant 0 : i32
    %dma_wait3A_70 = tpu.memref_slice %arg4[%dma_wait3A_68, %dma_wait3A_69] : memref<100000x128xf32, #tpu.memory_space<hbm>> -> memref<100000x128xf32, #tpu.memory_space<hbm>>
    tpu.wait_indirect_dma semaphore(%arg16 : memref<!tpu.dma_semaphore, #tpu.memory_space<semaphore_mem>>) src(%dma_wait3A_70 : memref<100000x128xf32, #tpu.memory_space<hbm>>) dst(%dma_wait3A_65 : memref<128x128xf32, #tpu.memory_space<vmem>>)
    %dma_wait3A_71 = arith.constant 0 : i32
    %dma_wait3A_72 = arith.constant 0 : i32
    %dma_wait3A_73 = arith.constant 0 : i32
    %dma_wait3A_74 = tpu.memref_slice %arg10[%dma_wait3A_71, %dma_wait3A_72, %dma_wait3A_73] : memref<3x128x128xf32, #tpu.memory_space<vmem>> -> memref<1x128x128xf32, #tpu.memory_space<vmem>>
    %dma_wait3A_75 = tpu.memref_squeeze %dma_wait3A_74 : memref<1x128x128xf32, #tpu.memory_space<vmem>> -> memref<128x128xf32, #tpu.memory_space<vmem>>
    %dma_wait3A_76 = arith.constant 0 : i32
    %dma_wait3A_77 = tpu.memref_slice %arg8[%dma_wait3A_76] : memref<512xi32, #tpu.memory_space<vmem>> -> memref<128xi32, #tpu.memory_space<vmem>>
    %dma_wait3A_78 = arith.constant 0 : i32
    %dma_wait3A_79 = arith.constant 0 : i32
    %dma_wait3A_80 = tpu.memref_slice %arg4[%dma_wait3A_78, %dma_wait3A_79] : memref<100000x128xf32, #tpu.memory_space<hbm>> -> memref<100000x128xf32, #tpu.memory_space<hbm>>
    tpu.wait_indirect_dma semaphore(%arg16 : memref<!tpu.dma_semaphore, #tpu.memory_space<semaphore_mem>>) src(%dma_wait3A_80 : memref<100000x128xf32, #tpu.memory_space<hbm>>) dst(%dma_wait3A_75 : memref<128x128xf32, #tpu.memory_space<vmem>>)
    %parallel_loop3A = arith.constant 0 : i32
    %parallel_loop3A_81 = arith.constant 128 : i32
    %parallel_loop3A_82 = arith.constant 1 : i32
    %parallel_loop3A_83 = arith.constant 0 : i32
    %parallel_loop3A_84 = arith.constant 0 : i32
    scf.for %parallel_loop3A_190 = %parallel_loop3A to %parallel_loop3A_81 step %parallel_loop3A_82  : i32 {
      %parallel_loop3A_191 = arith.constant 0.000000e+00 : f32
      %parallel_loop3A_192 = vector.broadcast %parallel_loop3A_191 : f32 to vector<16xf32>
      %parallel_loop3A_193 = arith.constant 0.000000e+00 : f32
      %parallel_loop3A_194 = vector.broadcast %parallel_loop3A_193 : f32 to vector<16xf32>
      %parallel_loop3A_195 = arith.constant 0.000000e+00 : f32
      %parallel_loop3A_196 = vector.broadcast %parallel_loop3A_195 : f32 to vector<16xf32>
      %parallel_loop3A_197 = arith.constant 0 : i32
      %parallel_loop3A_198 = arith.constant 0 : i32
      %parallel_loop3A_199 = tpu.memref_slice %arg9[%parallel_loop3A_83, %parallel_loop3A_197, %parallel_loop3A_198] : memref<3x128x128xf32, #tpu.memory_space<vmem>> -> memref<1x128x128xf32, #tpu.memory_space<vmem>>
      %parallel_loop3A_200 = tpu.memref_squeeze %parallel_loop3A_199 : memref<1x128x128xf32, #tpu.memory_space<vmem>> -> memref<128x128xf32, #tpu.memory_space<vmem>>
      %parallel_loop3A_201 = arith.index_cast %parallel_loop3A_190 : i32 to index
      %parallel_loop3A_202 = arith.constant 0 : index
      %parallel_loop3A_203 = tpu.vector_load %parallel_loop3A_200[%parallel_loop3A_201, %parallel_loop3A_202] {strides = array<i32>} : memref<128x128xf32, #tpu.memory_space<vmem>>, vector<16xf32>,
      %parallel_loop3A_204 = arith.constant 0 : i32
      %parallel_loop3A_205 = arith.constant 0 : i32
      %parallel_loop3A_206 = tpu.memref_slice %arg10[%parallel_loop3A_84, %parallel_loop3A_204, %parallel_loop3A_205] : memref<3x128x128xf32, #tpu.memory_space<vmem>> -> memref<1x128x128xf32, #tpu.memory_space<vmem>>
      %parallel_loop3A_207 = tpu.memref_squeeze %parallel_loop3A_206 : memref<1x128x128xf32, #tpu.memory_space<vmem>> -> memref<128x128xf32, #tpu.memory_space<vmem>>
      %parallel_loop3A_208 = arith.index_cast %parallel_loop3A_190 : i32 to index
      %parallel_loop3A_209 = arith.constant 0 : index
      %parallel_loop3A_210 = tpu.vector_load %parallel_loop3A_207[%parallel_loop3A_208, %parallel_loop3A_209] {strides = array<i32>} : memref<128x128xf32, #tpu.memory_space<vmem>>, vector<16xf32>,
      %parallel_loop3A_211 = arith.mulf %parallel_loop3A_203, %parallel_loop3A_210 : vector<16xf32>
      %parallel_loop3A_212 = arith.addf %parallel_loop3A_192, %parallel_loop3A_211 : vector<16xf32>
      %parallel_loop3A_213 = arith.mulf %parallel_loop3A_203, %parallel_loop3A_203 : vector<16xf32>
      %parallel_loop3A_214 = arith.addf %parallel_loop3A_194, %parallel_loop3A_213 : vector<16xf32>
      %parallel_loop3A_215 = arith.mulf %parallel_loop3A_210, %parallel_loop3A_210 : vector<16xf32>
      %parallel_loop3A_216 = arith.addf %parallel_loop3A_196, %parallel_loop3A_215 : vector<16xf32>
      %parallel_loop3A_217 = arith.constant 0 : i32
      %parallel_loop3A_218 = arith.constant 0 : i32
      %parallel_loop3A_219 = tpu.memref_slice %arg9[%parallel_loop3A_83, %parallel_loop3A_217, %parallel_loop3A_218] : memref<3x128x128xf32, #tpu.memory_space<vmem>> -> memref<1x128x128xf32, #tpu.memory_space<vmem>>
      %parallel_loop3A_220 = tpu.memref_squeeze %parallel_loop3A_219 : memref<1x128x128xf32, #tpu.memory_space<vmem>> -> memref<128x128xf32, #tpu.memory_space<vmem>>
      %parallel_loop3A_221 = arith.index_cast %parallel_loop3A_190 : i32 to index
      %parallel_loop3A_222 = arith.constant 16 : index
      %parallel_loop3A_223 = tpu.vector_load %parallel_loop3A_220[%parallel_loop3A_221, %parallel_loop3A_222] {strides = array<i32>} : memref<128x128xf32, #tpu.memory_space<vmem>>, vector<16xf32>,
      %parallel_loop3A_224 = arith.constant 0 : i32
      %parallel_loop3A_225 = arith.constant 0 : i32
      %parallel_loop3A_226 = tpu.memref_slice %arg10[%parallel_loop3A_84, %parallel_loop3A_224, %parallel_loop3A_225] : memref<3x128x128xf32, #tpu.memory_space<vmem>> -> memref<1x128x128xf32, #tpu.memory_space<vmem>>
      %parallel_loop3A_227 = tpu.memref_squeeze %parallel_loop3A_226 : memref<1x128x128xf32, #tpu.memory_space<vmem>> -> memref<128x128xf32, #tpu.memory_space<vmem>>
      %parallel_loop3A_228 = arith.index_cast %parallel_loop3A_190 : i32 to index
      %parallel_loop3A_229 = arith.constant 16 : index
      %parallel_loop3A_230 = tpu.vector_load %parallel_loop3A_227[%parallel_loop3A_228, %parallel_loop3A_229] {strides = array<i32>} : memref<128x128xf32, #tpu.memory_space<vmem>>, vector<16xf32>,
      %parallel_loop3A_231 = arith.mulf %parallel_loop3A_223, %parallel_loop3A_230 : vector<16xf32>
      %parallel_loop3A_232 = arith.addf %parallel_loop3A_212, %parallel_loop3A_231 : vector<16xf32>
      %parallel_loop3A_233 = arith.mulf %parallel_loop3A_223, %parallel_loop3A_223 : vector<16xf32>
      %parallel_loop3A_234 = arith.addf %parallel_loop3A_214, %parallel_loop3A_233 : vector<16xf32>
      %parallel_loop3A_235 = arith.mulf %parallel_loop3A_230, %parallel_loop3A_230 : vector<16xf32>
      %parallel_loop3A_236 = arith.addf %parallel_loop3A_216, %parallel_loop3A_235 : vector<16xf32>
      %parallel_loop3A_237 = arith.constant 0 : i32
      %parallel_loop3A_238 = arith.constant 0 : i32
      %parallel_loop3A_239 = tpu.memref_slice %arg9[%parallel_loop3A_83, %parallel_loop3A_237, %parallel_loop3A_238] : memref<3x128x128xf32, #tpu.memory_space<vmem>> -> memref<1x128x128xf32, #tpu.memory_space<vmem>>
      %parallel_loop3A_240 = tpu.memref_squeeze %parallel_loop3A_239 : memref<1x128x128xf32, #tpu.memory_space<vmem>> -> memref<128x128xf32, #tpu.memory_space<vmem>>
      %parallel_loop3A_241 = arith.index_cast %parallel_loop3A_190 : i32 to index
      %parallel_loop3A_242 = arith.constant 32 : index
      %parallel_loop3A_243 = tpu.vector_load %parallel_loop3A_240[%parallel_loop3A_241, %parallel_loop3A_242] {strides = array<i32>} : memref<128x128xf32, #tpu.memory_space<vmem>>, vector<16xf32>,
      %parallel_loop3A_244 = arith.constant 0 : i32
      %parallel_loop3A_245 = arith.constant 0 : i32
      %parallel_loop3A_246 = tpu.memref_slice %arg10[%parallel_loop3A_84, %parallel_loop3A_244, %parallel_loop3A_245] : memref<3x128x128xf32, #tpu.memory_space<vmem>> -> memref<1x128x128xf32, #tpu.memory_space<vmem>>
      %parallel_loop3A_247 = tpu.memref_squeeze %parallel_loop3A_246 : memref<1x128x128xf32, #tpu.memory_space<vmem>> -> memref<128x128xf32, #tpu.memory_space<vmem>>
      %parallel_loop3A_248 = arith.index_cast %parallel_loop3A_190 : i32 to index
      %parallel_loop3A_249 = arith.constant 32 : index
      %parallel_loop3A_250 = tpu.vector_load %parallel_loop3A_247[%parallel_loop3A_248, %parallel_loop3A_249] {strides = array<i32>} : memref<128x128xf32, #tpu.memory_space<vmem>>, vector<16xf32>,
      %parallel_loop3A_251 = arith.mulf %parallel_loop3A_243, %parallel_loop3A_250 : vector<16xf32>
      %parallel_loop3A_252 = arith.addf %parallel_loop3A_232, %parallel_loop3A_251 : vector<16xf32>
      %parallel_loop3A_253 = arith.mulf %parallel_loop3A_243, %parallel_loop3A_243 : vector<16xf32>
      %parallel_loop3A_254 = arith.addf %parallel_loop3A_234, %parallel_loop3A_253 : vector<16xf32>
      %parallel_loop3A_255 = arith.mulf %parallel_loop3A_250, %parallel_loop3A_250 : vector<16xf32>
      %parallel_loop3A_256 = arith.addf %parallel_loop3A_236, %parallel_loop3A_255 : vector<16xf32>
      %parallel_loop3A_257 = arith.constant 0 : i32
      %parallel_loop3A_258 = arith.constant 0 : i32
      %parallel_loop3A_259 = tpu.memref_slice %arg9[%parallel_loop3A_83, %parallel_loop3A_257, %parallel_loop3A_258] : memref<3x128x128xf32, #tpu.memory_space<vmem>> -> memref<1x128x128xf32, #tpu.memory_space<vmem>>
      %parallel_loop3A_260 = tpu.memref_squeeze %parallel_loop3A_259 : memref<1x128x128xf32, #tpu.memory_space<vmem>> -> memref<128x128xf32, #tpu.memory_space<vmem>>
      %parallel_loop3A_261 = arith.index_cast %parallel_loop3A_190 : i32 to index
      %parallel_loop3A_262 = arith.constant 48 : index
      %parallel_loop3A_263 = tpu.vector_load %parallel_loop3A_260[%parallel_loop3A_261, %parallel_loop3A_262] {strides = array<i32>} : memref<128x128xf32, #tpu.memory_space<vmem>>, vector<16xf32>,
      %parallel_loop3A_264 = arith.constant 0 : i32
      %parallel_loop3A_265 = arith.constant 0 : i32
      %parallel_loop3A_266 = tpu.memref_slice %arg10[%parallel_loop3A_84, %parallel_loop3A_264, %parallel_loop3A_265] : memref<3x128x128xf32, #tpu.memory_space<vmem>> -> memref<1x128x128xf32, #tpu.memory_space<vmem>>
      %parallel_loop3A_267 = tpu.memref_squeeze %parallel_loop3A_266 : memref<1x128x128xf32, #tpu.memory_space<vmem>> -> memref<128x128xf32, #tpu.memory_space<vmem>>
      %parallel_loop3A_268 = arith.index_cast %parallel_loop3A_190 : i32 to index
      %parallel_loop3A_269 = arith.constant 48 : index
      %parallel_loop3A_270 = tpu.vector_load %parallel_loop3A_267[%parallel_loop3A_268, %parallel_loop3A_269] {strides = array<i32>} : memref<128x128xf32, #tpu.memory_space<vmem>>, vector<16xf32>,
      %parallel_loop3A_271 = arith.mulf %parallel_loop3A_263, %parallel_loop3A_270 : vector<16xf32>
      %parallel_loop3A_272 = arith.addf %parallel_loop3A_252, %parallel_loop3A_271 : vector<16xf32>
      %parallel_loop3A_273 = arith.mulf %parallel_loop3A_263, %parallel_loop3A_263 : vector<16xf32>
      %parallel_loop3A_274 = arith.addf %parallel_loop3A_254, %parallel_loop3A_273 : vector<16xf32>
      %parallel_loop3A_275 = arith.mulf %parallel_loop3A_270, %parallel_loop3A_270 : vector<16xf32>
      %parallel_loop3A_276 = arith.addf %parallel_loop3A_256, %parallel_loop3A_275 : vector<16xf32>
      %parallel_loop3A_277 = arith.constant 0 : i32
      %parallel_loop3A_278 = arith.constant 0 : i32
      %parallel_loop3A_279 = tpu.memref_slice %arg9[%parallel_loop3A_83, %parallel_loop3A_277, %parallel_loop3A_278] : memref<3x128x128xf32, #tpu.memory_space<vmem>> -> memref<1x128x128xf32, #tpu.memory_space<vmem>>
      %parallel_loop3A_280 = tpu.memref_squeeze %parallel_loop3A_279 : memref<1x128x128xf32, #tpu.memory_space<vmem>> -> memref<128x128xf32, #tpu.memory_space<vmem>>
      %parallel_loop3A_281 = arith.index_cast %parallel_loop3A_190 : i32 to index
      %parallel_loop3A_282 = arith.constant 64 : index
      %parallel_loop3A_283 = tpu.vector_load %parallel_loop3A_280[%parallel_loop3A_281, %parallel_loop3A_282] {strides = array<i32>} : memref<128x128xf32, #tpu.memory_space<vmem>>, vector<16xf32>,
      %parallel_loop3A_284 = arith.constant 0 : i32
      %parallel_loop3A_285 = arith.constant 0 : i32
      %parallel_loop3A_286 = tpu.memref_slice %arg10[%parallel_loop3A_84, %parallel_loop3A_284, %parallel_loop3A_285] : memref<3x128x128xf32, #tpu.memory_space<vmem>> -> memref<1x128x128xf32, #tpu.memory_space<vmem>>
      %parallel_loop3A_287 = tpu.memref_squeeze %parallel_loop3A_286 : memref<1x128x128xf32, #tpu.memory_space<vmem>> -> memref<128x128xf32, #tpu.memory_space<vmem>>
      %parallel_loop3A_288 = arith.index_cast %parallel_loop3A_190 : i32 to index
      %parallel_loop3A_289 = arith.constant 64 : index
      %parallel_loop3A_290 = tpu.vector_load %parallel_loop3A_287[%parallel_loop3A_288, %parallel_loop3A_289] {strides = array<i32>} : memref<128x128xf32, #tpu.memory_space<vmem>>, vector<16xf32>,
      %parallel_loop3A_291 = arith.mulf %parallel_loop3A_283, %parallel_loop3A_290 : vector<16xf32>
      %parallel_loop3A_292 = arith.addf %parallel_loop3A_272, %parallel_loop3A_291 : vector<16xf32>
      %parallel_loop3A_293 = arith.mulf %parallel_loop3A_283, %parallel_loop3A_283 : vector<16xf32>
      %parallel_loop3A_294 = arith.addf %parallel_loop3A_274, %parallel_loop3A_293 : vector<16xf32>
      %parallel_loop3A_295 = arith.mulf %parallel_loop3A_290, %parallel_loop3A_290 : vector<16xf32>
      %parallel_loop3A_296 = arith.addf %parallel_loop3A_276, %parallel_loop3A_295 : vector<16xf32>
      %parallel_loop3A_297 = arith.constant 0 : i32
      %parallel_loop3A_298 = arith.constant 0 : i32
      %parallel_loop3A_299 = tpu.memref_slice %arg9[%parallel_loop3A_83, %parallel_loop3A_297, %parallel_loop3A_298] : memref<3x128x128xf32, #tpu.memory_space<vmem>> -> memref<1x128x128xf32, #tpu.memory_space<vmem>>
      %parallel_loop3A_300 = tpu.memref_squeeze %parallel_loop3A_299 : memref<1x128x128xf32, #tpu.memory_space<vmem>> -> memref<128x128xf32, #tpu.memory_space<vmem>>
      %parallel_loop3A_301 = arith.index_cast %parallel_loop3A_190 : i32 to index
      %parallel_loop3A_302 = arith.constant 80 : index
      %parallel_loop3A_303 = tpu.vector_load %parallel_loop3A_300[%parallel_loop3A_301, %parallel_loop3A_302] {strides = array<i32>} : memref<128x128xf32, #tpu.memory_space<vmem>>, vector<16xf32>,
      %parallel_loop3A_304 = arith.constant 0 : i32
      %parallel_loop3A_305 = arith.constant 0 : i32
      %parallel_loop3A_306 = tpu.memref_slice %arg10[%parallel_loop3A_84, %parallel_loop3A_304, %parallel_loop3A_305] : memref<3x128x128xf32, #tpu.memory_space<vmem>> -> memref<1x128x128xf32, #tpu.memory_space<vmem>>
      %parallel_loop3A_307 = tpu.memref_squeeze %parallel_loop3A_306 : memref<1x128x128xf32, #tpu.memory_space<vmem>> -> memref<128x128xf32, #tpu.memory_space<vmem>>
      %parallel_loop3A_308 = arith.index_cast %parallel_loop3A_190 : i32 to index
      %parallel_loop3A_309 = arith.constant 80 : index
      %parallel_loop3A_310 = tpu.vector_load %parallel_loop3A_307[%parallel_loop3A_308, %parallel_loop3A_309] {strides = array<i32>} : memref<128x128xf32, #tpu.memory_space<vmem>>, vector<16xf32>,
      %parallel_loop3A_311 = arith.mulf %parallel_loop3A_303, %parallel_loop3A_310 : vector<16xf32>
      %parallel_loop3A_312 = arith.addf %parallel_loop3A_292, %parallel_loop3A_311 : vector<16xf32>
      %parallel_loop3A_313 = arith.mulf %parallel_loop3A_303, %parallel_loop3A_303 : vector<16xf32>
      %parallel_loop3A_314 = arith.addf %parallel_loop3A_294, %parallel_loop3A_313 : vector<16xf32>
      %parallel_loop3A_315 = arith.mulf %parallel_loop3A_310, %parallel_loop3A_310 : vector<16xf32>
      %parallel_loop3A_316 = arith.addf %parallel_loop3A_296, %parallel_loop3A_315 : vector<16xf32>
      %parallel_loop3A_317 = arith.constant 0 : i32
      %parallel_loop3A_318 = arith.constant 0 : i32
      %parallel_loop3A_319 = tpu.memref_slice %arg9[%parallel_loop3A_83, %parallel_loop3A_317, %parallel_loop3A_318] : memref<3x128x128xf32, #tpu.memory_space<vmem>> -> memref<1x128x128xf32, #tpu.memory_space<vmem>>
      %parallel_loop3A_320 = tpu.memref_squeeze %parallel_loop3A_319 : memref<1x128x128xf32, #tpu.memory_space<vmem>> -> memref<128x128xf32, #tpu.memory_space<vmem>>
      %parallel_loop3A_321 = arith.index_cast %parallel_loop3A_190 : i32 to index
      %parallel_loop3A_322 = arith.constant 96 : index
      %parallel_loop3A_323 = tpu.vector_load %parallel_loop3A_320[%parallel_loop3A_321, %parallel_loop3A_322] {strides = array<i32>} : memref<128x128xf32, #tpu.memory_space<vmem>>, vector<16xf32>,
      %parallel_loop3A_324 = arith.constant 0 : i32
      %parallel_loop3A_325 = arith.constant 0 : i32
      %parallel_loop3A_326 = tpu.memref_slice %arg10[%parallel_loop3A_84, %parallel_loop3A_324, %parallel_loop3A_325] : memref<3x128x128xf32, #tpu.memory_space<vmem>> -> memref<1x128x128xf32, #tpu.memory_space<vmem>>
      %parallel_loop3A_327 = tpu.memref_squeeze %parallel_loop3A_326 : memref<1x128x128xf32, #tpu.memory_space<vmem>> -> memref<128x128xf32, #tpu.memory_space<vmem>>
      %parallel_loop3A_328 = arith.index_cast %parallel_loop3A_190 : i32 to index
      %parallel_loop3A_329 = arith.constant 96 : index
      %parallel_loop3A_330 = tpu.vector_load %parallel_loop3A_327[%parallel_loop3A_328, %parallel_loop3A_329] {strides = array<i32>} : memref<128x128xf32, #tpu.memory_space<vmem>>, vector<16xf32>,
      %parallel_loop3A_331 = arith.mulf %parallel_loop3A_323, %parallel_loop3A_330 : vector<16xf32>
      %parallel_loop3A_332 = arith.addf %parallel_loop3A_312, %parallel_loop3A_331 : vector<16xf32>
      %parallel_loop3A_333 = arith.mulf %parallel_loop3A_323, %parallel_loop3A_323 : vector<16xf32>
      %parallel_loop3A_334 = arith.addf %parallel_loop3A_314, %parallel_loop3A_333 : vector<16xf32>
      %parallel_loop3A_335 = arith.mulf %parallel_loop3A_330, %parallel_loop3A_330 : vector<16xf32>
      %parallel_loop3A_336 = arith.addf %parallel_loop3A_316, %parallel_loop3A_335 : vector<16xf32>
      %parallel_loop3A_337 = arith.constant 0 : i32
      %parallel_loop3A_338 = arith.constant 0 : i32
      %parallel_loop3A_339 = tpu.memref_slice %arg9[%parallel_loop3A_83, %parallel_loop3A_337, %parallel_loop3A_338] : memref<3x128x128xf32, #tpu.memory_space<vmem>> -> memref<1x128x128xf32, #tpu.memory_space<vmem>>
      %parallel_loop3A_340 = tpu.memref_squeeze %parallel_loop3A_339 : memref<1x128x128xf32, #tpu.memory_space<vmem>> -> memref<128x128xf32, #tpu.memory_space<vmem>>
      %parallel_loop3A_341 = arith.index_cast %parallel_loop3A_190 : i32 to index
      %parallel_loop3A_342 = arith.constant 112 : index
      %parallel_loop3A_343 = tpu.vector_load %parallel_loop3A_340[%parallel_loop3A_341, %parallel_loop3A_342] {strides = array<i32>} : memref<128x128xf32, #tpu.memory_space<vmem>>, vector<16xf32>,
      %parallel_loop3A_344 = arith.constant 0 : i32
      %parallel_loop3A_345 = arith.constant 0 : i32
      %parallel_loop3A_346 = tpu.memref_slice %arg10[%parallel_loop3A_84, %parallel_loop3A_344, %parallel_loop3A_345] : memref<3x128x128xf32, #tpu.memory_space<vmem>> -> memref<1x128x128xf32, #tpu.memory_space<vmem>>
      %parallel_loop3A_347 = tpu.memref_squeeze %parallel_loop3A_346 : memref<1x128x128xf32, #tpu.memory_space<vmem>> -> memref<128x128xf32, #tpu.memory_space<vmem>>
      %parallel_loop3A_348 = arith.index_cast %parallel_loop3A_190 : i32 to index
      %parallel_loop3A_349 = arith.constant 112 : index
      %parallel_loop3A_350 = tpu.vector_load %parallel_loop3A_347[%parallel_loop3A_348, %parallel_loop3A_349] {strides = array<i32>} : memref<128x128xf32, #tpu.memory_space<vmem>>, vector<16xf32>,
      %parallel_loop3A_351 = arith.mulf %parallel_loop3A_343, %parallel_loop3A_350 : vector<16xf32>
      %parallel_loop3A_352 = arith.addf %parallel_loop3A_332, %parallel_loop3A_351 : vector<16xf32>
      %parallel_loop3A_353 = arith.mulf %parallel_loop3A_343, %parallel_loop3A_343 : vector<16xf32>
      %parallel_loop3A_354 = arith.addf %parallel_loop3A_334, %parallel_loop3A_353 : vector<16xf32>
      %parallel_loop3A_355 = arith.mulf %parallel_loop3A_350, %parallel_loop3A_350 : vector<16xf32>
      %parallel_loop3A_356 = arith.addf %parallel_loop3A_336, %parallel_loop3A_355 : vector<16xf32>
      %parallel_loop3A_357 = tpu.iota {dimensions = array<i32: 0>} : vector<16xi32>
      %parallel_loop3A_358 = arith.constant 15 : i32
      %parallel_loop3A_359 = vector.broadcast %parallel_loop3A_358 : i32 to vector<16xi32>
      %parallel_loop3A_360 = arith.cmpi eq, %parallel_loop3A_357, %parallel_loop3A_359 : vector<16xi32>
      %parallel_loop3A_361 = arith.constant 0 : i32
      %parallel_loop3A_362 = arith.addi %parallel_loop3A_361, %parallel_loop3A_190 : i32
      %parallel_loop3A_363 = arith.constant true
      %parallel_loop3A_364 = vector.broadcast %parallel_loop3A_363 : i1 to vector<16xi1>
      %parallel_loop3A_365 = tpu.scan <sum>, %parallel_loop3A_352 masked %parallel_loop3A_364 : vector<16xf32>, vector<16xi1> -> vector<16xf32>
      %parallel_loop3A_366 = arith.index_cast %parallel_loop3A_362 : i32 to index
      %parallel_loop3A_367 = tpu.vector_load %arg12[%parallel_loop3A_366] masked %parallel_loop3A_360 {strides = array<i32>} : memref<528xf32, #tpu.memory_space<vmem>>, vector<16xf32>, vector<16xi1>
      tpu.vector_store %arg12[%parallel_loop3A_366], %parallel_loop3A_365 masked %parallel_loop3A_360 {strides = array<i32>} : memref<528xf32, #tpu.memory_space<vmem>>, vector<16xf32>, vector<16xi1>
      %parallel_loop3A_368 = arith.constant true
      %parallel_loop3A_369 = vector.broadcast %parallel_loop3A_368 : i1 to vector<16xi1>
      %parallel_loop3A_370 = tpu.scan <sum>, %parallel_loop3A_354 masked %parallel_loop3A_369 : vector<16xf32>, vector<16xi1> -> vector<16xf32>
      %parallel_loop3A_371 = arith.index_cast %parallel_loop3A_362 : i32 to index
      %parallel_loop3A_372 = tpu.vector_load %arg13[%parallel_loop3A_371] masked %parallel_loop3A_360 {strides = array<i32>} : memref<528xf32, #tpu.memory_space<vmem>>, vector<16xf32>, vector<16xi1>
      tpu.vector_store %arg13[%parallel_loop3A_371], %parallel_loop3A_370 masked %parallel_loop3A_360 {strides = array<i32>} : memref<528xf32, #tpu.memory_space<vmem>>, vector<16xf32>, vector<16xi1>
      %parallel_loop3A_373 = arith.constant true
      %parallel_loop3A_374 = vector.broadcast %parallel_loop3A_373 : i1 to vector<16xi1>
      %parallel_loop3A_375 = tpu.scan <sum>, %parallel_loop3A_356 masked %parallel_loop3A_374 : vector<16xf32>, vector<16xi1> -> vector<16xf32>
      %parallel_loop3A_376 = arith.index_cast %parallel_loop3A_362 : i32 to index
      %parallel_loop3A_377 = tpu.vector_load %arg14[%parallel_loop3A_376] masked %parallel_loop3A_360 {strides = array<i32>} : memref<528xf32, #tpu.memory_space<vmem>>, vector<16xf32>, vector<16xi1>
      tpu.vector_store %arg14[%parallel_loop3A_376], %parallel_loop3A_375 masked %parallel_loop3A_360 {strides = array<i32>} : memref<528xf32, #tpu.memory_space<vmem>>, vector<16xf32>, vector<16xi1>
    } {sc.loop_unroll_factor = 2 : i64, sc.parallel_access}
    %dma_start3A_85 = arith.constant 0 : i32
    %dma_start3A_86 = arith.constant 0 : i32
    %dma_start3A_87 = arith.constant 0 : i32
    %dma_start3A_88 = tpu.memref_slice %arg9[%dma_start3A_85, %dma_start3A_86, %dma_start3A_87] : memref<3x128x128xf32, #tpu.memory_space<vmem>> -> memref<1x128x128xf32, #tpu.memory_space<vmem>>
    %dma_start3A_89 = tpu.memref_squeeze %dma_start3A_88 : memref<1x128x128xf32, #tpu.memory_space<vmem>> -> memref<128x128xf32, #tpu.memory_space<vmem>>
    %dma_start3A_90 = arith.constant 384 : i32
    %dma_start3A_91 = tpu.memref_slice %arg7[%dma_start3A_90] : memref<512xi32, #tpu.memory_space<vmem>> -> memref<128xi32, #tpu.memory_space<vmem>>
    %dma_start3A_92 = arith.constant 0 : i32
    %dma_start3A_93 = arith.constant 0 : i32
    %dma_start3A_94 = tpu.memref_slice %arg4[%dma_start3A_92, %dma_start3A_93] : memref<100000x128xf32, #tpu.memory_space<hbm>> -> memref<100000x128xf32, #tpu.memory_space<hbm>>
    tpu.enqueue_indirect_dma source(%dma_start3A_94 : memref<100000x128xf32, #tpu.memory_space<hbm>>) target(%dma_start3A_89 : memref<128x128xf32, #tpu.memory_space<vmem>>) offsets(%dma_start3A_91 : memref<128xi32, #tpu.memory_space<vmem>>) semaphore(%arg16 : memref<!tpu.dma_semaphore, #tpu.memory_space<semaphore_mem>>)
    %dma_start3A_95 = arith.constant 0 : i32
    %dma_start3A_96 = arith.constant 0 : i32
    %dma_start3A_97 = arith.constant 0 : i32
    %dma_start3A_98 = tpu.memref_slice %arg10[%dma_start3A_95, %dma_start3A_96, %dma_start3A_97] : memref<3x128x128xf32, #tpu.memory_space<vmem>> -> memref<1x128x128xf32, #tpu.memory_space<vmem>>
    %dma_start3A_99 = tpu.memref_squeeze %dma_start3A_98 : memref<1x128x128xf32, #tpu.memory_space<vmem>> -> memref<128x128xf32, #tpu.memory_space<vmem>>
    %dma_start3A_100 = arith.constant 384 : i32
    %dma_start3A_101 = tpu.memref_slice %arg8[%dma_start3A_100] : memref<512xi32, #tpu.memory_space<vmem>> -> memref<128xi32, #tpu.memory_space<vmem>>
    %dma_start3A_102 = arith.constant 0 : i32
    %dma_start3A_103 = arith.constant 0 : i32
    %dma_start3A_104 = tpu.memref_slice %arg4[%dma_start3A_102, %dma_start3A_103] : memref<100000x128xf32, #tpu.memory_space<hbm>> -> memref<100000x128xf32, #tpu.memory_space<hbm>>
    tpu.enqueue_indirect_dma source(%dma_start3A_104 : memref<100000x128xf32, #tpu.memory_space<hbm>>) target(%dma_start3A_99 : memref<128x128xf32, #tpu.memory_space<vmem>>) offsets(%dma_start3A_101 : memref<128xi32, #tpu.memory_space<vmem>>) semaphore(%arg16 : memref<!tpu.dma_semaphore, #tpu.memory_space<semaphore_mem>>)
    %dma_wait3A_105 = arith.constant 1 : i32
    %dma_wait3A_106 = arith.constant 0 : i32
    %dma_wait3A_107 = arith.constant 0 : i32
    %dma_wait3A_108 = tpu.memref_slice %arg9[%dma_wait3A_105, %dma_wait3A_106, %dma_wait3A_107] : memref<3x128x128xf32, #tpu.memory_space<vmem>> -> memref<1x128x128xf32, #tpu.memory_space<vmem>>
    %dma_wait3A_109 = tpu.memref_squeeze %dma_wait3A_108 : memref<1x128x128xf32, #tpu.memory_space<vmem>> -> memref<128x128xf32, #tpu.memory_space<vmem>>
    %dma_wait3A_110 = arith.constant 128 : i32
    %dma_wait3A_111 = tpu.memref_slice %arg7[%dma_wait3A_110] : memref<512xi32, #tpu.memory_space<vmem>> -> memref<128xi32, #tpu.memory_space<vmem>>
    %dma_wait3A_112 = arith.constant 0 : i32
    %dma_wait3A_113 = arith.constant 0 : i32
    %dma_wait3A_114 = tpu.memref_slice %arg4[%dma_wait3A_112, %dma_wait3A_113] : memref<100000x128xf32, #tpu.memory_space<hbm>> -> memref<100000x128xf32, #tpu.memory_space<hbm>>
    tpu.wait_indirect_dma semaphore(%arg17 : memref<!tpu.dma_semaphore, #tpu.memory_space<semaphore_mem>>) src(%dma_wait3A_114 : memref<100000x128xf32, #tpu.memory_space<hbm>>) dst(%dma_wait3A_109 : memref<128x128xf32, #tpu.memory_space<vmem>>)
    %dma_wait3A_115 = arith.constant 1 : i32
    %dma_wait3A_116 = arith.constant 0 : i32
    %dma_wait3A_117 = arith.constant 0 : i32
    %dma_wait3A_118 = tpu.memref_slice %arg10[%dma_wait3A_115, %dma_wait3A_116, %dma_wait3A_117] : memref<3x128x128xf32, #tpu.memory_space<vmem>> -> memref<1x128x128xf32, #tpu.memory_space<vmem>>
    %dma_wait3A_119 = tpu.memref_squeeze %dma_wait3A_118 : memref<1x128x128xf32, #tpu.memory_space<vmem>> -> memref<128x128xf32, #tpu.memory_space<vmem>>
    %dma_wait3A_120 = arith.constant 128 : i32
    %dma_wait3A_121 = tpu.memref_slice %arg8[%dma_wait3A_120] : memref<512xi32, #tpu.memory_space<vmem>> -> memref<128xi32, #tpu.memory_space<vmem>>
    %dma_wait3A_122 = arith.constant 0 : i32
    %dma_wait3A_123 = arith.constant 0 : i32
    %dma_wait3A_124 = tpu.memref_slice %arg4[%dma_wait3A_122, %dma_wait3A_123] : memref<100000x128xf32, #tpu.memory_space<hbm>> -> memref<100000x128xf32, #tpu.memory_space<hbm>>
    tpu.wait_indirect_dma semaphore(%arg17 : memref<!tpu.dma_semaphore, #tpu.memory_space<semaphore_mem>>) src(%dma_wait3A_124 : memref<100000x128xf32, #tpu.memory_space<hbm>>) dst(%dma_wait3A_119 : memref<128x128xf32, #tpu.memory_space<vmem>>)
    %parallel_loop3A_125 = arith.constant 0 : i32
    %parallel_loop3A_126 = arith.constant 128 : i32
    %parallel_loop3A_127 = arith.constant 1 : i32
    %parallel_loop3A_128 = arith.constant 1 : i32
    %parallel_loop3A_129 = arith.constant 1 : i32
    scf.for %parallel_loop3A_190 = %parallel_loop3A_125 to %parallel_loop3A_126 step %parallel_loop3A_127  : i32 {
      %parallel_loop3A_191 = arith.constant 0.000000e+00 : f32
      %parallel_loop3A_192 = vector.broadcast %parallel_loop3A_191 : f32 to vector<16xf32>
      %parallel_loop3A_193 = arith.constant 0.000000e+00 : f32
      %parallel_loop3A_194 = vector.broadcast %parallel_loop3A_193 : f32 to vector<16xf32>
      %parallel_loop3A_195 = arith.constant 0.000000e+00 : f32
      %parallel_loop3A_196 = vector.broadcast %parallel_loop3A_195 : f32 to vector<16xf32>
      %parallel_loop3A_197 = arith.constant 0 : i32
      %parallel_loop3A_198 = arith.constant 0 : i32
      %parallel_loop3A_199 = tpu.memref_slice %arg9[%parallel_loop3A_128, %parallel_loop3A_197, %parallel_loop3A_198] : memref<3x128x128xf32, #tpu.memory_space<vmem>> -> memref<1x128x128xf32, #tpu.memory_space<vmem>>
      %parallel_loop3A_200 = tpu.memref_squeeze %parallel_loop3A_199 : memref<1x128x128xf32, #tpu.memory_space<vmem>> -> memref<128x128xf32, #tpu.memory_space<vmem>>
      %parallel_loop3A_201 = arith.index_cast %parallel_loop3A_190 : i32 to index
      %parallel_loop3A_202 = arith.constant 0 : index
      %parallel_loop3A_203 = tpu.vector_load %parallel_loop3A_200[%parallel_loop3A_201, %parallel_loop3A_202] {strides = array<i32>} : memref<128x128xf32, #tpu.memory_space<vmem>>, vector<16xf32>,
      %parallel_loop3A_204 = arith.constant 0 : i32
      %parallel_loop3A_205 = arith.constant 0 : i32
      %parallel_loop3A_206 = tpu.memref_slice %arg10[%parallel_loop3A_129, %parallel_loop3A_204, %parallel_loop3A_205] : memref<3x128x128xf32, #tpu.memory_space<vmem>> -> memref<1x128x128xf32, #tpu.memory_space<vmem>>
      %parallel_loop3A_207 = tpu.memref_squeeze %parallel_loop3A_206 : memref<1x128x128xf32, #tpu.memory_space<vmem>> -> memref<128x128xf32, #tpu.memory_space<vmem>>
      %parallel_loop3A_208 = arith.index_cast %parallel_loop3A_190 : i32 to index
      %parallel_loop3A_209 = arith.constant 0 : index
      %parallel_loop3A_210 = tpu.vector_load %parallel_loop3A_207[%parallel_loop3A_208, %parallel_loop3A_209] {strides = array<i32>} : memref<128x128xf32, #tpu.memory_space<vmem>>, vector<16xf32>,
      %parallel_loop3A_211 = arith.mulf %parallel_loop3A_203, %parallel_loop3A_210 : vector<16xf32>
      %parallel_loop3A_212 = arith.addf %parallel_loop3A_192, %parallel_loop3A_211 : vector<16xf32>
      %parallel_loop3A_213 = arith.mulf %parallel_loop3A_203, %parallel_loop3A_203 : vector<16xf32>
      %parallel_loop3A_214 = arith.addf %parallel_loop3A_194, %parallel_loop3A_213 : vector<16xf32>
      %parallel_loop3A_215 = arith.mulf %parallel_loop3A_210, %parallel_loop3A_210 : vector<16xf32>
      %parallel_loop3A_216 = arith.addf %parallel_loop3A_196, %parallel_loop3A_215 : vector<16xf32>
      %parallel_loop3A_217 = arith.constant 0 : i32
      %parallel_loop3A_218 = arith.constant 0 : i32
      %parallel_loop3A_219 = tpu.memref_slice %arg9[%parallel_loop3A_128, %parallel_loop3A_217, %parallel_loop3A_218] : memref<3x128x128xf32, #tpu.memory_space<vmem>> -> memref<1x128x128xf32, #tpu.memory_space<vmem>>
      %parallel_loop3A_220 = tpu.memref_squeeze %parallel_loop3A_219 : memref<1x128x128xf32, #tpu.memory_space<vmem>> -> memref<128x128xf32, #tpu.memory_space<vmem>>
      %parallel_loop3A_221 = arith.index_cast %parallel_loop3A_190 : i32 to index
      %parallel_loop3A_222 = arith.constant 16 : index
      %parallel_loop3A_223 = tpu.vector_load %parallel_loop3A_220[%parallel_loop3A_221, %parallel_loop3A_222] {strides = array<i32>} : memref<128x128xf32, #tpu.memory_space<vmem>>, vector<16xf32>,
      %parallel_loop3A_224 = arith.constant 0 : i32
      %parallel_loop3A_225 = arith.constant 0 : i32
      %parallel_loop3A_226 = tpu.memref_slice %arg10[%parallel_loop3A_129, %parallel_loop3A_224, %parallel_loop3A_225] : memref<3x128x128xf32, #tpu.memory_space<vmem>> -> memref<1x128x128xf32, #tpu.memory_space<vmem>>
      %parallel_loop3A_227 = tpu.memref_squeeze %parallel_loop3A_226 : memref<1x128x128xf32, #tpu.memory_space<vmem>> -> memref<128x128xf32, #tpu.memory_space<vmem>>
      %parallel_loop3A_228 = arith.index_cast %parallel_loop3A_190 : i32 to index
      %parallel_loop3A_229 = arith.constant 16 : index
      %parallel_loop3A_230 = tpu.vector_load %parallel_loop3A_227[%parallel_loop3A_228, %parallel_loop3A_229] {strides = array<i32>} : memref<128x128xf32, #tpu.memory_space<vmem>>, vector<16xf32>,
      %parallel_loop3A_231 = arith.mulf %parallel_loop3A_223, %parallel_loop3A_230 : vector<16xf32>
      %parallel_loop3A_232 = arith.addf %parallel_loop3A_212, %parallel_loop3A_231 : vector<16xf32>
      %parallel_loop3A_233 = arith.mulf %parallel_loop3A_223, %parallel_loop3A_223 : vector<16xf32>
      %parallel_loop3A_234 = arith.addf %parallel_loop3A_214, %parallel_loop3A_233 : vector<16xf32>
      %parallel_loop3A_235 = arith.mulf %parallel_loop3A_230, %parallel_loop3A_230 : vector<16xf32>
      %parallel_loop3A_236 = arith.addf %parallel_loop3A_216, %parallel_loop3A_235 : vector<16xf32>
      %parallel_loop3A_237 = arith.constant 0 : i32
      %parallel_loop3A_238 = arith.constant 0 : i32
      %parallel_loop3A_239 = tpu.memref_slice %arg9[%parallel_loop3A_128, %parallel_loop3A_237, %parallel_loop3A_238] : memref<3x128x128xf32, #tpu.memory_space<vmem>> -> memref<1x128x128xf32, #tpu.memory_space<vmem>>
      %parallel_loop3A_240 = tpu.memref_squeeze %parallel_loop3A_239 : memref<1x128x128xf32, #tpu.memory_space<vmem>> -> memref<128x128xf32, #tpu.memory_space<vmem>>
      %parallel_loop3A_241 = arith.index_cast %parallel_loop3A_190 : i32 to index
      %parallel_loop3A_242 = arith.constant 32 : index
      %parallel_loop3A_243 = tpu.vector_load %parallel_loop3A_240[%parallel_loop3A_241, %parallel_loop3A_242] {strides = array<i32>} : memref<128x128xf32, #tpu.memory_space<vmem>>, vector<16xf32>,
      %parallel_loop3A_244 = arith.constant 0 : i32
      %parallel_loop3A_245 = arith.constant 0 : i32
      %parallel_loop3A_246 = tpu.memref_slice %arg10[%parallel_loop3A_129, %parallel_loop3A_244, %parallel_loop3A_245] : memref<3x128x128xf32, #tpu.memory_space<vmem>> -> memref<1x128x128xf32, #tpu.memory_space<vmem>>
      %parallel_loop3A_247 = tpu.memref_squeeze %parallel_loop3A_246 : memref<1x128x128xf32, #tpu.memory_space<vmem>> -> memref<128x128xf32, #tpu.memory_space<vmem>>
      %parallel_loop3A_248 = arith.index_cast %parallel_loop3A_190 : i32 to index
      %parallel_loop3A_249 = arith.constant 32 : index
      %parallel_loop3A_250 = tpu.vector_load %parallel_loop3A_247[%parallel_loop3A_248, %parallel_loop3A_249] {strides = array<i32>} : memref<128x128xf32, #tpu.memory_space<vmem>>, vector<16xf32>,
      %parallel_loop3A_251 = arith.mulf %parallel_loop3A_243, %parallel_loop3A_250 : vector<16xf32>
      %parallel_loop3A_252 = arith.addf %parallel_loop3A_232, %parallel_loop3A_251 : vector<16xf32>
      %parallel_loop3A_253 = arith.mulf %parallel_loop3A_243, %parallel_loop3A_243 : vector<16xf32>
      %parallel_loop3A_254 = arith.addf %parallel_loop3A_234, %parallel_loop3A_253 : vector<16xf32>
      %parallel_loop3A_255 = arith.mulf %parallel_loop3A_250, %parallel_loop3A_250 : vector<16xf32>
      %parallel_loop3A_256 = arith.addf %parallel_loop3A_236, %parallel_loop3A_255 : vector<16xf32>
      %parallel_loop3A_257 = arith.constant 0 : i32
      %parallel_loop3A_258 = arith.constant 0 : i32
      %parallel_loop3A_259 = tpu.memref_slice %arg9[%parallel_loop3A_128, %parallel_loop3A_257, %parallel_loop3A_258] : memref<3x128x128xf32, #tpu.memory_space<vmem>> -> memref<1x128x128xf32, #tpu.memory_space<vmem>>
      %parallel_loop3A_260 = tpu.memref_squeeze %parallel_loop3A_259 : memref<1x128x128xf32, #tpu.memory_space<vmem>> -> memref<128x128xf32, #tpu.memory_space<vmem>>
      %parallel_loop3A_261 = arith.index_cast %parallel_loop3A_190 : i32 to index
      %parallel_loop3A_262 = arith.constant 48 : index
      %parallel_loop3A_263 = tpu.vector_load %parallel_loop3A_260[%parallel_loop3A_261, %parallel_loop3A_262] {strides = array<i32>} : memref<128x128xf32, #tpu.memory_space<vmem>>, vector<16xf32>,
      %parallel_loop3A_264 = arith.constant 0 : i32
      %parallel_loop3A_265 = arith.constant 0 : i32
      %parallel_loop3A_266 = tpu.memref_slice %arg10[%parallel_loop3A_129, %parallel_loop3A_264, %parallel_loop3A_265] : memref<3x128x128xf32, #tpu.memory_space<vmem>> -> memref<1x128x128xf32, #tpu.memory_space<vmem>>
      %parallel_loop3A_267 = tpu.memref_squeeze %parallel_loop3A_266 : memref<1x128x128xf32, #tpu.memory_space<vmem>> -> memref<128x128xf32, #tpu.memory_space<vmem>>
      %parallel_loop3A_268 = arith.index_cast %parallel_loop3A_190 : i32 to index
      %parallel_loop3A_269 = arith.constant 48 : index
      %parallel_loop3A_270 = tpu.vector_load %parallel_loop3A_267[%parallel_loop3A_268, %parallel_loop3A_269] {strides = array<i32>} : memref<128x128xf32, #tpu.memory_space<vmem>>, vector<16xf32>,
      %parallel_loop3A_271 = arith.mulf %parallel_loop3A_263, %parallel_loop3A_270 : vector<16xf32>
      %parallel_loop3A_272 = arith.addf %parallel_loop3A_252, %parallel_loop3A_271 : vector<16xf32>
      %parallel_loop3A_273 = arith.mulf %parallel_loop3A_263, %parallel_loop3A_263 : vector<16xf32>
      %parallel_loop3A_274 = arith.addf %parallel_loop3A_254, %parallel_loop3A_273 : vector<16xf32>
      %parallel_loop3A_275 = arith.mulf %parallel_loop3A_270, %parallel_loop3A_270 : vector<16xf32>
      %parallel_loop3A_276 = arith.addf %parallel_loop3A_256, %parallel_loop3A_275 : vector<16xf32>
      %parallel_loop3A_277 = arith.constant 0 : i32
      %parallel_loop3A_278 = arith.constant 0 : i32
      %parallel_loop3A_279 = tpu.memref_slice %arg9[%parallel_loop3A_128, %parallel_loop3A_277, %parallel_loop3A_278] : memref<3x128x128xf32, #tpu.memory_space<vmem>> -> memref<1x128x128xf32, #tpu.memory_space<vmem>>
      %parallel_loop3A_280 = tpu.memref_squeeze %parallel_loop3A_279 : memref<1x128x128xf32, #tpu.memory_space<vmem>> -> memref<128x128xf32, #tpu.memory_space<vmem>>
      %parallel_loop3A_281 = arith.index_cast %parallel_loop3A_190 : i32 to index
      %parallel_loop3A_282 = arith.constant 64 : index
      %parallel_loop3A_283 = tpu.vector_load %parallel_loop3A_280[%parallel_loop3A_281, %parallel_loop3A_282] {strides = array<i32>} : memref<128x128xf32, #tpu.memory_space<vmem>>, vector<16xf32>,
      %parallel_loop3A_284 = arith.constant 0 : i32
      %parallel_loop3A_285 = arith.constant 0 : i32
      %parallel_loop3A_286 = tpu.memref_slice %arg10[%parallel_loop3A_129, %parallel_loop3A_284, %parallel_loop3A_285] : memref<3x128x128xf32, #tpu.memory_space<vmem>> -> memref<1x128x128xf32, #tpu.memory_space<vmem>>
      %parallel_loop3A_287 = tpu.memref_squeeze %parallel_loop3A_286 : memref<1x128x128xf32, #tpu.memory_space<vmem>> -> memref<128x128xf32, #tpu.memory_space<vmem>>
      %parallel_loop3A_288 = arith.index_cast %parallel_loop3A_190 : i32 to index
      %parallel_loop3A_289 = arith.constant 64 : index
      %parallel_loop3A_290 = tpu.vector_load %parallel_loop3A_287[%parallel_loop3A_288, %parallel_loop3A_289] {strides = array<i32>} : memref<128x128xf32, #tpu.memory_space<vmem>>, vector<16xf32>,
      %parallel_loop3A_291 = arith.mulf %parallel_loop3A_283, %parallel_loop3A_290 : vector<16xf32>
      %parallel_loop3A_292 = arith.addf %parallel_loop3A_272, %parallel_loop3A_291 : vector<16xf32>
      %parallel_loop3A_293 = arith.mulf %parallel_loop3A_283, %parallel_loop3A_283 : vector<16xf32>
      %parallel_loop3A_294 = arith.addf %parallel_loop3A_274, %parallel_loop3A_293 : vector<16xf32>
      %parallel_loop3A_295 = arith.mulf %parallel_loop3A_290, %parallel_loop3A_290 : vector<16xf32>
      %parallel_loop3A_296 = arith.addf %parallel_loop3A_276, %parallel_loop3A_295 : vector<16xf32>
      %parallel_loop3A_297 = arith.constant 0 : i32
      %parallel_loop3A_298 = arith.constant 0 : i32
      %parallel_loop3A_299 = tpu.memref_slice %arg9[%parallel_loop3A_128, %parallel_loop3A_297, %parallel_loop3A_298] : memref<3x128x128xf32, #tpu.memory_space<vmem>> -> memref<1x128x128xf32, #tpu.memory_space<vmem>>
      %parallel_loop3A_300 = tpu.memref_squeeze %parallel_loop3A_299 : memref<1x128x128xf32, #tpu.memory_space<vmem>> -> memref<128x128xf32, #tpu.memory_space<vmem>>
      %parallel_loop3A_301 = arith.index_cast %parallel_loop3A_190 : i32 to index
      %parallel_loop3A_302 = arith.constant 80 : index
      %parallel_loop3A_303 = tpu.vector_load %parallel_loop3A_300[%parallel_loop3A_301, %parallel_loop3A_302] {strides = array<i32>} : memref<128x128xf32, #tpu.memory_space<vmem>>, vector<16xf32>,
      %parallel_loop3A_304 = arith.constant 0 : i32
      %parallel_loop3A_305 = arith.constant 0 : i32
      %parallel_loop3A_306 = tpu.memref_slice %arg10[%parallel_loop3A_129, %parallel_loop3A_304, %parallel_loop3A_305] : memref<3x128x128xf32, #tpu.memory_space<vmem>> -> memref<1x128x128xf32, #tpu.memory_space<vmem>>
      %parallel_loop3A_307 = tpu.memref_squeeze %parallel_loop3A_306 : memref<1x128x128xf32, #tpu.memory_space<vmem>> -> memref<128x128xf32, #tpu.memory_space<vmem>>
      %parallel_loop3A_308 = arith.index_cast %parallel_loop3A_190 : i32 to index
      %parallel_loop3A_309 = arith.constant 80 : index
      %parallel_loop3A_310 = tpu.vector_load %parallel_loop3A_307[%parallel_loop3A_308, %parallel_loop3A_309] {strides = array<i32>} : memref<128x128xf32, #tpu.memory_space<vmem>>, vector<16xf32>,
      %parallel_loop3A_311 = arith.mulf %parallel_loop3A_303, %parallel_loop3A_310 : vector<16xf32>
      %parallel_loop3A_312 = arith.addf %parallel_loop3A_292, %parallel_loop3A_311 : vector<16xf32>
      %parallel_loop3A_313 = arith.mulf %parallel_loop3A_303, %parallel_loop3A_303 : vector<16xf32>
      %parallel_loop3A_314 = arith.addf %parallel_loop3A_294, %parallel_loop3A_313 : vector<16xf32>
      %parallel_loop3A_315 = arith.mulf %parallel_loop3A_310, %parallel_loop3A_310 : vector<16xf32>
      %parallel_loop3A_316 = arith.addf %parallel_loop3A_296, %parallel_loop3A_315 : vector<16xf32>
      %parallel_loop3A_317 = arith.constant 0 : i32
      %parallel_loop3A_318 = arith.constant 0 : i32
      %parallel_loop3A_319 = tpu.memref_slice %arg9[%parallel_loop3A_128, %parallel_loop3A_317, %parallel_loop3A_318] : memref<3x128x128xf32, #tpu.memory_space<vmem>> -> memref<1x128x128xf32, #tpu.memory_space<vmem>>
      %parallel_loop3A_320 = tpu.memref_squeeze %parallel_loop3A_319 : memref<1x128x128xf32, #tpu.memory_space<vmem>> -> memref<128x128xf32, #tpu.memory_space<vmem>>
      %parallel_loop3A_321 = arith.index_cast %parallel_loop3A_190 : i32 to index
      %parallel_loop3A_322 = arith.constant 96 : index
      %parallel_loop3A_323 = tpu.vector_load %parallel_loop3A_320[%parallel_loop3A_321, %parallel_loop3A_322] {strides = array<i32>} : memref<128x128xf32, #tpu.memory_space<vmem>>, vector<16xf32>,
      %parallel_loop3A_324 = arith.constant 0 : i32
      %parallel_loop3A_325 = arith.constant 0 : i32
      %parallel_loop3A_326 = tpu.memref_slice %arg10[%parallel_loop3A_129, %parallel_loop3A_324, %parallel_loop3A_325] : memref<3x128x128xf32, #tpu.memory_space<vmem>> -> memref<1x128x128xf32, #tpu.memory_space<vmem>>
      %parallel_loop3A_327 = tpu.memref_squeeze %parallel_loop3A_326 : memref<1x128x128xf32, #tpu.memory_space<vmem>> -> memref<128x128xf32, #tpu.memory_space<vmem>>
      %parallel_loop3A_328 = arith.index_cast %parallel_loop3A_190 : i32 to index
      %parallel_loop3A_329 = arith.constant 96 : index
      %parallel_loop3A_330 = tpu.vector_load %parallel_loop3A_327[%parallel_loop3A_328, %parallel_loop3A_329] {strides = array<i32>} : memref<128x128xf32, #tpu.memory_space<vmem>>, vector<16xf32>,
      %parallel_loop3A_331 = arith.mulf %parallel_loop3A_323, %parallel_loop3A_330 : vector<16xf32>
      %parallel_loop3A_332 = arith.addf %parallel_loop3A_312, %parallel_loop3A_331 : vector<16xf32>
      %parallel_loop3A_333 = arith.mulf %parallel_loop3A_323, %parallel_loop3A_323 : vector<16xf32>
      %parallel_loop3A_334 = arith.addf %parallel_loop3A_314, %parallel_loop3A_333 : vector<16xf32>
      %parallel_loop3A_335 = arith.mulf %parallel_loop3A_330, %parallel_loop3A_330 : vector<16xf32>
      %parallel_loop3A_336 = arith.addf %parallel_loop3A_316, %parallel_loop3A_335 : vector<16xf32>
      %parallel_loop3A_337 = arith.constant 0 : i32
      %parallel_loop3A_338 = arith.constant 0 : i32
      %parallel_loop3A_339 = tpu.memref_slice %arg9[%parallel_loop3A_128, %parallel_loop3A_337, %parallel_loop3A_338] : memref<3x128x128xf32, #tpu.memory_space<vmem>> -> memref<1x128x128xf32, #tpu.memory_space<vmem>>
      %parallel_loop3A_340 = tpu.memref_squeeze %parallel_loop3A_339 : memref<1x128x128xf32, #tpu.memory_space<vmem>> -> memref<128x128xf32, #tpu.memory_space<vmem>>
      %parallel_loop3A_341 = arith.index_cast %parallel_loop3A_190 : i32 to index
      %parallel_loop3A_342 = arith.constant 112 : index
      %parallel_loop3A_343 = tpu.vector_load %parallel_loop3A_340[%parallel_loop3A_341, %parallel_loop3A_342] {strides = array<i32>} : memref<128x128xf32, #tpu.memory_space<vmem>>, vector<16xf32>,
      %parallel_loop3A_344 = arith.constant 0 : i32
      %parallel_loop3A_345 = arith.constant 0 : i32
      %parallel_loop3A_346 = tpu.memref_slice %arg10[%parallel_loop3A_129, %parallel_loop3A_344, %parallel_loop3A_345] : memref<3x128x128xf32, #tpu.memory_space<vmem>> -> memref<1x128x128xf32, #tpu.memory_space<vmem>>
      %parallel_loop3A_347 = tpu.memref_squeeze %parallel_loop3A_346 : memref<1x128x128xf32, #tpu.memory_space<vmem>> -> memref<128x128xf32, #tpu.memory_space<vmem>>
      %parallel_loop3A_348 = arith.index_cast %parallel_loop3A_190 : i32 to index
      %parallel_loop3A_349 = arith.constant 112 : index
      %parallel_loop3A_350 = tpu.vector_load %parallel_loop3A_347[%parallel_loop3A_348, %parallel_loop3A_349] {strides = array<i32>} : memref<128x128xf32, #tpu.memory_space<vmem>>, vector<16xf32>,
      %parallel_loop3A_351 = arith.mulf %parallel_loop3A_343, %parallel_loop3A_350 : vector<16xf32>
      %parallel_loop3A_352 = arith.addf %parallel_loop3A_332, %parallel_loop3A_351 : vector<16xf32>
      %parallel_loop3A_353 = arith.mulf %parallel_loop3A_343, %parallel_loop3A_343 : vector<16xf32>
      %parallel_loop3A_354 = arith.addf %parallel_loop3A_334, %parallel_loop3A_353 : vector<16xf32>
      %parallel_loop3A_355 = arith.mulf %parallel_loop3A_350, %parallel_loop3A_350 : vector<16xf32>
      %parallel_loop3A_356 = arith.addf %parallel_loop3A_336, %parallel_loop3A_355 : vector<16xf32>
      %parallel_loop3A_357 = tpu.iota {dimensions = array<i32: 0>} : vector<16xi32>
      %parallel_loop3A_358 = arith.constant 15 : i32
      %parallel_loop3A_359 = vector.broadcast %parallel_loop3A_358 : i32 to vector<16xi32>
      %parallel_loop3A_360 = arith.cmpi eq, %parallel_loop3A_357, %parallel_loop3A_359 : vector<16xi32>
      %parallel_loop3A_361 = arith.constant 128 : i32
      %parallel_loop3A_362 = arith.addi %parallel_loop3A_361, %parallel_loop3A_190 : i32
      %parallel_loop3A_363 = arith.constant true
      %parallel_loop3A_364 = vector.broadcast %parallel_loop3A_363 : i1 to vector<16xi1>
      %parallel_loop3A_365 = tpu.scan <sum>, %parallel_loop3A_352 masked %parallel_loop3A_364 : vector<16xf32>, vector<16xi1> -> vector<16xf32>
      %parallel_loop3A_366 = arith.index_cast %parallel_loop3A_362 : i32 to index
      %parallel_loop3A_367 = tpu.vector_load %arg12[%parallel_loop3A_366] masked %parallel_loop3A_360 {strides = array<i32>} : memref<528xf32, #tpu.memory_space<vmem>>, vector<16xf32>, vector<16xi1>
      tpu.vector_store %arg12[%parallel_loop3A_366], %parallel_loop3A_365 masked %parallel_loop3A_360 {strides = array<i32>} : memref<528xf32, #tpu.memory_space<vmem>>, vector<16xf32>, vector<16xi1>
      %parallel_loop3A_368 = arith.constant true
      %parallel_loop3A_369 = vector.broadcast %parallel_loop3A_368 : i1 to vector<16xi1>
      %parallel_loop3A_370 = tpu.scan <sum>, %parallel_loop3A_354 masked %parallel_loop3A_369 : vector<16xf32>, vector<16xi1> -> vector<16xf32>
      %parallel_loop3A_371 = arith.index_cast %parallel_loop3A_362 : i32 to index
      %parallel_loop3A_372 = tpu.vector_load %arg13[%parallel_loop3A_371] masked %parallel_loop3A_360 {strides = array<i32>} : memref<528xf32, #tpu.memory_space<vmem>>, vector<16xf32>, vector<16xi1>
      tpu.vector_store %arg13[%parallel_loop3A_371], %parallel_loop3A_370 masked %parallel_loop3A_360 {strides = array<i32>} : memref<528xf32, #tpu.memory_space<vmem>>, vector<16xf32>, vector<16xi1>
      %parallel_loop3A_373 = arith.constant true
      %parallel_loop3A_374 = vector.broadcast %parallel_loop3A_373 : i1 to vector<16xi1>
      %parallel_loop3A_375 = tpu.scan <sum>, %parallel_loop3A_356 masked %parallel_loop3A_374 : vector<16xf32>, vector<16xi1> -> vector<16xf32>
      %parallel_loop3A_376 = arith.index_cast %parallel_loop3A_362 : i32 to index
      %parallel_loop3A_377 = tpu.vector_load %arg14[%parallel_loop3A_376] masked %parallel_loop3A_360 {strides = array<i32>} : memref<528xf32, #tpu.memory_space<vmem>>, vector<16xf32>, vector<16xi1>
      tpu.vector_store %arg14[%parallel_loop3A_376], %parallel_loop3A_375 masked %parallel_loop3A_360 {strides = array<i32>} : memref<528xf32, #tpu.memory_space<vmem>>, vector<16xf32>, vector<16xi1>
    } {sc.loop_unroll_factor = 2 : i64, sc.parallel_access}
    %dma_wait3A_130 = arith.constant 2 : i32
    %dma_wait3A_131 = arith.constant 0 : i32
    %dma_wait3A_132 = arith.constant 0 : i32
    %dma_wait3A_133 = tpu.memref_slice %arg9[%dma_wait3A_130, %dma_wait3A_131, %dma_wait3A_132] : memref<3x128x128xf32, #tpu.memory_space<vmem>> -> memref<1x128x128xf32, #tpu.memory_space<vmem>>
    %dma_wait3A_134 = tpu.memref_squeeze %dma_wait3A_133 : memref<1x128x128xf32, #tpu.memory_space<vmem>> -> memref<128x128xf32, #tpu.memory_space<vmem>>
    %dma_wait3A_135 = arith.constant 256 : i32
    %dma_wait3A_136 = tpu.memref_slice %arg7[%dma_wait3A_135] : memref<512xi32, #tpu.memory_space<vmem>> -> memref<128xi32, #tpu.memory_space<vmem>>
    %dma_wait3A_137 = arith.constant 0 : i32
    %dma_wait3A_138 = arith.constant 0 : i32
    %dma_wait3A_139 = tpu.memref_slice %arg4[%dma_wait3A_137, %dma_wait3A_138] : memref<100000x128xf32, #tpu.memory_space<hbm>> -> memref<100000x128xf32, #tpu.memory_space<hbm>>
    tpu.wait_indirect_dma semaphore(%arg18 : memref<!tpu.dma_semaphore, #tpu.memory_space<semaphore_mem>>) src(%dma_wait3A_139 : memref<100000x128xf32, #tpu.memory_space<hbm>>) dst(%dma_wait3A_134 : memref<128x128xf32, #tpu.memory_space<vmem>>)
    %dma_wait3A_140 = arith.constant 2 : i32
    %dma_wait3A_141 = arith.constant 0 : i32
    %dma_wait3A_142 = arith.constant 0 : i32
    %dma_wait3A_143 = tpu.memref_slice %arg10[%dma_wait3A_140, %dma_wait3A_141, %dma_wait3A_142] : memref<3x128x128xf32, #tpu.memory_space<vmem>> -> memref<1x128x128xf32, #tpu.memory_space<vmem>>
    %dma_wait3A_144 = tpu.memref_squeeze %dma_wait3A_143 : memref<1x128x128xf32, #tpu.memory_space<vmem>> -> memref<128x128xf32, #tpu.memory_space<vmem>>
    %dma_wait3A_145 = arith.constant 256 : i32
    %dma_wait3A_146 = tpu.memref_slice %arg8[%dma_wait3A_145] : memref<512xi32, #tpu.memory_space<vmem>> -> memref<128xi32, #tpu.memory_space<vmem>>
    %dma_wait3A_147 = arith.constant 0 : i32
    %dma_wait3A_148 = arith.constant 0 : i32
    %dma_wait3A_149 = tpu.memref_slice %arg4[%dma_wait3A_147, %dma_wait3A_148] : memref<100000x128xf32, #tpu.memory_space<hbm>> -> memref<100000x128xf32, #tpu.memory_space<hbm>>
    tpu.wait_indirect_dma semaphore(%arg18 : memref<!tpu.dma_semaphore, #tpu.memory_space<semaphore_mem>>) src(%dma_wait3A_149 : memref<100000x128xf32, #tpu.memory_space<hbm>>) dst(%dma_wait3A_144 : memref<128x128xf32, #tpu.memory_space<vmem>>)
    %parallel_loop3A_150 = arith.constant 0 : i32
    %parallel_loop3A_151 = arith.constant 128 : i32
    %parallel_loop3A_152 = arith.constant 1 : i32
    %parallel_loop3A_153 = arith.constant 2 : i32
    %parallel_loop3A_154 = arith.constant 2 : i32
    scf.for %parallel_loop3A_190 = %parallel_loop3A_150 to %parallel_loop3A_151 step %parallel_loop3A_152  : i32 {
      %parallel_loop3A_191 = arith.constant 0.000000e+00 : f32
      %parallel_loop3A_192 = vector.broadcast %parallel_loop3A_191 : f32 to vector<16xf32>
      %parallel_loop3A_193 = arith.constant 0.000000e+00 : f32
      %parallel_loop3A_194 = vector.broadcast %parallel_loop3A_193 : f32 to vector<16xf32>
      %parallel_loop3A_195 = arith.constant 0.000000e+00 : f32
      %parallel_loop3A_196 = vector.broadcast %parallel_loop3A_195 : f32 to vector<16xf32>
      %parallel_loop3A_197 = arith.constant 0 : i32
      %parallel_loop3A_198 = arith.constant 0 : i32
      %parallel_loop3A_199 = tpu.memref_slice %arg9[%parallel_loop3A_153, %parallel_loop3A_197, %parallel_loop3A_198] : memref<3x128x128xf32, #tpu.memory_space<vmem>> -> memref<1x128x128xf32, #tpu.memory_space<vmem>>
      %parallel_loop3A_200 = tpu.memref_squeeze %parallel_loop3A_199 : memref<1x128x128xf32, #tpu.memory_space<vmem>> -> memref<128x128xf32, #tpu.memory_space<vmem>>
      %parallel_loop3A_201 = arith.index_cast %parallel_loop3A_190 : i32 to index
      %parallel_loop3A_202 = arith.constant 0 : index
      %parallel_loop3A_203 = tpu.vector_load %parallel_loop3A_200[%parallel_loop3A_201, %parallel_loop3A_202] {strides = array<i32>} : memref<128x128xf32, #tpu.memory_space<vmem>>, vector<16xf32>,
      %parallel_loop3A_204 = arith.constant 0 : i32
      %parallel_loop3A_205 = arith.constant 0 : i32
      %parallel_loop3A_206 = tpu.memref_slice %arg10[%parallel_loop3A_154, %parallel_loop3A_204, %parallel_loop3A_205] : memref<3x128x128xf32, #tpu.memory_space<vmem>> -> memref<1x128x128xf32, #tpu.memory_space<vmem>>
      %parallel_loop3A_207 = tpu.memref_squeeze %parallel_loop3A_206 : memref<1x128x128xf32, #tpu.memory_space<vmem>> -> memref<128x128xf32, #tpu.memory_space<vmem>>
      %parallel_loop3A_208 = arith.index_cast %parallel_loop3A_190 : i32 to index
      %parallel_loop3A_209 = arith.constant 0 : index
      %parallel_loop3A_210 = tpu.vector_load %parallel_loop3A_207[%parallel_loop3A_208, %parallel_loop3A_209] {strides = array<i32>} : memref<128x128xf32, #tpu.memory_space<vmem>>, vector<16xf32>,
      %parallel_loop3A_211 = arith.mulf %parallel_loop3A_203, %parallel_loop3A_210 : vector<16xf32>
      %parallel_loop3A_212 = arith.addf %parallel_loop3A_192, %parallel_loop3A_211 : vector<16xf32>
      %parallel_loop3A_213 = arith.mulf %parallel_loop3A_203, %parallel_loop3A_203 : vector<16xf32>
      %parallel_loop3A_214 = arith.addf %parallel_loop3A_194, %parallel_loop3A_213 : vector<16xf32>
      %parallel_loop3A_215 = arith.mulf %parallel_loop3A_210, %parallel_loop3A_210 : vector<16xf32>
      %parallel_loop3A_216 = arith.addf %parallel_loop3A_196, %parallel_loop3A_215 : vector<16xf32>
      %parallel_loop3A_217 = arith.constant 0 : i32
      %parallel_loop3A_218 = arith.constant 0 : i32
      %parallel_loop3A_219 = tpu.memref_slice %arg9[%parallel_loop3A_153, %parallel_loop3A_217, %parallel_loop3A_218] : memref<3x128x128xf32, #tpu.memory_space<vmem>> -> memref<1x128x128xf32, #tpu.memory_space<vmem>>
      %parallel_loop3A_220 = tpu.memref_squeeze %parallel_loop3A_219 : memref<1x128x128xf32, #tpu.memory_space<vmem>> -> memref<128x128xf32, #tpu.memory_space<vmem>>
      %parallel_loop3A_221 = arith.index_cast %parallel_loop3A_190 : i32 to index
      %parallel_loop3A_222 = arith.constant 16 : index
      %parallel_loop3A_223 = tpu.vector_load %parallel_loop3A_220[%parallel_loop3A_221, %parallel_loop3A_222] {strides = array<i32>} : memref<128x128xf32, #tpu.memory_space<vmem>>, vector<16xf32>,
      %parallel_loop3A_224 = arith.constant 0 : i32
      %parallel_loop3A_225 = arith.constant 0 : i32
      %parallel_loop3A_226 = tpu.memref_slice %arg10[%parallel_loop3A_154, %parallel_loop3A_224, %parallel_loop3A_225] : memref<3x128x128xf32, #tpu.memory_space<vmem>> -> memref<1x128x128xf32, #tpu.memory_space<vmem>>
      %parallel_loop3A_227 = tpu.memref_squeeze %parallel_loop3A_226 : memref<1x128x128xf32, #tpu.memory_space<vmem>> -> memref<128x128xf32, #tpu.memory_space<vmem>>
      %parallel_loop3A_228 = arith.index_cast %parallel_loop3A_190 : i32 to index
      %parallel_loop3A_229 = arith.constant 16 : index
      %parallel_loop3A_230 = tpu.vector_load %parallel_loop3A_227[%parallel_loop3A_228, %parallel_loop3A_229] {strides = array<i32>} : memref<128x128xf32, #tpu.memory_space<vmem>>, vector<16xf32>,
      %parallel_loop3A_231 = arith.mulf %parallel_loop3A_223, %parallel_loop3A_230 : vector<16xf32>
      %parallel_loop3A_232 = arith.addf %parallel_loop3A_212, %parallel_loop3A_231 : vector<16xf32>
      %parallel_loop3A_233 = arith.mulf %parallel_loop3A_223, %parallel_loop3A_223 : vector<16xf32>
      %parallel_loop3A_234 = arith.addf %parallel_loop3A_214, %parallel_loop3A_233 : vector<16xf32>
      %parallel_loop3A_235 = arith.mulf %parallel_loop3A_230, %parallel_loop3A_230 : vector<16xf32>
      %parallel_loop3A_236 = arith.addf %parallel_loop3A_216, %parallel_loop3A_235 : vector<16xf32>
      %parallel_loop3A_237 = arith.constant 0 : i32
      %parallel_loop3A_238 = arith.constant 0 : i32
      %parallel_loop3A_239 = tpu.memref_slice %arg9[%parallel_loop3A_153, %parallel_loop3A_237, %parallel_loop3A_238] : memref<3x128x128xf32, #tpu.memory_space<vmem>> -> memref<1x128x128xf32, #tpu.memory_space<vmem>>
      %parallel_loop3A_240 = tpu.memref_squeeze %parallel_loop3A_239 : memref<1x128x128xf32, #tpu.memory_space<vmem>> -> memref<128x128xf32, #tpu.memory_space<vmem>>
      %parallel_loop3A_241 = arith.index_cast %parallel_loop3A_190 : i32 to index
      %parallel_loop3A_242 = arith.constant 32 : index
      %parallel_loop3A_243 = tpu.vector_load %parallel_loop3A_240[%parallel_loop3A_241, %parallel_loop3A_242] {strides = array<i32>} : memref<128x128xf32, #tpu.memory_space<vmem>>, vector<16xf32>,
      %parallel_loop3A_244 = arith.constant 0 : i32
      %parallel_loop3A_245 = arith.constant 0 : i32
      %parallel_loop3A_246 = tpu.memref_slice %arg10[%parallel_loop3A_154, %parallel_loop3A_244, %parallel_loop3A_245] : memref<3x128x128xf32, #tpu.memory_space<vmem>> -> memref<1x128x128xf32, #tpu.memory_space<vmem>>
      %parallel_loop3A_247 = tpu.memref_squeeze %parallel_loop3A_246 : memref<1x128x128xf32, #tpu.memory_space<vmem>> -> memref<128x128xf32, #tpu.memory_space<vmem>>
      %parallel_loop3A_248 = arith.index_cast %parallel_loop3A_190 : i32 to index
      %parallel_loop3A_249 = arith.constant 32 : index
      %parallel_loop3A_250 = tpu.vector_load %parallel_loop3A_247[%parallel_loop3A_248, %parallel_loop3A_249] {strides = array<i32>} : memref<128x128xf32, #tpu.memory_space<vmem>>, vector<16xf32>,
      %parallel_loop3A_251 = arith.mulf %parallel_loop3A_243, %parallel_loop3A_250 : vector<16xf32>
      %parallel_loop3A_252 = arith.addf %parallel_loop3A_232, %parallel_loop3A_251 : vector<16xf32>
      %parallel_loop3A_253 = arith.mulf %parallel_loop3A_243, %parallel_loop3A_243 : vector<16xf32>
      %parallel_loop3A_254 = arith.addf %parallel_loop3A_234, %parallel_loop3A_253 : vector<16xf32>
      %parallel_loop3A_255 = arith.mulf %parallel_loop3A_250, %parallel_loop3A_250 : vector<16xf32>
      %parallel_loop3A_256 = arith.addf %parallel_loop3A_236, %parallel_loop3A_255 : vector<16xf32>
      %parallel_loop3A_257 = arith.constant 0 : i32
      %parallel_loop3A_258 = arith.constant 0 : i32
      %parallel_loop3A_259 = tpu.memref_slice %arg9[%parallel_loop3A_153, %parallel_loop3A_257, %parallel_loop3A_258] : memref<3x128x128xf32, #tpu.memory_space<vmem>> -> memref<1x128x128xf32, #tpu.memory_space<vmem>>
      %parallel_loop3A_260 = tpu.memref_squeeze %parallel_loop3A_259 : memref<1x128x128xf32, #tpu.memory_space<vmem>> -> memref<128x128xf32, #tpu.memory_space<vmem>>
      %parallel_loop3A_261 = arith.index_cast %parallel_loop3A_190 : i32 to index
      %parallel_loop3A_262 = arith.constant 48 : index
      %parallel_loop3A_263 = tpu.vector_load %parallel_loop3A_260[%parallel_loop3A_261, %parallel_loop3A_262] {strides = array<i32>} : memref<128x128xf32, #tpu.memory_space<vmem>>, vector<16xf32>,
      %parallel_loop3A_264 = arith.constant 0 : i32
      %parallel_loop3A_265 = arith.constant 0 : i32
      %parallel_loop3A_266 = tpu.memref_slice %arg10[%parallel_loop3A_154, %parallel_loop3A_264, %parallel_loop3A_265] : memref<3x128x128xf32, #tpu.memory_space<vmem>> -> memref<1x128x128xf32, #tpu.memory_space<vmem>>
      %parallel_loop3A_267 = tpu.memref_squeeze %parallel_loop3A_266 : memref<1x128x128xf32, #tpu.memory_space<vmem>> -> memref<128x128xf32, #tpu.memory_space<vmem>>
      %parallel_loop3A_268 = arith.index_cast %parallel_loop3A_190 : i32 to index
      %parallel_loop3A_269 = arith.constant 48 : index
      %parallel_loop3A_270 = tpu.vector_load %parallel_loop3A_267[%parallel_loop3A_268, %parallel_loop3A_269] {strides = array<i32>} : memref<128x128xf32, #tpu.memory_space<vmem>>, vector<16xf32>,
      %parallel_loop3A_271 = arith.mulf %parallel_loop3A_263, %parallel_loop3A_270 : vector<16xf32>
      %parallel_loop3A_272 = arith.addf %parallel_loop3A_252, %parallel_loop3A_271 : vector<16xf32>
      %parallel_loop3A_273 = arith.mulf %parallel_loop3A_263, %parallel_loop3A_263 : vector<16xf32>
      %parallel_loop3A_274 = arith.addf %parallel_loop3A_254, %parallel_loop3A_273 : vector<16xf32>
      %parallel_loop3A_275 = arith.mulf %parallel_loop3A_270, %parallel_loop3A_270 : vector<16xf32>
      %parallel_loop3A_276 = arith.addf %parallel_loop3A_256, %parallel_loop3A_275 : vector<16xf32>
      %parallel_loop3A_277 = arith.constant 0 : i32
      %parallel_loop3A_278 = arith.constant 0 : i32
      %parallel_loop3A_279 = tpu.memref_slice %arg9[%parallel_loop3A_153, %parallel_loop3A_277, %parallel_loop3A_278] : memref<3x128x128xf32, #tpu.memory_space<vmem>> -> memref<1x128x128xf32, #tpu.memory_space<vmem>>
      %parallel_loop3A_280 = tpu.memref_squeeze %parallel_loop3A_279 : memref<1x128x128xf32, #tpu.memory_space<vmem>> -> memref<128x128xf32, #tpu.memory_space<vmem>>
      %parallel_loop3A_281 = arith.index_cast %parallel_loop3A_190 : i32 to index
      %parallel_loop3A_282 = arith.constant 64 : index
      %parallel_loop3A_283 = tpu.vector_load %parallel_loop3A_280[%parallel_loop3A_281, %parallel_loop3A_282] {strides = array<i32>} : memref<128x128xf32, #tpu.memory_space<vmem>>, vector<16xf32>,
      %parallel_loop3A_284 = arith.constant 0 : i32
      %parallel_loop3A_285 = arith.constant 0 : i32
      %parallel_loop3A_286 = tpu.memref_slice %arg10[%parallel_loop3A_154, %parallel_loop3A_284, %parallel_loop3A_285] : memref<3x128x128xf32, #tpu.memory_space<vmem>> -> memref<1x128x128xf32, #tpu.memory_space<vmem>>
      %parallel_loop3A_287 = tpu.memref_squeeze %parallel_loop3A_286 : memref<1x128x128xf32, #tpu.memory_space<vmem>> -> memref<128x128xf32, #tpu.memory_space<vmem>>
      %parallel_loop3A_288 = arith.index_cast %parallel_loop3A_190 : i32 to index
      %parallel_loop3A_289 = arith.constant 64 : index
      %parallel_loop3A_290 = tpu.vector_load %parallel_loop3A_287[%parallel_loop3A_288, %parallel_loop3A_289] {strides = array<i32>} : memref<128x128xf32, #tpu.memory_space<vmem>>, vector<16xf32>,
      %parallel_loop3A_291 = arith.mulf %parallel_loop3A_283, %parallel_loop3A_290 : vector<16xf32>
      %parallel_loop3A_292 = arith.addf %parallel_loop3A_272, %parallel_loop3A_291 : vector<16xf32>
      %parallel_loop3A_293 = arith.mulf %parallel_loop3A_283, %parallel_loop3A_283 : vector<16xf32>
      %parallel_loop3A_294 = arith.addf %parallel_loop3A_274, %parallel_loop3A_293 : vector<16xf32>
      %parallel_loop3A_295 = arith.mulf %parallel_loop3A_290, %parallel_loop3A_290 : vector<16xf32>
      %parallel_loop3A_296 = arith.addf %parallel_loop3A_276, %parallel_loop3A_295 : vector<16xf32>
      %parallel_loop3A_297 = arith.constant 0 : i32
      %parallel_loop3A_298 = arith.constant 0 : i32
      %parallel_loop3A_299 = tpu.memref_slice %arg9[%parallel_loop3A_153, %parallel_loop3A_297, %parallel_loop3A_298] : memref<3x128x128xf32, #tpu.memory_space<vmem>> -> memref<1x128x128xf32, #tpu.memory_space<vmem>>
      %parallel_loop3A_300 = tpu.memref_squeeze %parallel_loop3A_299 : memref<1x128x128xf32, #tpu.memory_space<vmem>> -> memref<128x128xf32, #tpu.memory_space<vmem>>
      %parallel_loop3A_301 = arith.index_cast %parallel_loop3A_190 : i32 to index
      %parallel_loop3A_302 = arith.constant 80 : index
      %parallel_loop3A_303 = tpu.vector_load %parallel_loop3A_300[%parallel_loop3A_301, %parallel_loop3A_302] {strides = array<i32>} : memref<128x128xf32, #tpu.memory_space<vmem>>, vector<16xf32>,
      %parallel_loop3A_304 = arith.constant 0 : i32
      %parallel_loop3A_305 = arith.constant 0 : i32
      %parallel_loop3A_306 = tpu.memref_slice %arg10[%parallel_loop3A_154, %parallel_loop3A_304, %parallel_loop3A_305] : memref<3x128x128xf32, #tpu.memory_space<vmem>> -> memref<1x128x128xf32, #tpu.memory_space<vmem>>
      %parallel_loop3A_307 = tpu.memref_squeeze %parallel_loop3A_306 : memref<1x128x128xf32, #tpu.memory_space<vmem>> -> memref<128x128xf32, #tpu.memory_space<vmem>>
      %parallel_loop3A_308 = arith.index_cast %parallel_loop3A_190 : i32 to index
      %parallel_loop3A_309 = arith.constant 80 : index
      %parallel_loop3A_310 = tpu.vector_load %parallel_loop3A_307[%parallel_loop3A_308, %parallel_loop3A_309] {strides = array<i32>} : memref<128x128xf32, #tpu.memory_space<vmem>>, vector<16xf32>,
      %parallel_loop3A_311 = arith.mulf %parallel_loop3A_303, %parallel_loop3A_310 : vector<16xf32>
      %parallel_loop3A_312 = arith.addf %parallel_loop3A_292, %parallel_loop3A_311 : vector<16xf32>
      %parallel_loop3A_313 = arith.mulf %parallel_loop3A_303, %parallel_loop3A_303 : vector<16xf32>
      %parallel_loop3A_314 = arith.addf %parallel_loop3A_294, %parallel_loop3A_313 : vector<16xf32>
      %parallel_loop3A_315 = arith.mulf %parallel_loop3A_310, %parallel_loop3A_310 : vector<16xf32>
      %parallel_loop3A_316 = arith.addf %parallel_loop3A_296, %parallel_loop3A_315 : vector<16xf32>
      %parallel_loop3A_317 = arith.constant 0 : i32
      %parallel_loop3A_318 = arith.constant 0 : i32
      %parallel_loop3A_319 = tpu.memref_slice %arg9[%parallel_loop3A_153, %parallel_loop3A_317, %parallel_loop3A_318] : memref<3x128x128xf32, #tpu.memory_space<vmem>> -> memref<1x128x128xf32, #tpu.memory_space<vmem>>
      %parallel_loop3A_320 = tpu.memref_squeeze %parallel_loop3A_319 : memref<1x128x128xf32, #tpu.memory_space<vmem>> -> memref<128x128xf32, #tpu.memory_space<vmem>>
      %parallel_loop3A_321 = arith.index_cast %parallel_loop3A_190 : i32 to index
      %parallel_loop3A_322 = arith.constant 96 : index
      %parallel_loop3A_323 = tpu.vector_load %parallel_loop3A_320[%parallel_loop3A_321, %parallel_loop3A_322] {strides = array<i32>} : memref<128x128xf32, #tpu.memory_space<vmem>>, vector<16xf32>,
      %parallel_loop3A_324 = arith.constant 0 : i32
      %parallel_loop3A_325 = arith.constant 0 : i32
      %parallel_loop3A_326 = tpu.memref_slice %arg10[%parallel_loop3A_154, %parallel_loop3A_324, %parallel_loop3A_325] : memref<3x128x128xf32, #tpu.memory_space<vmem>> -> memref<1x128x128xf32, #tpu.memory_space<vmem>>
      %parallel_loop3A_327 = tpu.memref_squeeze %parallel_loop3A_326 : memref<1x128x128xf32, #tpu.memory_space<vmem>> -> memref<128x128xf32, #tpu.memory_space<vmem>>
      %parallel_loop3A_328 = arith.index_cast %parallel_loop3A_190 : i32 to index
      %parallel_loop3A_329 = arith.constant 96 : index
      %parallel_loop3A_330 = tpu.vector_load %parallel_loop3A_327[%parallel_loop3A_328, %parallel_loop3A_329] {strides = array<i32>} : memref<128x128xf32, #tpu.memory_space<vmem>>, vector<16xf32>,
      %parallel_loop3A_331 = arith.mulf %parallel_loop3A_323, %parallel_loop3A_330 : vector<16xf32>
      %parallel_loop3A_332 = arith.addf %parallel_loop3A_312, %parallel_loop3A_331 : vector<16xf32>
      %parallel_loop3A_333 = arith.mulf %parallel_loop3A_323, %parallel_loop3A_323 : vector<16xf32>
      %parallel_loop3A_334 = arith.addf %parallel_loop3A_314, %parallel_loop3A_333 : vector<16xf32>
      %parallel_loop3A_335 = arith.mulf %parallel_loop3A_330, %parallel_loop3A_330 : vector<16xf32>
      %parallel_loop3A_336 = arith.addf %parallel_loop3A_316, %parallel_loop3A_335 : vector<16xf32>
      %parallel_loop3A_337 = arith.constant 0 : i32
      %parallel_loop3A_338 = arith.constant 0 : i32
      %parallel_loop3A_339 = tpu.memref_slice %arg9[%parallel_loop3A_153, %parallel_loop3A_337, %parallel_loop3A_338] : memref<3x128x128xf32, #tpu.memory_space<vmem>> -> memref<1x128x128xf32, #tpu.memory_space<vmem>>
      %parallel_loop3A_340 = tpu.memref_squeeze %parallel_loop3A_339 : memref<1x128x128xf32, #tpu.memory_space<vmem>> -> memref<128x128xf32, #tpu.memory_space<vmem>>
      %parallel_loop3A_341 = arith.index_cast %parallel_loop3A_190 : i32 to index
      %parallel_loop3A_342 = arith.constant 112 : index
      %parallel_loop3A_343 = tpu.vector_load %parallel_loop3A_340[%parallel_loop3A_341, %parallel_loop3A_342] {strides = array<i32>} : memref<128x128xf32, #tpu.memory_space<vmem>>, vector<16xf32>,
      %parallel_loop3A_344 = arith.constant 0 : i32
      %parallel_loop3A_345 = arith.constant 0 : i32
      %parallel_loop3A_346 = tpu.memref_slice %arg10[%parallel_loop3A_154, %parallel_loop3A_344, %parallel_loop3A_345] : memref<3x128x128xf32, #tpu.memory_space<vmem>> -> memref<1x128x128xf32, #tpu.memory_space<vmem>>
      %parallel_loop3A_347 = tpu.memref_squeeze %parallel_loop3A_346 : memref<1x128x128xf32, #tpu.memory_space<vmem>> -> memref<128x128xf32, #tpu.memory_space<vmem>>
      %parallel_loop3A_348 = arith.index_cast %parallel_loop3A_190 : i32 to index
      %parallel_loop3A_349 = arith.constant 112 : index
      %parallel_loop3A_350 = tpu.vector_load %parallel_loop3A_347[%parallel_loop3A_348, %parallel_loop3A_349] {strides = array<i32>} : memref<128x128xf32, #tpu.memory_space<vmem>>, vector<16xf32>,
      %parallel_loop3A_351 = arith.mulf %parallel_loop3A_343, %parallel_loop3A_350 : vector<16xf32>
      %parallel_loop3A_352 = arith.addf %parallel_loop3A_332, %parallel_loop3A_351 : vector<16xf32>
      %parallel_loop3A_353 = arith.mulf %parallel_loop3A_343, %parallel_loop3A_343 : vector<16xf32>
      %parallel_loop3A_354 = arith.addf %parallel_loop3A_334, %parallel_loop3A_353 : vector<16xf32>
      %parallel_loop3A_355 = arith.mulf %parallel_loop3A_350, %parallel_loop3A_350 : vector<16xf32>
      %parallel_loop3A_356 = arith.addf %parallel_loop3A_336, %parallel_loop3A_355 : vector<16xf32>
      %parallel_loop3A_357 = tpu.iota {dimensions = array<i32: 0>} : vector<16xi32>
      %parallel_loop3A_358 = arith.constant 15 : i32
      %parallel_loop3A_359 = vector.broadcast %parallel_loop3A_358 : i32 to vector<16xi32>
      %parallel_loop3A_360 = arith.cmpi eq, %parallel_loop3A_357, %parallel_loop3A_359 : vector<16xi32>
      %parallel_loop3A_361 = arith.constant 256 : i32
      %parallel_loop3A_362 = arith.addi %parallel_loop3A_361, %parallel_loop3A_190 : i32
      %parallel_loop3A_363 = arith.constant true
      %parallel_loop3A_364 = vector.broadcast %parallel_loop3A_363 : i1 to vector<16xi1>
      %parallel_loop3A_365 = tpu.scan <sum>, %parallel_loop3A_352 masked %parallel_loop3A_364 : vector<16xf32>, vector<16xi1> -> vector<16xf32>
      %parallel_loop3A_366 = arith.index_cast %parallel_loop3A_362 : i32 to index
      %parallel_loop3A_367 = tpu.vector_load %arg12[%parallel_loop3A_366] masked %parallel_loop3A_360 {strides = array<i32>} : memref<528xf32, #tpu.memory_space<vmem>>, vector<16xf32>, vector<16xi1>
      tpu.vector_store %arg12[%parallel_loop3A_366], %parallel_loop3A_365 masked %parallel_loop3A_360 {strides = array<i32>} : memref<528xf32, #tpu.memory_space<vmem>>, vector<16xf32>, vector<16xi1>
      %parallel_loop3A_368 = arith.constant true
      %parallel_loop3A_369 = vector.broadcast %parallel_loop3A_368 : i1 to vector<16xi1>
      %parallel_loop3A_370 = tpu.scan <sum>, %parallel_loop3A_354 masked %parallel_loop3A_369 : vector<16xf32>, vector<16xi1> -> vector<16xf32>
      %parallel_loop3A_371 = arith.index_cast %parallel_loop3A_362 : i32 to index
      %parallel_loop3A_372 = tpu.vector_load %arg13[%parallel_loop3A_371] masked %parallel_loop3A_360 {strides = array<i32>} : memref<528xf32, #tpu.memory_space<vmem>>, vector<16xf32>, vector<16xi1>
      tpu.vector_store %arg13[%parallel_loop3A_371], %parallel_loop3A_370 masked %parallel_loop3A_360 {strides = array<i32>} : memref<528xf32, #tpu.memory_space<vmem>>, vector<16xf32>, vector<16xi1>
      %parallel_loop3A_373 = arith.constant true
      %parallel_loop3A_374 = vector.broadcast %parallel_loop3A_373 : i1 to vector<16xi1>
      %parallel_loop3A_375 = tpu.scan <sum>, %parallel_loop3A_356 masked %parallel_loop3A_374 : vector<16xf32>, vector<16xi1> -> vector<16xf32>
      %parallel_loop3A_376 = arith.index_cast %parallel_loop3A_362 : i32 to index
      %parallel_loop3A_377 = tpu.vector_load %arg14[%parallel_loop3A_376] masked %parallel_loop3A_360 {strides = array<i32>} : memref<528xf32, #tpu.memory_space<vmem>>, vector<16xf32>, vector<16xi1>
      tpu.vector_store %arg14[%parallel_loop3A_376], %parallel_loop3A_375 masked %parallel_loop3A_360 {strides = array<i32>} : memref<528xf32, #tpu.memory_space<vmem>>, vector<16xf32>, vector<16xi1>
    } {sc.loop_unroll_factor = 2 : i64, sc.parallel_access}
    %dma_wait3A_155 = arith.constant 0 : i32
    %dma_wait3A_156 = arith.constant 0 : i32
    %dma_wait3A_157 = arith.constant 0 : i32
    %dma_wait3A_158 = tpu.memref_slice %arg9[%dma_wait3A_155, %dma_wait3A_156, %dma_wait3A_157] : memref<3x128x128xf32, #tpu.memory_space<vmem>> -> memref<1x128x128xf32, #tpu.memory_space<vmem>>
    %dma_wait3A_159 = tpu.memref_squeeze %dma_wait3A_158 : memref<1x128x128xf32, #tpu.memory_space<vmem>> -> memref<128x128xf32, #tpu.memory_space<vmem>>
    %dma_wait3A_160 = arith.constant 384 : i32
    %dma_wait3A_161 = tpu.memref_slice %arg7[%dma_wait3A_160] : memref<512xi32, #tpu.memory_space<vmem>> -> memref<128xi32, #tpu.memory_space<vmem>>
    %dma_wait3A_162 = arith.constant 0 : i32
    %dma_wait3A_163 = arith.constant 0 : i32
    %dma_wait3A_164 = tpu.memref_slice %arg4[%dma_wait3A_162, %dma_wait3A_163] : memref<100000x128xf32, #tpu.memory_space<hbm>> -> memref<100000x128xf32, #tpu.memory_space<hbm>>
    tpu.wait_indirect_dma semaphore(%arg16 : memref<!tpu.dma_semaphore, #tpu.memory_space<semaphore_mem>>) src(%dma_wait3A_164 : memref<100000x128xf32, #tpu.memory_space<hbm>>) dst(%dma_wait3A_159 : memref<128x128xf32, #tpu.memory_space<vmem>>)
    %dma_wait3A_165 = arith.constant 0 : i32
    %dma_wait3A_166 = arith.constant 0 : i32
    %dma_wait3A_167 = arith.constant 0 : i32
    %dma_wait3A_168 = tpu.memref_slice %arg10[%dma_wait3A_165, %dma_wait3A_166, %dma_wait3A_167] : memref<3x128x128xf32, #tpu.memory_space<vmem>> -> memref<1x128x128xf32, #tpu.memory_space<vmem>>
    %dma_wait3A_169 = tpu.memref_squeeze %dma_wait3A_168 : memref<1x128x128xf32, #tpu.memory_space<vmem>> -> memref<128x128xf32, #tpu.memory_space<vmem>>
    %dma_wait3A_170 = arith.constant 384 : i32
    %dma_wait3A_171 = tpu.memref_slice %arg8[%dma_wait3A_170] : memref<512xi32, #tpu.memory_space<vmem>> -> memref<128xi32, #tpu.memory_space<vmem>>
    %dma_wait3A_172 = arith.constant 0 : i32
    %dma_wait3A_173 = arith.constant 0 : i32
    %dma_wait3A_174 = tpu.memref_slice %arg4[%dma_wait3A_172, %dma_wait3A_173] : memref<100000x128xf32, #tpu.memory_space<hbm>> -> memref<100000x128xf32, #tpu.memory_space<hbm>>
    tpu.wait_indirect_dma semaphore(%arg16 : memref<!tpu.dma_semaphore, #tpu.memory_space<semaphore_mem>>) src(%dma_wait3A_174 : memref<100000x128xf32, #tpu.memory_space<hbm>>) dst(%dma_wait3A_169 : memref<128x128xf32, #tpu.memory_space<vmem>>)
    %parallel_loop3A_175 = arith.constant 0 : i32
    %parallel_loop3A_176 = arith.constant 128 : i32
    %parallel_loop3A_177 = arith.constant 1 : i32
    %parallel_loop3A_178 = arith.constant 0 : i32
    %parallel_loop3A_179 = arith.constant 0 : i32
    scf.for %parallel_loop3A_190 = %parallel_loop3A_175 to %parallel_loop3A_176 step %parallel_loop3A_177  : i32 {
      %parallel_loop3A_191 = arith.constant 0.000000e+00 : f32
      %parallel_loop3A_192 = vector.broadcast %parallel_loop3A_191 : f32 to vector<16xf32>
      %parallel_loop3A_193 = arith.constant 0.000000e+00 : f32
      %parallel_loop3A_194 = vector.broadcast %parallel_loop3A_193 : f32 to vector<16xf32>
      %parallel_loop3A_195 = arith.constant 0.000000e+00 : f32
      %parallel_loop3A_196 = vector.broadcast %parallel_loop3A_195 : f32 to vector<16xf32>
      %parallel_loop3A_197 = arith.constant 0 : i32
      %parallel_loop3A_198 = arith.constant 0 : i32
      %parallel_loop3A_199 = tpu.memref_slice %arg9[%parallel_loop3A_178, %parallel_loop3A_197, %parallel_loop3A_198] : memref<3x128x128xf32, #tpu.memory_space<vmem>> -> memref<1x128x128xf32, #tpu.memory_space<vmem>>
      %parallel_loop3A_200 = tpu.memref_squeeze %parallel_loop3A_199 : memref<1x128x128xf32, #tpu.memory_space<vmem>> -> memref<128x128xf32, #tpu.memory_space<vmem>>
      %parallel_loop3A_201 = arith.index_cast %parallel_loop3A_190 : i32 to index
      %parallel_loop3A_202 = arith.constant 0 : index
      %parallel_loop3A_203 = tpu.vector_load %parallel_loop3A_200[%parallel_loop3A_201, %parallel_loop3A_202] {strides = array<i32>} : memref<128x128xf32, #tpu.memory_space<vmem>>, vector<16xf32>,
      %parallel_loop3A_204 = arith.constant 0 : i32
      %parallel_loop3A_205 = arith.constant 0 : i32
      %parallel_loop3A_206 = tpu.memref_slice %arg10[%parallel_loop3A_179, %parallel_loop3A_204, %parallel_loop3A_205] : memref<3x128x128xf32, #tpu.memory_space<vmem>> -> memref<1x128x128xf32, #tpu.memory_space<vmem>>
      %parallel_loop3A_207 = tpu.memref_squeeze %parallel_loop3A_206 : memref<1x128x128xf32, #tpu.memory_space<vmem>> -> memref<128x128xf32, #tpu.memory_space<vmem>>
      %parallel_loop3A_208 = arith.index_cast %parallel_loop3A_190 : i32 to index
      %parallel_loop3A_209 = arith.constant 0 : index
      %parallel_loop3A_210 = tpu.vector_load %parallel_loop3A_207[%parallel_loop3A_208, %parallel_loop3A_209] {strides = array<i32>} : memref<128x128xf32, #tpu.memory_space<vmem>>, vector<16xf32>,
      %parallel_loop3A_211 = arith.mulf %parallel_loop3A_203, %parallel_loop3A_210 : vector<16xf32>
      %parallel_loop3A_212 = arith.addf %parallel_loop3A_192, %parallel_loop3A_211 : vector<16xf32>
      %parallel_loop3A_213 = arith.mulf %parallel_loop3A_203, %parallel_loop3A_203 : vector<16xf32>
      %parallel_loop3A_214 = arith.addf %parallel_loop3A_194, %parallel_loop3A_213 : vector<16xf32>
      %parallel_loop3A_215 = arith.mulf %parallel_loop3A_210, %parallel_loop3A_210 : vector<16xf32>
      %parallel_loop3A_216 = arith.addf %parallel_loop3A_196, %parallel_loop3A_215 : vector<16xf32>
      %parallel_loop3A_217 = arith.constant 0 : i32
      %parallel_loop3A_218 = arith.constant 0 : i32
      %parallel_loop3A_219 = tpu.memref_slice %arg9[%parallel_loop3A_178, %parallel_loop3A_217, %parallel_loop3A_218] : memref<3x128x128xf32, #tpu.memory_space<vmem>> -> memref<1x128x128xf32, #tpu.memory_space<vmem>>
      %parallel_loop3A_220 = tpu.memref_squeeze %parallel_loop3A_219 : memref<1x128x128xf32, #tpu.memory_space<vmem>> -> memref<128x128xf32, #tpu.memory_space<vmem>>
      %parallel_loop3A_221 = arith.index_cast %parallel_loop3A_190 : i32 to index
      %parallel_loop3A_222 = arith.constant 16 : index
      %parallel_loop3A_223 = tpu.vector_load %parallel_loop3A_220[%parallel_loop3A_221, %parallel_loop3A_222] {strides = array<i32>} : memref<128x128xf32, #tpu.memory_space<vmem>>, vector<16xf32>,
      %parallel_loop3A_224 = arith.constant 0 : i32
      %parallel_loop3A_225 = arith.constant 0 : i32
      %parallel_loop3A_226 = tpu.memref_slice %arg10[%parallel_loop3A_179, %parallel_loop3A_224, %parallel_loop3A_225] : memref<3x128x128xf32, #tpu.memory_space<vmem>> -> memref<1x128x128xf32, #tpu.memory_space<vmem>>
      %parallel_loop3A_227 = tpu.memref_squeeze %parallel_loop3A_226 : memref<1x128x128xf32, #tpu.memory_space<vmem>> -> memref<128x128xf32, #tpu.memory_space<vmem>>
      %parallel_loop3A_228 = arith.index_cast %parallel_loop3A_190 : i32 to index
      %parallel_loop3A_229 = arith.constant 16 : index
      %parallel_loop3A_230 = tpu.vector_load %parallel_loop3A_227[%parallel_loop3A_228, %parallel_loop3A_229] {strides = array<i32>} : memref<128x128xf32, #tpu.memory_space<vmem>>, vector<16xf32>,
      %parallel_loop3A_231 = arith.mulf %parallel_loop3A_223, %parallel_loop3A_230 : vector<16xf32>
      %parallel_loop3A_232 = arith.addf %parallel_loop3A_212, %parallel_loop3A_231 : vector<16xf32>
      %parallel_loop3A_233 = arith.mulf %parallel_loop3A_223, %parallel_loop3A_223 : vector<16xf32>
      %parallel_loop3A_234 = arith.addf %parallel_loop3A_214, %parallel_loop3A_233 : vector<16xf32>
      %parallel_loop3A_235 = arith.mulf %parallel_loop3A_230, %parallel_loop3A_230 : vector<16xf32>
      %parallel_loop3A_236 = arith.addf %parallel_loop3A_216, %parallel_loop3A_235 : vector<16xf32>
      %parallel_loop3A_237 = arith.constant 0 : i32
      %parallel_loop3A_238 = arith.constant 0 : i32
      %parallel_loop3A_239 = tpu.memref_slice %arg9[%parallel_loop3A_178, %parallel_loop3A_237, %parallel_loop3A_238] : memref<3x128x128xf32, #tpu.memory_space<vmem>> -> memref<1x128x128xf32, #tpu.memory_space<vmem>>
      %parallel_loop3A_240 = tpu.memref_squeeze %parallel_loop3A_239 : memref<1x128x128xf32, #tpu.memory_space<vmem>> -> memref<128x128xf32, #tpu.memory_space<vmem>>
      %parallel_loop3A_241 = arith.index_cast %parallel_loop3A_190 : i32 to index
      %parallel_loop3A_242 = arith.constant 32 : index
      %parallel_loop3A_243 = tpu.vector_load %parallel_loop3A_240[%parallel_loop3A_241, %parallel_loop3A_242] {strides = array<i32>} : memref<128x128xf32, #tpu.memory_space<vmem>>, vector<16xf32>,
      %parallel_loop3A_244 = arith.constant 0 : i32
      %parallel_loop3A_245 = arith.constant 0 : i32
      %parallel_loop3A_246 = tpu.memref_slice %arg10[%parallel_loop3A_179, %parallel_loop3A_244, %parallel_loop3A_245] : memref<3x128x128xf32, #tpu.memory_space<vmem>> -> memref<1x128x128xf32, #tpu.memory_space<vmem>>
      %parallel_loop3A_247 = tpu.memref_squeeze %parallel_loop3A_246 : memref<1x128x128xf32, #tpu.memory_space<vmem>> -> memref<128x128xf32, #tpu.memory_space<vmem>>
      %parallel_loop3A_248 = arith.index_cast %parallel_loop3A_190 : i32 to index
      %parallel_loop3A_249 = arith.constant 32 : index
      %parallel_loop3A_250 = tpu.vector_load %parallel_loop3A_247[%parallel_loop3A_248, %parallel_loop3A_249] {strides = array<i32>} : memref<128x128xf32, #tpu.memory_space<vmem>>, vector<16xf32>,
      %parallel_loop3A_251 = arith.mulf %parallel_loop3A_243, %parallel_loop3A_250 : vector<16xf32>
      %parallel_loop3A_252 = arith.addf %parallel_loop3A_232, %parallel_loop3A_251 : vector<16xf32>
      %parallel_loop3A_253 = arith.mulf %parallel_loop3A_243, %parallel_loop3A_243 : vector<16xf32>
      %parallel_loop3A_254 = arith.addf %parallel_loop3A_234, %parallel_loop3A_253 : vector<16xf32>
      %parallel_loop3A_255 = arith.mulf %parallel_loop3A_250, %parallel_loop3A_250 : vector<16xf32>
      %parallel_loop3A_256 = arith.addf %parallel_loop3A_236, %parallel_loop3A_255 : vector<16xf32>
      %parallel_loop3A_257 = arith.constant 0 : i32
      %parallel_loop3A_258 = arith.constant 0 : i32
      %parallel_loop3A_259 = tpu.memref_slice %arg9[%parallel_loop3A_178, %parallel_loop3A_257, %parallel_loop3A_258] : memref<3x128x128xf32, #tpu.memory_space<vmem>> -> memref<1x128x128xf32, #tpu.memory_space<vmem>>
      %parallel_loop3A_260 = tpu.memref_squeeze %parallel_loop3A_259 : memref<1x128x128xf32, #tpu.memory_space<vmem>> -> memref<128x128xf32, #tpu.memory_space<vmem>>
      %parallel_loop3A_261 = arith.index_cast %parallel_loop3A_190 : i32 to index
      %parallel_loop3A_262 = arith.constant 48 : index
      %parallel_loop3A_263 = tpu.vector_load %parallel_loop3A_260[%parallel_loop3A_261, %parallel_loop3A_262] {strides = array<i32>} : memref<128x128xf32, #tpu.memory_space<vmem>>, vector<16xf32>,
      %parallel_loop3A_264 = arith.constant 0 : i32
      %parallel_loop3A_265 = arith.constant 0 : i32
      %parallel_loop3A_266 = tpu.memref_slice %arg10[%parallel_loop3A_179, %parallel_loop3A_264, %parallel_loop3A_265] : memref<3x128x128xf32, #tpu.memory_space<vmem>> -> memref<1x128x128xf32, #tpu.memory_space<vmem>>
      %parallel_loop3A_267 = tpu.memref_squeeze %parallel_loop3A_266 : memref<1x128x128xf32, #tpu.memory_space<vmem>> -> memref<128x128xf32, #tpu.memory_space<vmem>>
      %parallel_loop3A_268 = arith.index_cast %parallel_loop3A_190 : i32 to index
      %parallel_loop3A_269 = arith.constant 48 : index
      %parallel_loop3A_270 = tpu.vector_load %parallel_loop3A_267[%parallel_loop3A_268, %parallel_loop3A_269] {strides = array<i32>} : memref<128x128xf32, #tpu.memory_space<vmem>>, vector<16xf32>,
      %parallel_loop3A_271 = arith.mulf %parallel_loop3A_263, %parallel_loop3A_270 : vector<16xf32>
      %parallel_loop3A_272 = arith.addf %parallel_loop3A_252, %parallel_loop3A_271 : vector<16xf32>
      %parallel_loop3A_273 = arith.mulf %parallel_loop3A_263, %parallel_loop3A_263 : vector<16xf32>
      %parallel_loop3A_274 = arith.addf %parallel_loop3A_254, %parallel_loop3A_273 : vector<16xf32>
      %parallel_loop3A_275 = arith.mulf %parallel_loop3A_270, %parallel_loop3A_270 : vector<16xf32>
      %parallel_loop3A_276 = arith.addf %parallel_loop3A_256, %parallel_loop3A_275 : vector<16xf32>
      %parallel_loop3A_277 = arith.constant 0 : i32
      %parallel_loop3A_278 = arith.constant 0 : i32
      %parallel_loop3A_279 = tpu.memref_slice %arg9[%parallel_loop3A_178, %parallel_loop3A_277, %parallel_loop3A_278] : memref<3x128x128xf32, #tpu.memory_space<vmem>> -> memref<1x128x128xf32, #tpu.memory_space<vmem>>
      %parallel_loop3A_280 = tpu.memref_squeeze %parallel_loop3A_279 : memref<1x128x128xf32, #tpu.memory_space<vmem>> -> memref<128x128xf32, #tpu.memory_space<vmem>>
      %parallel_loop3A_281 = arith.index_cast %parallel_loop3A_190 : i32 to index
      %parallel_loop3A_282 = arith.constant 64 : index
      %parallel_loop3A_283 = tpu.vector_load %parallel_loop3A_280[%parallel_loop3A_281, %parallel_loop3A_282] {strides = array<i32>} : memref<128x128xf32, #tpu.memory_space<vmem>>, vector<16xf32>,
      %parallel_loop3A_284 = arith.constant 0 : i32
      %parallel_loop3A_285 = arith.constant 0 : i32
      %parallel_loop3A_286 = tpu.memref_slice %arg10[%parallel_loop3A_179, %parallel_loop3A_284, %parallel_loop3A_285] : memref<3x128x128xf32, #tpu.memory_space<vmem>> -> memref<1x128x128xf32, #tpu.memory_space<vmem>>
      %parallel_loop3A_287 = tpu.memref_squeeze %parallel_loop3A_286 : memref<1x128x128xf32, #tpu.memory_space<vmem>> -> memref<128x128xf32, #tpu.memory_space<vmem>>
      %parallel_loop3A_288 = arith.index_cast %parallel_loop3A_190 : i32 to index
      %parallel_loop3A_289 = arith.constant 64 : index
      %parallel_loop3A_290 = tpu.vector_load %parallel_loop3A_287[%parallel_loop3A_288, %parallel_loop3A_289] {strides = array<i32>} : memref<128x128xf32, #tpu.memory_space<vmem>>, vector<16xf32>,
      %parallel_loop3A_291 = arith.mulf %parallel_loop3A_283, %parallel_loop3A_290 : vector<16xf32>
      %parallel_loop3A_292 = arith.addf %parallel_loop3A_272, %parallel_loop3A_291 : vector<16xf32>
      %parallel_loop3A_293 = arith.mulf %parallel_loop3A_283, %parallel_loop3A_283 : vector<16xf32>
      %parallel_loop3A_294 = arith.addf %parallel_loop3A_274, %parallel_loop3A_293 : vector<16xf32>
      %parallel_loop3A_295 = arith.mulf %parallel_loop3A_290, %parallel_loop3A_290 : vector<16xf32>
      %parallel_loop3A_296 = arith.addf %parallel_loop3A_276, %parallel_loop3A_295 : vector<16xf32>
      %parallel_loop3A_297 = arith.constant 0 : i32
      %parallel_loop3A_298 = arith.constant 0 : i32
      %parallel_loop3A_299 = tpu.memref_slice %arg9[%parallel_loop3A_178, %parallel_loop3A_297, %parallel_loop3A_298] : memref<3x128x128xf32, #tpu.memory_space<vmem>> -> memref<1x128x128xf32, #tpu.memory_space<vmem>>
      %parallel_loop3A_300 = tpu.memref_squeeze %parallel_loop3A_299 : memref<1x128x128xf32, #tpu.memory_space<vmem>> -> memref<128x128xf32, #tpu.memory_space<vmem>>
      %parallel_loop3A_301 = arith.index_cast %parallel_loop3A_190 : i32 to index
      %parallel_loop3A_302 = arith.constant 80 : index
      %parallel_loop3A_303 = tpu.vector_load %parallel_loop3A_300[%parallel_loop3A_301, %parallel_loop3A_302] {strides = array<i32>} : memref<128x128xf32, #tpu.memory_space<vmem>>, vector<16xf32>,
      %parallel_loop3A_304 = arith.constant 0 : i32
      %parallel_loop3A_305 = arith.constant 0 : i32
      %parallel_loop3A_306 = tpu.memref_slice %arg10[%parallel_loop3A_179, %parallel_loop3A_304, %parallel_loop3A_305] : memref<3x128x128xf32, #tpu.memory_space<vmem>> -> memref<1x128x128xf32, #tpu.memory_space<vmem>>
      %parallel_loop3A_307 = tpu.memref_squeeze %parallel_loop3A_306 : memref<1x128x128xf32, #tpu.memory_space<vmem>> -> memref<128x128xf32, #tpu.memory_space<vmem>>
      %parallel_loop3A_308 = arith.index_cast %parallel_loop3A_190 : i32 to index
      %parallel_loop3A_309 = arith.constant 80 : index
      %parallel_loop3A_310 = tpu.vector_load %parallel_loop3A_307[%parallel_loop3A_308, %parallel_loop3A_309] {strides = array<i32>} : memref<128x128xf32, #tpu.memory_space<vmem>>, vector<16xf32>,
      %parallel_loop3A_311 = arith.mulf %parallel_loop3A_303, %parallel_loop3A_310 : vector<16xf32>
      %parallel_loop3A_312 = arith.addf %parallel_loop3A_292, %parallel_loop3A_311 : vector<16xf32>
      %parallel_loop3A_313 = arith.mulf %parallel_loop3A_303, %parallel_loop3A_303 : vector<16xf32>
      %parallel_loop3A_314 = arith.addf %parallel_loop3A_294, %parallel_loop3A_313 : vector<16xf32>
      %parallel_loop3A_315 = arith.mulf %parallel_loop3A_310, %parallel_loop3A_310 : vector<16xf32>
      %parallel_loop3A_316 = arith.addf %parallel_loop3A_296, %parallel_loop3A_315 : vector<16xf32>
      %parallel_loop3A_317 = arith.constant 0 : i32
      %parallel_loop3A_318 = arith.constant 0 : i32
      %parallel_loop3A_319 = tpu.memref_slice %arg9[%parallel_loop3A_178, %parallel_loop3A_317, %parallel_loop3A_318] : memref<3x128x128xf32, #tpu.memory_space<vmem>> -> memref<1x128x128xf32, #tpu.memory_space<vmem>>
      %parallel_loop3A_320 = tpu.memref_squeeze %parallel_loop3A_319 : memref<1x128x128xf32, #tpu.memory_space<vmem>> -> memref<128x128xf32, #tpu.memory_space<vmem>>
      %parallel_loop3A_321 = arith.index_cast %parallel_loop3A_190 : i32 to index
      %parallel_loop3A_322 = arith.constant 96 : index
      %parallel_loop3A_323 = tpu.vector_load %parallel_loop3A_320[%parallel_loop3A_321, %parallel_loop3A_322] {strides = array<i32>} : memref<128x128xf32, #tpu.memory_space<vmem>>, vector<16xf32>,
      %parallel_loop3A_324 = arith.constant 0 : i32
      %parallel_loop3A_325 = arith.constant 0 : i32
      %parallel_loop3A_326 = tpu.memref_slice %arg10[%parallel_loop3A_179, %parallel_loop3A_324, %parallel_loop3A_325] : memref<3x128x128xf32, #tpu.memory_space<vmem>> -> memref<1x128x128xf32, #tpu.memory_space<vmem>>
      %parallel_loop3A_327 = tpu.memref_squeeze %parallel_loop3A_326 : memref<1x128x128xf32, #tpu.memory_space<vmem>> -> memref<128x128xf32, #tpu.memory_space<vmem>>
      %parallel_loop3A_328 = arith.index_cast %parallel_loop3A_190 : i32 to index
      %parallel_loop3A_329 = arith.constant 96 : index
      %parallel_loop3A_330 = tpu.vector_load %parallel_loop3A_327[%parallel_loop3A_328, %parallel_loop3A_329] {strides = array<i32>} : memref<128x128xf32, #tpu.memory_space<vmem>>, vector<16xf32>,
      %parallel_loop3A_331 = arith.mulf %parallel_loop3A_323, %parallel_loop3A_330 : vector<16xf32>
      %parallel_loop3A_332 = arith.addf %parallel_loop3A_312, %parallel_loop3A_331 : vector<16xf32>
      %parallel_loop3A_333 = arith.mulf %parallel_loop3A_323, %parallel_loop3A_323 : vector<16xf32>
      %parallel_loop3A_334 = arith.addf %parallel_loop3A_314, %parallel_loop3A_333 : vector<16xf32>
      %parallel_loop3A_335 = arith.mulf %parallel_loop3A_330, %parallel_loop3A_330 : vector<16xf32>
      %parallel_loop3A_336 = arith.addf %parallel_loop3A_316, %parallel_loop3A_335 : vector<16xf32>
      %parallel_loop3A_337 = arith.constant 0 : i32
      %parallel_loop3A_338 = arith.constant 0 : i32
      %parallel_loop3A_339 = tpu.memref_slice %arg9[%parallel_loop3A_178, %parallel_loop3A_337, %parallel_loop3A_338] : memref<3x128x128xf32, #tpu.memory_space<vmem>> -> memref<1x128x128xf32, #tpu.memory_space<vmem>>
      %parallel_loop3A_340 = tpu.memref_squeeze %parallel_loop3A_339 : memref<1x128x128xf32, #tpu.memory_space<vmem>> -> memref<128x128xf32, #tpu.memory_space<vmem>>
      %parallel_loop3A_341 = arith.index_cast %parallel_loop3A_190 : i32 to index
      %parallel_loop3A_342 = arith.constant 112 : index
      %parallel_loop3A_343 = tpu.vector_load %parallel_loop3A_340[%parallel_loop3A_341, %parallel_loop3A_342] {strides = array<i32>} : memref<128x128xf32, #tpu.memory_space<vmem>>, vector<16xf32>,
      %parallel_loop3A_344 = arith.constant 0 : i32
      %parallel_loop3A_345 = arith.constant 0 : i32
      %parallel_loop3A_346 = tpu.memref_slice %arg10[%parallel_loop3A_179, %parallel_loop3A_344, %parallel_loop3A_345] : memref<3x128x128xf32, #tpu.memory_space<vmem>> -> memref<1x128x128xf32, #tpu.memory_space<vmem>>
      %parallel_loop3A_347 = tpu.memref_squeeze %parallel_loop3A_346 : memref<1x128x128xf32, #tpu.memory_space<vmem>> -> memref<128x128xf32, #tpu.memory_space<vmem>>
      %parallel_loop3A_348 = arith.index_cast %parallel_loop3A_190 : i32 to index
      %parallel_loop3A_349 = arith.constant 112 : index
      %parallel_loop3A_350 = tpu.vector_load %parallel_loop3A_347[%parallel_loop3A_348, %parallel_loop3A_349] {strides = array<i32>} : memref<128x128xf32, #tpu.memory_space<vmem>>, vector<16xf32>,
      %parallel_loop3A_351 = arith.mulf %parallel_loop3A_343, %parallel_loop3A_350 : vector<16xf32>
      %parallel_loop3A_352 = arith.addf %parallel_loop3A_332, %parallel_loop3A_351 : vector<16xf32>
      %parallel_loop3A_353 = arith.mulf %parallel_loop3A_343, %parallel_loop3A_343 : vector<16xf32>
      %parallel_loop3A_354 = arith.addf %parallel_loop3A_334, %parallel_loop3A_353 : vector<16xf32>
      %parallel_loop3A_355 = arith.mulf %parallel_loop3A_350, %parallel_loop3A_350 : vector<16xf32>
      %parallel_loop3A_356 = arith.addf %parallel_loop3A_336, %parallel_loop3A_355 : vector<16xf32>
      %parallel_loop3A_357 = tpu.iota {dimensions = array<i32: 0>} : vector<16xi32>
      %parallel_loop3A_358 = arith.constant 15 : i32
      %parallel_loop3A_359 = vector.broadcast %parallel_loop3A_358 : i32 to vector<16xi32>
      %parallel_loop3A_360 = arith.cmpi eq, %parallel_loop3A_357, %parallel_loop3A_359 : vector<16xi32>
      %parallel_loop3A_361 = arith.constant 384 : i32
      %parallel_loop3A_362 = arith.addi %parallel_loop3A_361, %parallel_loop3A_190 : i32
      %parallel_loop3A_363 = arith.constant true
      %parallel_loop3A_364 = vector.broadcast %parallel_loop3A_363 : i1 to vector<16xi1>
      %parallel_loop3A_365 = tpu.scan <sum>, %parallel_loop3A_352 masked %parallel_loop3A_364 : vector<16xf32>, vector<16xi1> -> vector<16xf32>
      %parallel_loop3A_366 = arith.index_cast %parallel_loop3A_362 : i32 to index
      %parallel_loop3A_367 = tpu.vector_load %arg12[%parallel_loop3A_366] masked %parallel_loop3A_360 {strides = array<i32>} : memref<528xf32, #tpu.memory_space<vmem>>, vector<16xf32>, vector<16xi1>
      tpu.vector_store %arg12[%parallel_loop3A_366], %parallel_loop3A_365 masked %parallel_loop3A_360 {strides = array<i32>} : memref<528xf32, #tpu.memory_space<vmem>>, vector<16xf32>, vector<16xi1>
      %parallel_loop3A_368 = arith.constant true
      %parallel_loop3A_369 = vector.broadcast %parallel_loop3A_368 : i1 to vector<16xi1>
      %parallel_loop3A_370 = tpu.scan <sum>, %parallel_loop3A_354 masked %parallel_loop3A_369 : vector<16xf32>, vector<16xi1> -> vector<16xf32>
      %parallel_loop3A_371 = arith.index_cast %parallel_loop3A_362 : i32 to index
      %parallel_loop3A_372 = tpu.vector_load %arg13[%parallel_loop3A_371] masked %parallel_loop3A_360 {strides = array<i32>} : memref<528xf32, #tpu.memory_space<vmem>>, vector<16xf32>, vector<16xi1>
      tpu.vector_store %arg13[%parallel_loop3A_371], %parallel_loop3A_370 masked %parallel_loop3A_360 {strides = array<i32>} : memref<528xf32, #tpu.memory_space<vmem>>, vector<16xf32>, vector<16xi1>
      %parallel_loop3A_373 = arith.constant true
      %parallel_loop3A_374 = vector.broadcast %parallel_loop3A_373 : i1 to vector<16xi1>
      %parallel_loop3A_375 = tpu.scan <sum>, %parallel_loop3A_356 masked %parallel_loop3A_374 : vector<16xf32>, vector<16xi1> -> vector<16xf32>
      %parallel_loop3A_376 = arith.index_cast %parallel_loop3A_362 : i32 to index
      %parallel_loop3A_377 = tpu.vector_load %arg14[%parallel_loop3A_376] masked %parallel_loop3A_360 {strides = array<i32>} : memref<528xf32, #tpu.memory_space<vmem>>, vector<16xf32>, vector<16xi1>
      tpu.vector_store %arg14[%parallel_loop3A_376], %parallel_loop3A_375 masked %parallel_loop3A_360 {strides = array<i32>} : memref<528xf32, #tpu.memory_space<vmem>>, vector<16xf32>, vector<16xi1>
    } {sc.loop_unroll_factor = 2 : i64, sc.parallel_access}
    %get3A = arith.constant 0 : i32
    %get3A_180 = arith.index_cast %get3A : i32 to index
    %get3A_181 = arith.constant 0 : index
    %get3A_182 = tpu.vector_load %arg11[%get3A_180, %get3A_181] {strides = array<i32>} : memref<2x16xf32, #tpu.memory_space<vmem>>, vector<16xf32>,
    %get3A_183 = arith.constant 1 : i32
    %get3A_184 = arith.index_cast %get3A_183 : i32 to index
    %get3A_185 = arith.constant 0 : index
    %get3A_186 = tpu.vector_load %arg11[%get3A_184, %get3A_185] {strides = array<i32>} : memref<2x16xf32, #tpu.memory_space<vmem>>, vector<16xf32>,
    %parallel_loop3A_187 = arith.constant 0 : i32
    %parallel_loop3A_188 = arith.constant 32 : i32
    %parallel_loop3A_189 = arith.constant 1 : i32
    scf.for %parallel_loop3A_190 = %parallel_loop3A_187 to %parallel_loop3A_188 step %parallel_loop3A_189  : i32 {
      %parallel_loop3A_191 = arith.constant 16 : i32
      %parallel_loop3A_192 = arith.muli %parallel_loop3A_190, %parallel_loop3A_191 : i32
      %parallel_loop3A_193 = arith.index_cast %parallel_loop3A_192 : i32 to index
      %parallel_loop3A_194 = tpu.vector_load %arg12[%parallel_loop3A_193] {strides = array<i32>} : memref<528xf32, #tpu.memory_space<vmem>>, vector<16xf32>,
      %parallel_loop3A_195 = arith.constant 16 : i32
      %parallel_loop3A_196 = arith.muli %parallel_loop3A_190, %parallel_loop3A_195 : i32
      %parallel_loop3A_197 = arith.index_cast %parallel_loop3A_196 : i32 to index
      %parallel_loop3A_198 = tpu.vector_load %arg13[%parallel_loop3A_197] {strides = array<i32>} : memref<528xf32, #tpu.memory_space<vmem>>, vector<16xf32>,
      %parallel_loop3A_199 = arith.constant 16 : i32
      %parallel_loop3A_200 = arith.muli %parallel_loop3A_190, %parallel_loop3A_199 : i32
      %parallel_loop3A_201 = arith.index_cast %parallel_loop3A_200 : i32 to index
      %parallel_loop3A_202 = tpu.vector_load %arg14[%parallel_loop3A_201] {strides = array<i32>} : memref<528xf32, #tpu.memory_space<vmem>>, vector<16xf32>,
      %parallel_loop3A_203 = arith.constant 1.000000e-16 : f32
      %parallel_loop3A_204 = vector.broadcast %parallel_loop3A_203 : f32 to vector<16xf32>
      %parallel_loop3A_205 = arith.maximumf %parallel_loop3A_198, %parallel_loop3A_204 : vector<16xf32>
      %parallel_loop3A_206 = vector.bitcast %parallel_loop3A_205 : vector<16xf32> to vector<16xi32>
      %parallel_loop3A_207 = arith.constant 1 : i32
      %parallel_loop3A_208 = vector.broadcast %parallel_loop3A_207 : i32 to vector<16xi32>
      %parallel_loop3A_209 = arith.shrsi %parallel_loop3A_206, %parallel_loop3A_208 : vector<16xi32>
      %parallel_loop3A_210 = arith.constant 1597463007 : i32
      %parallel_loop3A_211 = vector.broadcast %parallel_loop3A_210 : i32 to vector<16xi32>
      %parallel_loop3A_212 = arith.subi %parallel_loop3A_211, %parallel_loop3A_209 : vector<16xi32>
      %parallel_loop3A_213 = vector.bitcast %parallel_loop3A_212 : vector<16xi32> to vector<16xf32>
      %parallel_loop3A_214 = arith.constant 5.000000e-01 : f32
      %parallel_loop3A_215 = vector.broadcast %parallel_loop3A_214 : f32 to vector<16xf32>
      %parallel_loop3A_216 = arith.mulf %parallel_loop3A_215, %parallel_loop3A_205 : vector<16xf32>
      %parallel_loop3A_217 = arith.mulf %parallel_loop3A_216, %parallel_loop3A_213 : vector<16xf32>
      %parallel_loop3A_218 = arith.mulf %parallel_loop3A_217, %parallel_loop3A_213 : vector<16xf32>
      %parallel_loop3A_219 = arith.constant 1.500000e+00 : f32
      %parallel_loop3A_220 = vector.broadcast %parallel_loop3A_219 : f32 to vector<16xf32>
      %parallel_loop3A_221 = arith.subf %parallel_loop3A_220, %parallel_loop3A_218 : vector<16xf32>
      %parallel_loop3A_222 = arith.mulf %parallel_loop3A_213, %parallel_loop3A_221 : vector<16xf32>
      %parallel_loop3A_223 = arith.constant 5.000000e-01 : f32
      %parallel_loop3A_224 = vector.broadcast %parallel_loop3A_223 : f32 to vector<16xf32>
      %parallel_loop3A_225 = arith.mulf %parallel_loop3A_224, %parallel_loop3A_205 : vector<16xf32>
      %parallel_loop3A_226 = arith.mulf %parallel_loop3A_225, %parallel_loop3A_222 : vector<16xf32>
      %parallel_loop3A_227 = arith.mulf %parallel_loop3A_226, %parallel_loop3A_222 : vector<16xf32>
      %parallel_loop3A_228 = arith.constant 1.500000e+00 : f32
      %parallel_loop3A_229 = vector.broadcast %parallel_loop3A_228 : f32 to vector<16xf32>
      %parallel_loop3A_230 = arith.subf %parallel_loop3A_229, %parallel_loop3A_227 : vector<16xf32>
      %parallel_loop3A_231 = arith.mulf %parallel_loop3A_222, %parallel_loop3A_230 : vector<16xf32>
      %parallel_loop3A_232 = arith.constant 5.000000e-01 : f32
      %parallel_loop3A_233 = vector.broadcast %parallel_loop3A_232 : f32 to vector<16xf32>
      %parallel_loop3A_234 = arith.mulf %parallel_loop3A_233, %parallel_loop3A_205 : vector<16xf32>
      %parallel_loop3A_235 = arith.mulf %parallel_loop3A_234, %parallel_loop3A_231 : vector<16xf32>
      %parallel_loop3A_236 = arith.mulf %parallel_loop3A_235, %parallel_loop3A_231 : vector<16xf32>
      %parallel_loop3A_237 = arith.constant 1.500000e+00 : f32
      %parallel_loop3A_238 = vector.broadcast %parallel_loop3A_237 : f32 to vector<16xf32>
      %parallel_loop3A_239 = arith.subf %parallel_loop3A_238, %parallel_loop3A_236 : vector<16xf32>
      %parallel_loop3A_240 = arith.mulf %parallel_loop3A_231, %parallel_loop3A_239 : vector<16xf32>
      %parallel_loop3A_241 = arith.mulf %parallel_loop3A_194, %parallel_loop3A_240 : vector<16xf32>
      %parallel_loop3A_242 = arith.constant 1.000000e-16 : f32
      %parallel_loop3A_243 = vector.broadcast %parallel_loop3A_242 : f32 to vector<16xf32>
      %parallel_loop3A_244 = arith.maximumf %parallel_loop3A_202, %parallel_loop3A_243 : vector<16xf32>
      %parallel_loop3A_245 = vector.bitcast %parallel_loop3A_244 : vector<16xf32> to vector<16xi32>
      %parallel_loop3A_246 = arith.constant 1 : i32
      %parallel_loop3A_247 = vector.broadcast %parallel_loop3A_246 : i32 to vector<16xi32>
      %parallel_loop3A_248 = arith.shrsi %parallel_loop3A_245, %parallel_loop3A_247 : vector<16xi32>
      %parallel_loop3A_249 = arith.constant 1597463007 : i32
      %parallel_loop3A_250 = vector.broadcast %parallel_loop3A_249 : i32 to vector<16xi32>
      %parallel_loop3A_251 = arith.subi %parallel_loop3A_250, %parallel_loop3A_248 : vector<16xi32>
      %parallel_loop3A_252 = vector.bitcast %parallel_loop3A_251 : vector<16xi32> to vector<16xf32>
      %parallel_loop3A_253 = arith.constant 5.000000e-01 : f32
      %parallel_loop3A_254 = vector.broadcast %parallel_loop3A_253 : f32 to vector<16xf32>
      %parallel_loop3A_255 = arith.mulf %parallel_loop3A_254, %parallel_loop3A_244 : vector<16xf32>
      %parallel_loop3A_256 = arith.mulf %parallel_loop3A_255, %parallel_loop3A_252 : vector<16xf32>
      %parallel_loop3A_257 = arith.mulf %parallel_loop3A_256, %parallel_loop3A_252 : vector<16xf32>
      %parallel_loop3A_258 = arith.constant 1.500000e+00 : f32
      %parallel_loop3A_259 = vector.broadcast %parallel_loop3A_258 : f32 to vector<16xf32>
      %parallel_loop3A_260 = arith.subf %parallel_loop3A_259, %parallel_loop3A_257 : vector<16xf32>
      %parallel_loop3A_261 = arith.mulf %parallel_loop3A_252, %parallel_loop3A_260 : vector<16xf32>
      %parallel_loop3A_262 = arith.constant 5.000000e-01 : f32
      %parallel_loop3A_263 = vector.broadcast %parallel_loop3A_262 : f32 to vector<16xf32>
      %parallel_loop3A_264 = arith.mulf %parallel_loop3A_263, %parallel_loop3A_244 : vector<16xf32>
      %parallel_loop3A_265 = arith.mulf %parallel_loop3A_264, %parallel_loop3A_261 : vector<16xf32>
      %parallel_loop3A_266 = arith.mulf %parallel_loop3A_265, %parallel_loop3A_261 : vector<16xf32>
      %parallel_loop3A_267 = arith.constant 1.500000e+00 : f32
      %parallel_loop3A_268 = vector.broadcast %parallel_loop3A_267 : f32 to vector<16xf32>
      %parallel_loop3A_269 = arith.subf %parallel_loop3A_268, %parallel_loop3A_266 : vector<16xf32>
      %parallel_loop3A_270 = arith.mulf %parallel_loop3A_261, %parallel_loop3A_269 : vector<16xf32>
      %parallel_loop3A_271 = arith.constant 5.000000e-01 : f32
      %parallel_loop3A_272 = vector.broadcast %parallel_loop3A_271 : f32 to vector<16xf32>
      %parallel_loop3A_273 = arith.mulf %parallel_loop3A_272, %parallel_loop3A_244 : vector<16xf32>
      %parallel_loop3A_274 = arith.mulf %parallel_loop3A_273, %parallel_loop3A_270 : vector<16xf32>
      %parallel_loop3A_275 = arith.mulf %parallel_loop3A_274, %parallel_loop3A_270 : vector<16xf32>
      %parallel_loop3A_276 = arith.constant 1.500000e+00 : f32
      %parallel_loop3A_277 = vector.broadcast %parallel_loop3A_276 : f32 to vector<16xf32>
      %parallel_loop3A_278 = arith.subf %parallel_loop3A_277, %parallel_loop3A_275 : vector<16xf32>
      %parallel_loop3A_279 = arith.mulf %parallel_loop3A_270, %parallel_loop3A_278 : vector<16xf32>
      %parallel_loop3A_280 = arith.mulf %parallel_loop3A_241, %parallel_loop3A_279 : vector<16xf32>
      %parallel_loop3A_281 = arith.mulf %parallel_loop3A_280, %get3A_182 : vector<16xf32>
      %parallel_loop3A_282 = arith.addf %parallel_loop3A_281, %get3A_186 : vector<16xf32>
      %parallel_loop3A_283 = arith.constant 0.000000e+00 : f32
      %parallel_loop3A_284 = vector.broadcast %parallel_loop3A_283 : f32 to vector<16xf32>
      %parallel_loop3A_285 = arith.subf %parallel_loop3A_284, %parallel_loop3A_282 : vector<16xf32>
      %parallel_loop3A_286 = math.exp %parallel_loop3A_285 : vector<16xf32>
      %parallel_loop3A_287 = arith.constant 1.000000e+00 : f32
      %parallel_loop3A_288 = vector.broadcast %parallel_loop3A_287 : f32 to vector<16xf32>
      %parallel_loop3A_289 = arith.addf %parallel_loop3A_288, %parallel_loop3A_286 : vector<16xf32>
      %parallel_loop3A_290 = arith.constant 1.000000e+00 : f32
      %parallel_loop3A_291 = vector.broadcast %parallel_loop3A_290 : f32 to vector<16xf32>
      %parallel_loop3A_292 = arith.divf %parallel_loop3A_291, %parallel_loop3A_289 : vector<16xf32>
      %parallel_loop3A_293 = arith.constant 16 : i32
      %parallel_loop3A_294 = arith.muli %parallel_loop3A_190, %parallel_loop3A_293 : i32
      %parallel_loop3A_295 = arith.index_cast %parallel_loop3A_294 : i32 to index
      %parallel_loop3A_296 = tpu.vector_load %arg15[%parallel_loop3A_295] {strides = array<i32>} : memref<512xf32, #tpu.memory_space<vmem>>, vector<16xf32>,
      tpu.vector_store %arg15[%parallel_loop3A_295], %parallel_loop3A_292 {strides = array<i32>} : memref<512xf32, #tpu.memory_space<vmem>>, vector<16xf32>,
    } {sc.loop_unroll_factor = 2 : i64, sc.parallel_access}
    "tpu.region"() ({
      %run_scoped3A = tpu.sem_alloc : memref<!tpu.dma_semaphore, #tpu.memory_space<semaphore_mem>>
      %dma_start3A_190 = tpu.memref_slice %arg6[%mul3A_2] : memref<16384xf32, #tpu.memory_space<hbm>> -> memref<512xf32, #tpu.memory_space<hbm>>
      %dma_start3A_191 = tpu.memref_slice %arg6[%mul3A_2] : memref<16384xf32, #tpu.memory_space<hbm>> -> memref<512xf32, #tpu.memory_space<hbm>>
      tpu.enqueue_dma source(%arg15 : memref<512xf32, #tpu.memory_space<vmem>>) target(%dma_start3A_191 : memref<512xf32, #tpu.memory_space<hbm>>) target_semaphore(%run_scoped3A : memref<!tpu.dma_semaphore, #tpu.memory_space<semaphore_mem>>)
      %dma_wait3A_192 = tpu.memref_slice %arg6[%mul3A_2] : memref<16384xf32, #tpu.memory_space<hbm>> -> memref<512xf32, #tpu.memory_space<hbm>>
      %dma_wait3A_193 = tpu.memref_slice %arg6[%mul3A_2] : memref<16384xf32, #tpu.memory_space<hbm>> -> memref<512xf32, #tpu.memory_space<hbm>>
      tpu.wait_dma2 semaphore(%run_scoped3A : memref<!tpu.dma_semaphore, #tpu.memory_space<semaphore_mem>>) src(%arg15 : memref<512xf32, #tpu.memory_space<vmem>>) dst(%dma_wait3A_193 : memref<512xf32, #tpu.memory_space<hbm>>)
      tpu.yield
    }) : () -> ()
    return
  }
}

</mosaic_0001>

<sc_bundles>
// kernel: kernel.3.cloned.1.call-start
scs
__scs_entry_jumppad:
0x0: {  	(pc) =	sbr.rel $0x88, $3  }
0x1: {  	(tag) =	ssettag $0x0;
	lr =	simm.s32 $0x1  }
0x2: {  	[smem:$0x3F9C] =	sst lr;
	_ =	strace $0xD0000000  }
0x3: {  	_ = 	snop  }
0x4: {  	_ = 	snop  }
0x5: {  	_ = 	snop  }
0x6: {  	_ = 	snop  }
0x7: {  	_ = 	snop  }
__scs_overlays_trampoline_lowered:
0x8: {  	[smem:$0x3FAB] =	sst s0  }
0x9: {  	[smem:$0x3FAC] =	sst s1  }
0xa: {  	[smem:$0x3FAD] =	sst s2  }
0xb: {  	[smem:$0x3FAE] =	sst s3  }
0xc: {  	[smem:$0x3FAF] =	sst s4  }
0xd: {  	[smem:$0x3FB0] =	sst s5  }
0xe: {  	[smem:$0x3FB1] =	sst s6  }
0xf: {  	[smem:$0x3FB2] =	sst s7  }
0x10: {  	[smem:$0x3FB3] =	sst s8  }
0x11: {  	[smem:$0x3FB4] =	sst s9;
	s0 =	simm.s32 @!p0 $0x0  }
0x12: {  	s1 =	sld [smem:$0x3F9A];
	s0 =	simm.s32 @p0 $0x1  }
0x13: {  	[smem:$0x3FB5] =	sst s0;
	s0 =	simm.s32 @!p1 $0x0  }
0x14: {  	s2 =	sld [smem:$0x3F99];
	s0 =	simm.s32 @p1 $0x1  }
0x15: {  	[smem:$0x3FB6] =	sst s0;
	s0 =	simm.s32 @!p2 $0x0  }
0x16: {  	s3 =	sld [smem:$0x3FDB];
	s0 =	simm.s32 @p2 $0x1  }
0x17: {  	s4 =	simm.s32 $0x1BF5;
	[smem:$0x3FB8] =	sst s0  }
0x18: {  	s0 =	sld [smem:$0x3F9B];
	_ =	swait.ge [sflag:s4], $0x0  }
0x19: {  	s7 =	sld [smem:$0x3F9C]  }
0x1a: {  	s8 =	sadd.s32 $0xFFFFE003, lr  }
0x1b: {  	s9 =	sadd.s32 $0xFFFFFEF7, lr;
	s5 =	simm.s32 $0xFFFFFFFF;
	p2 =	slt.u32 s8, $0xFFFFF086  }
0x1c: {  	p1 =	slt.u32 s9, $0xF7A;
	s5 =	simm.s32 @!p2 $0x0  }
0x1d: {  	s5 =	simm.s32 @p1 $0x1;
	p0 =	seq.s32 s7, s2  }
0x1e: {  	s7 =	smul.u32 @!p0 $0xF7A, s2;
	p2 =	seq.s32 @!p0 s5, $0x0  }
0x1f: {  	s9 =	smul.u32 $0xF7A, s1;
	s8 =	simm.s32 @!p0 $0x1BF5;
	p2 =	por !p2, p0  }
0x20: {  	[sflag:s8] =	ssyncset.s32 @!p0 $0xFFFFF086;
	s6 =	sadd.s32 @!p0 s3, s7;
	s7 =	simm.s32 @!p0 $0x108  }
0x21: {  	s3 =	sadd.s32 s3, s9;
	s6 =	sadd.s32 @!p0 $0x88, s6;
	s7 =	simm.s32 @p2 $0x1082  }
0x22: {  	[simem:s7], [sflag:s8] =	dma.local @!p0 [hbm:s6], $0xF7A  }
0x23: {  	s9 =	sor.u32 $0xD0000000, s2;
	s6 =	simm.s32 $0x108;
	_ =	swait.ge @!p0 [sflag:s8], $0x0  }
0x24: {  	s3 =	sadd.s32 $0x88, s3;
	s6 =	simm.s32 @!p1 $0x1082;
	[sflag:s4] =	ssyncset.s32 $0xFFFFF086  }
0x25: {  	[simem:s6], [sflag:s4] =	dma.local [hbm:s3], $0xF7A  }
0x26: {  	[smem:$0x3F9C] =	sst s1;
	(tag) =	ssettag s2;
	_ =	strace s9  }
0x27: {  	s1 =	sld [smem:$0x3FAC]  }
0x28: {  	s2 =	sld [smem:$0x3FAD]  }
0x29: {  	s4 =	sld [smem:$0x3FAF]  }
0x2a: {  	p0 =	seq.s32 s5, $0x0;
	s5 =	sld [smem:$0x3FB0]  }
0x2b: {  	s6 =	sld [smem:$0x3FB1]  }
0x2c: {  	s7 =	sld [smem:$0x3FB2]  }
0x2d: {  	s3 =	simm.s32 $0x108;
	s8 =	sld [smem:$0x3FB3]  }
0x2e: {  	s3 =	simm.s32 @!p0 $0x1082;
	s9 =	sld [smem:$0x3FB4]  }
0x2f: {  	lr =	sadd.s32 s0, s3;
	s0 =	sld [smem:$0x3FAB]  }
0x30: {  	s3 =	sld [smem:$0x3FAE]  }
0x31: {  	[smem:$0x3FB7] =	sst s10  }
0x32: {  	s10 =	sld [smem:$0x3FB5];
	_ =	sdelay $0x3  }
0x33: {  	p0 =	seq.s32 s10, $0x1;
	s10 =	sld [smem:$0x3FB7];
	_ =	sdelay $0x3  }
0x34: {  	[smem:$0x3FB7] =	sst s10  }
0x35: {  	s10 =	sld [smem:$0x3FB6];
	_ =	sdelay $0x3  }
0x36: {  	p1 =	seq.s32 s10, $0x1;
	s10 =	sld [smem:$0x3FB7];
	_ =	sdelay $0x3  }
0x37: {  	[smem:$0x3FB7] =	sst s10  }
0x38: {  	s10 =	sld [smem:$0x3FB8]  }
0x39: {  	_ = 	snop;
	(pc) =	sbr.ind lr, $3  }
0x3a: {  	_ = 	snop  }
0x3b: {  	_ = 	snop  }
0x3c: {  	p2 =	seq.s32 s10, $0x1;
	s10 =	sld [smem:$0x3FB7]  }
0x3d: {  	_ =	shalt  }
0x3e: {  	_ =	shalt  }
0x3f: {  	_ =	shalt  }
0x40: {  	_ =	shalt  }
0x41: {  	_ =	shalt  }
0x42: {  	_ =	shalt  }
0x43: {  	_ =	shalt  }
0x44: {  	_ =	shalt  }
0x45: {  	_ =	shalt  }
0x46: {  	_ =	shalt  }
0x47: {  	_ =	shalt  }
0x48: {  	_ =	shalt  }
0x49: {  	_ =	shalt  }
0x4a: {  	_ =	shalt  }
0x4b: {  	_ =	shalt  }
0x4c: {  	_ =	shalt  }
0x4d: {  	_ =	shalt  }
0x4e: {  	_ =	shalt  }
0x4f: {  	_ =	shalt  }
0x50: {  	_ =	shalt  }
0x51: {  	_ =	shalt  }
0x52: {  	_ =	shalt  }
0x53: {  	_ =	shalt  }
0x54: {  	_ =	shalt  }
0x55: {  	_ =	shalt  }
0x56: {  	_ =	shalt  }
0x57: {  	_ =	shalt  }
0x58: {  	_ =	shalt  }
0x59: {  	_ =	shalt  }
0x5a: {  	_ =	shalt  }
0x5b: {  	_ =	shalt  }
0x5c: {  	_ =	shalt  }
0x5d: {  	_ =	shalt  }
0x5e: {  	_ =	shalt  }
0x5f: {  	_ =	shalt  }
0x60: {  	_ =	shalt  }
0x61: {  	_ =	shalt  }
0x62: {  	_ =	shalt  }
0x63: {  	_ =	shalt  }
0x64: {  	_ =	shalt  }
0x65: {  	_ =	shalt  }
0x66: {  	_ =	shalt  }
0x67: {  	_ =	shalt  }
0x68: {  	_ =	shalt  }
0x69: {  	_ =	shalt  }
0x6a: {  	_ =	shalt  }
0x6b: {  	_ =	shalt  }
0x6c: {  	_ =	shalt  }
0x6d: {  	_ =	shalt  }
0x6e: {  	_ =	shalt  }
0x6f: {  	_ =	shalt  }
0x70: {  	_ =	shalt  }
0x71: {  	_ =	shalt  }
0x72: {  	_ =	shalt  }
0x73: {  	_ =	shalt  }
0x74: {  	_ =	shalt  }
0x75: {  	_ =	shalt  }
0x76: {  	_ =	shalt  }
0x77: {  	_ =	shalt  }
0x78: {  	_ =	shalt  }
0x79: {  	_ =	shalt  }
0x7a: {  	_ =	shalt  }
0x7b: {  	_ =	shalt  }
0x7c: {  	_ =	shalt  }
0x7d: {  	_ =	shalt  }
0x7e: {  	_ =	shalt  }
0x7f: {  	_ =	shalt  }
0x80: {  	_ =	shalt  }
0x81: {  	_ =	shalt  }
0x82: {  	_ =	shalt  }
0x83: {  	_ =	shalt  }
0x84: {  	_ =	shalt  }
0x85: {  	_ =	shalt  }
0x86: {  	_ =	shalt  }
0x87: {  	_ =	shalt  }
.Lfunc_end0:
.L_simem_size_0:
called_computation_lowered:
.L_overlay_start_0:
0x88: {  	s2 =	sld [smem:$0x3FD9]  }
0x89: {  	s3 =	sld [smem:$0x3FFE];
	_ =	sdelay $0x1  }
0x8a: {  	s1 =	srdreg.scid  }
0x8b: {  	s0 =	sand.u32 $0x1, s1  }
0x8c: {  	s17 =	sshll.u32 s0, $0xA;
	s2 =	sadd.s32 s3, s2  }
0x8d: {  	s2 =	sadd.s32 s2, s17  }
0x8e: {  	[smem:$0x3FC3] =	sst s2  }
0x8f: {  	_ = 	snop  }
0x90: {  	s2 =	sld [smem:$0x3FC9]  }
0x91: {  	s18 =	sld [smem:$0x3FC8]  }
0x92: {  	s4 =	sld [smem:$0x3FC7]  }
0x93: {  	s5 =	sld [smem:$0x3FD0];
	(tm) =	ssettm $0x1  }
0x94: {  	s6 =	sld [smem:$0x3FFB];
	_ =	sdelay $0x3  }
0x95: {  	_ =	strace s6  }
0x96: {  	s6 =	sld [smem:$0x3FFC];
	_ =	sdelay $0x3  }
0x97: {  	_ =	strace s6  }
0x98: {  	s6 =	sld [smem:$0x3FFD];
	_ =	sdelay $0x3  }
0x99: {  	_ =	strace s6  }
0x9a: {  	_ =	strace $0x8FFFFFFF  }
0x9b: {  	s19 =	sld [smem:$0x3FDB];
	_ =	sdelay $0x1  }
0x9c: {  	s7 =	simm.s32 $_scs_section_size  }
0x9d: {  	s8 =	simm.s32 $_size__tile_overlayer_lowered;
	s9 =	simm.s32 $_tile_overlayer_lowered  }
0x9e: {  	s22 =	simm.s32 $0x1BFF;
	s21 =	sshll.u32 s9, $0x1;
	s6 =	sadd.s32 s7, s19  }
0x9f: {  	s10 =	simm.s32 $0x0;
	s20 =	sshll.u32 s8, $0x1;
	s8 =	sadd.s32 s21, s6  }
0xa0: {  	[timem:s10], [sflag:s22] =	dma.local [hbm:s8], s20  }
0xa1: {  	_ =	swait.ge [sflag:s22], s20  }
0xa2: {  	s7 =	ssub.s32 $0x0, s20;
	[sflag:s22] =	ssyncset.done $0x0  }
0xa3: {  	[sflag:s22] =	ssyncadd.s32 s7;
	_ =	sdelay $0x1  }
0xa4: {  	s23 =	simm.s32 $0x1B8B  }
0xa5: {  	_ =	swait.ge [sflag:s23], $0x1  }
0xa6: {  	[sflag:s23] =	ssyncset.done $0x0  }
0xa7: {  	s25 =	simm.s32 $0x1B8E;
	s24 =	sld [smem:$0x3FFE];
	[sflag:s23] =	ssyncadd.s32 $0xFFFFFFFF  }
0xa8: {  	s26 =	simm.s32 $execute0_lowered;
	[smem:$0x3FD2] =	sst s25  }
0xa9: {  	s8 =	sshll.u32 s26, $0x1;
	_ =	strace $0x80000046;
	[dreg:$0x1] =	wrdreg $0xFFFFFFFF  }
0xaa: {  	s28 =	simm.s32 $_size_execute0_lowered;
	s6 =	sadd.s32 s6, s8;
	[dreg:$0x0] =	wrdreg $0x0  }
0xab: {  	s8 =	sshll.u32 s28, $0x1;
	[dreg:$0x2] =	wrdreg s6  }
0xac: {  	[dreg:$0x3] =	wrdreg s8  }
0xad: {  	[dreg:$0x4] =	wrdreg $0xC0  }
0xae: {  	_ =	task [dreg:s10], $0x5FFFF  }
0xaf: {  	[dreg:$0x1] =	wrdreg $0xFFFFFFFF  }
0xb0: {  	[dreg:$0x0] =	wrdreg $0x60  }
0xb1: {  	[dreg:$0x2] =	wrdreg s2  }
0xb2: {  	[dreg:$0x3] =	wrdreg s18  }
0xb3: {  	[dreg:$0x4] =	wrdreg s4  }
0xb4: {  	[dreg:$0x5] =	wrdreg s24  }
0xb5: {  	[dreg:$0x6] =	wrdreg s5  }
0xb6: {  	[dreg:$0x7] =	wrdreg $0x9  }
0xb7: {  	_ =	task.clear_ibuf [dreg:s10], $0x8FFFF;
	_ =	strace $0x90000046  }
0xb8: {  	s29 =	simm.s32 $0x9;
	_ =	strace $0x80000048  }
0xb9: {  	_ =	swait.ge [sflag:s29], $0x1  }
0xba: {  	[sflag:s29] =	ssyncadd.s32 $0xFFFFFFFF  }
0xbb: {  	_ =	strace $0x90000048  }
0xbc: {  	_ =	sfence  }
0xbd: {  	s30 =	sld [smem:$0x0];
	_ =	sdelay $0x2  }
0xbe: {  	s31 =	sshll.u32 s1, $0xD;
	s1 =	sshrl.u32 s1, $0x2  }
0xbf: {  	s3 =	sand.u32 $0x4000, s31;
	s1 =	sadd.s32 s1, s30  }
0xc0: {  	s0 =	sor.u32 s3, s0;
	s1 =	sshll.u32 s1, $0x11  }
0xc1: {  	s0 =	sor.u32 s1, s0  }
0xc2: {  	s0 =	sadd.s32 $0x8F2B, s0  }
0xc3: {  	[sflag:s0] =	ssyncadd.remote.s32 $0x1  }
0xc4: {  	_ =	sfence.sel $0xFFFF  }
0xc5: {  	[dreg:$0x0] =	wrdreg $0xFFFFFFFF;
	(pc) =	sbr.abs _section_cstart, $3  }
0xc6: {  	[dreg:$0x1] =	wrdreg $0xFFFFFFFF  }
0xc7: {  	_ =	task.clear_ibuf [dreg:s10], $0x2FFFF;
	_ =	strace $0x9FFFFFFF  }
0xc8: {  	(tm) =	ssettm $0x7FFFFFFF  }
0xc9: {  	_ =	shalt  }
tec
execute0_lowered:
.L_overlay_start_1:
0x0: {  	(tag) =	ssettag $0x1  }
0x1: {  	s0 =	rddreg [dreg:$0x0]  }
0x2: {  	s3 =	rddreg [dreg:$0x1]  }
0x3: {  	s1 =	rddreg [dreg:$0x2]  }
0x4: {  	s4 =	rddreg [dreg:$0x3]  }
0x5: {  	s7 =	rddreg [dreg:$0x4];
	s2 =	simm.s32 $0x0;
	s5 =	srdreg.scid  }
0x6: {  	s9 =	stileid.u32;
	s10 =	simm.s32 $0x200;
	s12 =	simm.s32 $0x80  }
0x7: {  	s13 =	simm.s32 $0x400;
	s14 =	simm.s32 $0xC400;
	s19 =	simm.s32 $0x8400  }
0x8: {  	s20 =	simm.s32 $0x300;
	s21 =	simm.s32 $0x14400;
	s22 =	simm.s32 $0x1  }
0x9: {  	s23 =	simm.s32 $0x180;
	s24 =	simm.s32 $0x380;
	s25 =	simm.s32 $0x2  }
0xa: {  	s26 =	simm.s32 $0x3;
	s28 =	simm.s32 $0x18A50;
	s29 =	simm.s32 $0x0  }
0xb: {  	[smem:$0x7FF] =	sst s2;
	s5 =	sand.u32 $0x1, s5;
	s9 =	sshll.u32 s9, $0x7  }
0xc: {  	s4 =	sadd.s32 $0x400, s4;
	s6 =	ssub.s32 $0x2, s5;
	s5 =	sshll.u32 s5, $0x6  }
0xd: {  	_ =	strace $0x80000047;
	s8 =	sshrl.u32 s6, $0x1;
	s9 =	sor.u32 s5, s9  }
0xe: {  	s8 =	ssub.s32 s6, s8;
	s5 =	sadd.s32 s0, s9;
	s6 =	sadd.s32 s3, s9  }
0xf: {  	vm0 =	vcmask $0x3F3C;
	s7 =	sadd.s32 s7, s9;
	s9 =	simm.s32 $0x4;
	s8 =	smax.u32 s8, $0x1  }
.LBB2_1:
0x10: {  	[tilespmem:s2], [sflag:$0x4] =	stream.linear.gather [hbm4b:s5+s2], $0x200, $0x38;
	[tilespmem:$0x18C50] =	vst v63  }
0x11: {  	_ =	swait.ge [sflag:s9], $0x200  }
0x12: {  	[sflag:s9] =	ssyncset.done $0x0  }
0x13: {  	[sflag:s9] =	ssyncadd.s32 $0xFFFFFE00  }
0x14: {  	[tilespmem:s10], [sflag:$0x4] =	stream.linear.gather [hbm4b:s6+s2], $0x200, $0x38;
	[tilespmem:$0x18C50] =	vst v63  }
0x15: {  	_ =	swait.ge [sflag:s9], $0x200  }
0x16: {  	[sflag:s9] =	ssyncset.done $0x0  }
0x17: {  	s0 =	simm.s32 $0x18400;
	[sflag:s9] =	ssyncadd.s32 $0xFFFFFE00  }
0x18: {  	[tilespmem:s0], [sflag:$0x4] =	stream.linear.gather [hbm4b:s4+s2], $0x20, $0x38;
	[tilespmem:$0x18C50] =	vst v63  }
0x19: {  	_ =	swait.ge [sflag:s9], $0x20  }
0x1a: {  	[sflag:s9] =	ssyncset.done $0x0  }
0x1b: {  	[sflag:s9] =	ssyncadd.s32 $0xFFFFFFE0  }
0x1c: {  	[tilespmem:s13], [sflag:$0x1] =	stream.indirect.gather [hbm4b:s1+s12], $0x80, s2, s12, $0xb8;
	[tilespmem:$0x18C50] =	vst v63  }
0x1d: {  	_ = 	snop  }
0x1e: {  	[tilespmem:s14], [sflag:$0x1] =	stream.indirect.gather [hbm4b:s1+s12], $0x80, s10, s12, $0xb8;
	[tilespmem:$0x18C50] =	vst v63  }
0x1f: {  	s11 =	simm.s32 $0x4400  }
0x20: {  	[tilespmem:s11], [sflag:$0x2] =	stream.indirect.gather [hbm4b:s1+s12], $0x80, s12, s12, $0xb8;
	[tilespmem:$0x18C50] =	vst v63  }
0x21: {  	s15 =	simm.s32 $0x280;
	s3 =	simm.s32 $0x10400  }
0x22: {  	[tilespmem:s3], [sflag:$0x2] =	stream.indirect.gather [hbm4b:s1+s12], $0x80, s15, s12, $0xb8;
	[tilespmem:$0x18C50] =	vst v63  }
0x23: {  	s16 =	simm.s32 $0x100  }
0x24: {  	[tilespmem:s19], [sflag:$0x3] =	stream.indirect.gather [hbm4b:s1+s12], $0x80, s16, s12, $0xb8;
	[tilespmem:$0x18C50] =	vst v63  }
0x25: {  	_ = 	snop  }
0x26: {  	[tilespmem:s21], [sflag:$0x3] =	stream.indirect.gather [hbm4b:s1+s12], $0x80, s20, s12, $0xb8;
	[tilespmem:$0x18C50] =	vst v63  }
0x27: {  	_ =	swait.ge [sflag:s22], $0x4000  }
0x28: {  	[sflag:s22] =	ssyncset.done $0x0  }
0x29: {  	[sflag:s22] =	ssyncadd.s32 $0xFFFFC000  }
0x2a: {  	_ =	swait.ge [sflag:s22], $0x4000  }
0x2b: {  	[sflag:s22] =	ssyncset.done $0x0  }
0x2c: {  	s17 =	simm.s32 $0x480;
	[sflag:s22] =	ssyncadd.s32 $0xFFFFC000  }
0x2d: {  	v0 =	vld [tilespmem:s17+$0x40]  }
0x2e: {  	v1 =	vld [tilespmem:s17+$0x10]  }
0x2f: {  	v2 =	vld [tilespmem:s17+$0x0]  }
0x30: {  	s18 =	simm.s32 $0xC480;
	v3 =	vld [tilespmem:s17+$0x20]  }
0x31: {  	v4 =	vld [tilespmem:s18+$0x10]  }
0x32: {  	v5 =	vld [tilespmem:s18+$0x0]  }
0x33: {  	v6 =	vld [tilespmem:s17+$0x30]  }
0x34: {  	v7 =	vld [tilespmem:s18+$0x20]  }
0x35: {  	v10 =	vld [tilespmem:s17+$0x50]  }
0x36: {  	v11 =	vld [tilespmem:s18+$0x30];
	v8 =	vmul.f32 v2, v2;
	v9 =	vmul.f32 v1, v1  }
0x37: {  	v12 =	vld [tilespmem:s17+$0x60];
	v13 =	vmul.f32 v5, v5;
	v14 =	vmul.f32 v4, v4  }
0x38: {  	v15 =	vld [tilespmem:s18+$0x40];
	v2 =	vmul.f32 v5, v2;
	v17 =	vmul.f32 v0, v0  }
0x39: {  	v16 =	vld [tilespmem:s18+$0x50];
	v1 =	vmul.f32 v4, v1;
	v8 =	vadd.f32 v9, v8;
	v9 =	vmul.f32 v3, v3  }
0x3a: {  	v4 =	vld [tilespmem:s18+$0xFFFFFF80];
	v18 =	vmul.f32 v10, v10;
	v13 =	vadd.f32 v14, v13;
	v2 =	vadd.f32 $0.0e+00, v2  }
0x3b: {  	v14 =	vmul.f32 v7, v7;
	v5 =	vadd.f32 v9, v8;
	v8 =	vld [tilespmem:s17+$0x70];
	v9 =	vmul.f32 v6, v6  }
0x3c: {  	v46 =	vmul.f32 v12, v12;
	v1 =	vadd.f32 v1, v2;
	v2 =	vmul.f32 v7, v3;
	v3 =	vld [tilespmem:s17+$0xFFFFFF80]  }
0x3d: {  	v50 =	vld [tilespmem:s18+$0xFFFFFFC0];
	v5 =	vadd.f32 v9, v5;
	v9 =	vadd.f32 v14, v13;
	v13 =	vmul.f32 v11, v11  }
0x3e: {  	v0 =	vmul.f32 v15, v0;
	v14 =	vld [tilespmem:s18+$0x60];
	v1 =	vadd.f32 v2, v1;
	v2 =	vmul.f32 v11, v6  }
0x3f: {  	v48 =	vmul.f32 v4, v4;
	v6 =	vld [tilespmem:s17+$0xFFFFFF90];
	v7 =	vadd.f32 v13, v9;
	v9 =	vmul.f32 v15, v15  }
0x40: {  	v11 =	vld [tilespmem:s18+$0xFFFFFF90];
	v5 =	vadd.f32 v17, v5;
	v1 =	vadd.f32 v2, v1;
	v47 =	vmul.f32 v8, v8  }
0x41: {  	v13 =	vld [tilespmem:s18+$0x70];
	v4 =	vmul.f32 v4, v3;
	v7 =	vadd.f32 v9, v7;
	v9 =	vmul.f32 v16, v16  }
0x42: {  	v2 =	vld [tilespmem:s17+$0xFFFFFFA0];
	v5 =	vadd.f32 v18, v5;
	v0 =	vadd.f32 v0, v1;
	v1 =	vmul.f32 v16, v10  }
0x43: {  	s11 =	simm.s32 $0x580;
	v15 =	vld [tilespmem:s18+$0xFFFFFFA0];
	v3 =	vmul.f32 v3, v3;
	v4 =	vadd.f32 $0.0e+00, v4;
	v7 =	vadd.f32 v9, v7  }
0x44: {  	v53 =	vld [tilespmem:s11+$0x10];
	v9 =	vmul.f32 v14, v14;
	v0 =	vadd.f32 v1, v0;
	v1 =	vmul.f32 v14, v12  }
0x45: {  	v10 =	vld [tilespmem:s17+$0xFFFFFFB0];
	v5 =	vadd.f32 v46, v5;
	v14 =	vmul.f32 v11, v6;
	v6 =	vmul.f32 v6, v6  }
0x46: {  	v11 =	vmul.f32 v11, v11;
	v49 =	vmul.f32 v13, v13;
	v7 =	vadd.f32 v9, v7;
	v9 =	vld [tilespmem:s18+$0xFFFFFFB0]  }
0x47: {  	v12 =	vld [tilespmem:s17+$0xFFFFFFC0];
	v8 =	vmul.f32 v13, v8;
	v5 =	vadd.f32 v47, v5;
	v4 =	vadd.f32 v14, v4  }
0x48: {  	v51 =	vld [tilespmem:s18+$0xFFFFFFD0];
	v14 =	vmul.f32 v15, v2;
	v3 =	vadd.f32 v6, v3;
	v2 =	vmul.f32 v2, v2  }
0x49: {  	v13 =	vmul.f32 v15, v15;
	v0 =	vadd.f32 v1, v0;
	v1 =	vld [tilespmem:s17+$0xFFFFFFD0];
	v11 =	vadd.f32 v11, v48  }
0x4a: {  	v54 =	vmul.f32 v53, v53;
	v6 =	vld [tilespmem:s17+$0xFFFFFFE0];
	v4 =	vadd.f32 v14, v4;
	v2 =	vadd.f32 v2, v3  }
0x4b: {  	v14 =	vld [tilespmem:s18+$0xFFFFFFE0];
	v11 =	vadd.f32 v13, v11;
	v3 =	vmul.f32 v9, v10;
	v10 =	vmul.f32 v10, v10  }
0x4c: {  	v52 =	vld [tilespmem:s18+$0xFFFFFFF0];
	v0 =	vadd.f32 v8, v0;
	v13 =	vmul.f32 v50, v12;
	v9 =	vmul.f32 v9, v9  }
0x4d: {  	s30 =	simm.s32 $0xC580;
	v15 =	vld [tilespmem:s17+$0xFFFFFFF0];
	v3 =	vadd.f32 v3, v4;
	v2 =	vadd.f32 v10, v2;
	v4 =	vmul.f32 v12, v12  }
0x4e: {  	v19 =	vld [tilespmem:s30+$0x20];
	v9 =	vadd.f32 v9, v11;
	v11 =	vmul.f32 v50, v50;
	v12 =	vmul.f32 v51, v1  }
0x4f: {  	v1 =	vmul.f32 v1, v1;
	v3 =	vadd.f32 v13, v3;
	v2 =	vadd.f32 v4, v2;
	v4 =	vld [tilespmem:s11+$0x0]  }
0x50: {  	v8 =	vadd.f32 v11, v9;
	v9 =	vmul.f32 v51, v51;
	v11 =	vld [tilespmem:s11+$0x20];
	v13 =	vmul.f32 v14, v6  }
0x51: {  	v6 =	vmul.f32 v6, v6;
	v3 =	vadd.f32 v12, v3;
	v1 =	vadd.f32 v1, v2;
	v12 =	vld [tilespmem:s30+$0x0]  }
0x52: {  	v2 =	vld [tilespmem:s30+$0x10];
	v8 =	vadd.f32 v9, v8;
	v9 =	vmul.f32 v14, v14;
	v14 =	vmul.f32 v52, v15  }
0x53: {  	v3 =	vadd.f32 v13, v3;
	v13 =	vmul.f32 v15, v15;
	v15 =	vld [tilespmem:s11+$0x30];
	v1 =	vadd.f32 v6, v1  }
0x54: {  	v55 =	vld [tilespmem:s30+$0x30];
	v8 =	vadd.f32 v9, v8;
	v9 =	vmul.f32 v52, v52;
	v6 =	vmul.f32 v4, v4  }
0x55: {  	v7 =	vadd.f32 v49, v7;
	v10 =	vld [tilespmem:s11+$0x40];
	v1 =	vadd.f32 v13, v1;
	v13 =	vmul.f32 v11, v11  }
0x56: {  	v56 =	vld [tilespmem:s11+$0x60];
	(xrf2) =	vadd.scan.msk.f32 $0xffff, v5;
	v5 =	vadd.f32 v9, v8;
	v6 =	vadd.f32 v54, v6;
	v8 =	vmul.f32 v12, v12  }
0x57: {  	(xrf2) =	vadd.scan.msk.f32 $0xffff, v7;
	v3 =	vadd.f32 v14, v3;
	v14 =	vld [tilespmem:s11+$0x50];
	v9 =	vmul.f32 v2, v2;
	v4 =	vmul.f32 v12, v4  }
0x58: {  	v57 =	vld [tilespmem:s30+$0xFFFFFF80];
	(xrf2) =	vadd.scan.msk.f32 $0xffff, v0;
	v2 =	vmul.f32 v2, v53;
	v6 =	vadd.f32 v13, v6;
	v7 =	vmul.f32 v15, v15  }
0x59: {  	v12 =	vld [tilespmem:s30+$0x40];
	v0 =	vadd.f32 v9, v8;
	v8 =	vmul.f32 v19, v19;
	v4 =	vadd.f32 $0.0e+00, v4  }
0x5a: {  	(xrf2) =	vadd.scan.msk.f32 $0xffff, v3;
	v9 =	vmul.f32 v10, v10;
	v13 =	vld [tilespmem:s11+$0x70];
	v6 =	vadd.f32 v7, v6  }
0x5b: {  	v3 =	vmul.f32 v19, v11;
	(xrf2) =	vadd.scan.msk.f32 $0xffff, v1;
	v7 =	vld [tilespmem:s30+$0x50];
	v0 =	vadd.f32 v8, v0;
	v2 =	vadd.f32 v2, v4  }
0x5c: {  	v8 =	vmul.f32 v55, v55;
	v20 =	vmul.f32 v14, v14;
	v4 =	vadd.f32 v9, v6;
	v6 =	vld [tilespmem:s30+$0x60]  }
0x5d: {  	v11 =	vmul.f32 v56, v56;
	v9 =	vld [tilespmem:s11+$0xFFFFFF80];
	v1 =	vadd.f32 v3, v2;
	v2 =	vmul.f32 v55, v15  }
0x5e: {  	(xrf2) =	vadd.scan.msk.f32 $0xffff, v5;
	v5 =	vld [tilespmem:s30+$0xFFFFFF90];
	v0 =	vadd.f32 v8, v0;
	v8 =	vmul.f32 v12, v12;
	v3 =	vadd.f32 v20, v4  }
0x5f: {  	v58 =	vmul.f32 v13, v13;
	v4 =	vld [tilespmem:s30+$0x70];
	v1 =	vadd.f32 v2, v1;
	v2 =	vmul.f32 v12, v10  }
0x60: {  	v15 =	vld [tilespmem:s11+$0xFFFFFF90];
	v0 =	vadd.f32 v8, v0;
	v10, _, _ =	vpop (xrf2);
	v8 =	vmul.f32 v7, v7;
	v3 =	vadd.f32 v11, v3  }
0x61: {  	v59, _, _ =	vpop (xrf2);
	v11 =	vmul.f32 v57, v57;
	v1 =	vadd.f32 v2, v1;
	v2 =	vmul.f32 v7, v14  }
0x62: {  	s0 =	simm.s32 $0x18421;
	v60 =	vld [tilespmem:s30+$0xFFFFFFA0];
	v7, _, _ =	vpop (xrf2);
	v0 =	vadd.f32 v8, v0;
	v8 =	vmul.f32 v6, v6;
	v14 =	vmul.f32 v57, v9  }
0x63: {  	v12 =	vld [tilespmem:s11+$0xFFFFFFA0];
	[tilespmem:s0+$0x0] =	vst.msk vm0, v7;
	v7 =	vmul.f32 v9, v9;
	v3 =	vadd.f32 v58, v3;
	v1 =	vadd.f32 v2, v1  }
0x64: {  	s3 =	simm.s32 $0x18631;
	v61 =	vld [tilespmem:s11+$0xFFFFFFB0];
	v62, _, _ =	vpop (xrf2);
	v2 =	vmul.f32 v6, v56;
	v0 =	vadd.f32 v8, v0;
	v8 =	vmul.f32 v4, v4  }
0x65: {  	v9 =	vld [tilespmem:s30+$0xFFFFFFB0];
	[tilespmem:s3+$0x0] =	vst.msk vm0, v10;
	v10 =	vmul.f32 v5, v15;
	v4 =	vmul.f32 v4, v13;
	v13, _, _ =	vpop (xrf2);
	(xrf2) =	vadd.scan.msk.f32 $0xffff, v3  }
0x66: {  	v5 =	vmul.f32 v5, v5;
	v6 =	vadd.f32 $0.0e+00, v14;
	v14 =	vld [tilespmem:s11+$0xFFFFFFC0];
	v8 =	vadd.f32 v8, v0  }
0x67: {  	v15 =	vmul.f32 v15, v15;
	v63 =	vadd.f32 v2, v1;
	v1 =	vld [tilespmem:s11+$0xFFFFFFD0]  }
0x68: {  	v5 =	vadd.f32 v5, v11;
	v11, _, _ =	vpop (xrf2);
	v0 =	vld [tilespmem:s30+$0xFFFFFFC0];
	v6 =	vadd.f32 v10, v6;
	v10 =	vmul.f32 v60, v12;
	(xrf2) =	vadd.scan.msk.f32 $0xffff, v8  }
0x69: {  	[tilespmem:s0+$0xFFFFFFFF] =	vst.msk vm0, v62;
	v7 =	vadd.f32 v15, v7;
	v2 =	vld [tilespmem:s30+$0xFFFFFFD0];
	v12 =	vmul.f32 v12, v12;
	v15 =	vadd.f32 v4, v63  }
0x6a: {  	[tilespmem:s3+$0xFFFFFFFF] =	vst.msk vm0, v13;
	v3 =	vld [tilespmem:s11+$0xFFFFFFE0];
	v13 =	vmul.f32 v9, v61;
	v6 =	vadd.f32 v10, v6;
	v10 =	vmul.f32 v60, v60  }
0x6b: {  	s31 =	simm.s32 $0x18841;
	v16 =	vmul.f32 v61, v61;
	v4 =	vld [tilespmem:s30+$0xFFFFFFE0];
	v12 =	vadd.f32 v12, v7;
	(xrf2) =	vadd.scan.msk.f32 $0xffff, v15  }
0x6c: {  	[tilespmem:s31+$0x0] =	vst.msk vm0, v59;
	v9 =	vmul.f32 v9, v9;
	v8 =	vadd.f32 v10, v5;
	v5 =	vld [tilespmem:s11+$0xFFFFFFF0];
	v10 =	vadd.f32 v13, v6  }
0x6d: {  	s15 =	simm.s32 $0x680;
	[tilespmem:s31+$0xFFFFFFFF] =	vst.msk vm0, v11;
	s11 =	simm.s32 $0x2;
	v11 =	vadd.f32 v16, v12;
	v12 =	vmul.f32 v14, v14;
	v6 =	vld [tilespmem:s30+$0xFFFFFFF0];
	v7 =	vmul.f32 v0, v14  }
.LBB2_2:
0x6e: {  	v13 =	vld [tilespmem:s15+$0x40];
	v8 =	vadd.f32 v9, v8;
	v0 =	vmul.f32 v0, v0;
	v9 =	vmul.f32 v2, v1  }
0x6f: {  	v1 =	vmul.f32 v1, v1;
	v14 =	vld [tilespmem:s15+$0x10];
	v7 =	vadd.f32 v7, v10;
	v16 =	vadd.f32 v12, v11;
	v11, _, _ =	vpop (xrf2)  }
0x70: {  	v2 =	vmul.f32 v2, v2;
	v12 =	vld [tilespmem:s15+$0x0];
	v0 =	vadd.f32 v0, v8;
	v8 =	vmul.f32 v4, v3  }
0x71: {  	s30 =	sadd.s32 $0x100, s30;
	v3 =	vmul.f32 v3, v3;
	v15 =	vld [tilespmem:s15+$0x20];
	v7 =	vadd.f32 v9, v7;
	v1 =	vadd.f32 v1, v16  }
0x72: {  	v9 =	vld [tilespmem:s30+$0x10];
	v0 =	vadd.f32 v2, v0;
	v2 =	vmul.f32 v4, v4;
	v4 =	vmul.f32 v6, v5;
	v10, _, _ =	vpop (xrf2)  }
0x73: {  	v16 =	vld [tilespmem:s30+$0x0];
	v18 =	vadd.f32 v8, v7;
	v1 =	vadd.f32 v3, v1;
	v3 =	vmul.f32 v5, v5  }
0x74: {  	v5 =	vld [tilespmem:s15+$0x30];
	v0 =	vadd.f32 v2, v0;
	v2 =	vmul.f32 v6, v6  }
0x75: {  	s0 =	sadd.s32 $0x2, s0;
	v8 =	vmul.f32 v14, v14;
	v6 =	vmul.f32 v12, v12;
	v17 =	vld [tilespmem:s30+$0x20];
	v4 =	vadd.f32 v4, v18;
	v7, _, _ =	vpop (xrf2)  }
0x76: {  	s11 =	sadd.s32 $0x2, s11;
	s3 =	sadd.s32 $0x2, s3;
	v1 =	vadd.f32 v3, v1;
	v18 =	vld [tilespmem:s15+$0x50];
	v0 =	vadd.f32 v2, v0;
	[tilespmem:s0+$0x0] =	vst.msk vm0, v7  }
0x77: {  	s31 =	sadd.s32 $0x2, s31;
	p0 =	slt.u32 s11, $0x7E;
	v3 =	vmul.f32 v15, v15;
	v2 =	vadd.f32 v8, v6;
	v6 =	vld [tilespmem:s30+$0x30];
	[tilespmem:s3+$0x0] =	vst.msk vm0, v11;
	(xrf2) =	vadd.scan.msk.f32 $0xffff, v4  }
0x78: {  	v7 =	vmul.f32 v9, v9;
	v4 =	vmul.f32 v16, v16;
	v8 =	vld [tilespmem:s15+$0x60];
	[tilespmem:s31+$0x0] =	vst.msk vm0, v10  }
0x79: {  	v10 =	vmul.f32 v16, v12;
	v2 =	vadd.f32 v3, v2;
	v3 =	vmul.f32 v5, v5;
	v11 =	vld [tilespmem:s30+$0x40]  }
0x7a: {  	v12 =	vmul.f32 v13, v13;
	v4 =	vadd.f32 v7, v4;
	v7 =	vmul.f32 v17, v17;
	v16 =	vld [tilespmem:s15+$0x70];
	(xrf2) =	vadd.scan.msk.f32 $0xffff, v1  }
0x7b: {  	v9 =	vmul.f32 v9, v14;
	v1 =	vadd.f32 $0.0e+00, v10;
	v2 =	vadd.f32 v3, v2;
	v3 =	vld [tilespmem:s30+$0x50]  }
0x7c: {  	v14 =	vmul.f32 v18, v18;
	v10 =	vld [tilespmem:s30+$0xFFFFFF80];
	v4 =	vadd.f32 v7, v4;
	v7 =	vmul.f32 v6, v6  }
0x7d: {  	v1 =	vadd.f32 v9, v1;
	v9 =	vmul.f32 v17, v15;
	v2 =	vadd.f32 v12, v2;
	v12 =	vld [tilespmem:s30+$0x60];
	(xrf2) =	vadd.scan.msk.f32 $0xffff, v0  }
0x7e: {  	v15 =	vmul.f32 v8, v8;
	v0 =	vld [tilespmem:s15+$0xFFFFFF80];
	v4 =	vadd.f32 v7, v4;
	v7 =	vmul.f32 v11, v11  }
0x7f: {  	v5 =	vmul.f32 v6, v5;
	v1 =	vadd.f32 v9, v1;
	v2 =	vadd.f32 v14, v2;
	v6 =	vld [tilespmem:s30+$0x70]  }
0x80: {  	v14 =	vmul.f32 v16, v16;
	v9 =	vld [tilespmem:s15+$0xFFFFFF90];
	v4 =	vadd.f32 v7, v4;
	v7 =	vmul.f32 v3, v3  }
0x81: {  	v1 =	vadd.f32 v5, v1;
	v5 =	vmul.f32 v11, v13;
	v17 =	vld [tilespmem:s30+$0xFFFFFF90];
	v2 =	vadd.f32 v15, v2;
	v11, _, _ =	vpop (xrf2)  }
0x82: {  	v13 =	vmul.f32 v10, v10;
	v15 =	vld [tilespmem:s15+$0xFFFFFFA0];
	v4 =	vadd.f32 v7, v4;
	v7 =	vmul.f32 v12, v12;
	[tilespmem:s0+$0xFFFFFFFF] =	vst.msk vm0, v11  }
0x83: {  	v3 =	vmul.f32 v3, v18;
	v1 =	vadd.f32 v5, v1;
	v11 =	vld [tilespmem:s30+$0xFFFFFFA0];
	v2 =	vadd.f32 v14, v2  }
0x84: {  	v5 =	vmul.f32 v10, v0;
	v10 =	vld [tilespmem:s15+$0xFFFFFFB0];
	v4 =	vadd.f32 v7, v4;
	v7 =	vmul.f32 v6, v6;
	v14, _, _ =	vpop (xrf2)  }
0x85: {  	v18 =	vmul.f32 v0, v0;
	v1 =	vadd.f32 v3, v1;
	v3 =	vmul.f32 v12, v8;
	v19 =	vld [tilespmem:s30+$0xFFFFFFB0];
	(xrf2) =	vadd.scan.msk.f32 $0xffff, v2  }
0x86: {  	v2 =	vadd.f32 $0.0e+00, v5;
	v5 =	vmul.f32 v17, v9;
	v12 =	vld [tilespmem:s15+$0xFFFFFFC0];
	v4 =	vadd.f32 v7, v4;
	[tilespmem:s3+$0xFFFFFFFF] =	vst.msk vm0, v14  }
0x87: {  	v6 =	vmul.f32 v6, v16;
	v7 =	vmul.f32 v9, v9;
	v3 =	vadd.f32 v3, v1;
	v0 =	vld [tilespmem:s30+$0xFFFFFFC0];
	v8, _, _ =	vpop (xrf2)  }
0x88: {  	v9 =	vmul.f32 v17, v17;
	v5 =	vadd.f32 v5, v2;
	v14 =	vmul.f32 v11, v15;
	v1 =	vld [tilespmem:s15+$0xFFFFFFD0];
	(xrf2) =	vadd.scan.msk.f32 $0xffff, v4  }
.Ltmp0:
0x89: {  	v4 =	vadd.f32 v7, v18;
	v7 =	vmul.f32 v15, v15;
	v6 =	vadd.f32 v6, v3;
	v2 =	vld [tilespmem:s30+$0xFFFFFFD0];
	[tilespmem:s31+$0xFFFFFFFF] =	vst.msk vm0, v8;
	(pc) =	sbr.rel @p0 .LBB2_2-.Ltmp0, $4  }
0x8a: {  	v8 =	vadd.f32 v9, v13;
	v13 =	vadd.f32 v14, v5;
	v5 =	vmul.f32 v11, v11;
	v3 =	vld [tilespmem:s15+$0xFFFFFFE0]  }
0x8b: {  	v15 =	vmul.f32 v10, v10;
	v11 =	vadd.f32 v7, v4;
	v14 =	vmul.f32 v19, v10;
	v4 =	vld [tilespmem:s30+$0xFFFFFFE0];
	(xrf2) =	vadd.scan.msk.f32 $0xffff, v6  }
0x8c: {  	v9 =	vmul.f32 v19, v19;
	v8 =	vadd.f32 v5, v8;
	v7 =	vmul.f32 v0, v12;
	v5 =	vld [tilespmem:s15+$0xFFFFFFF0]  }
0x8d: {  	v10 =	vadd.f32 v14, v13;
	v11 =	vadd.f32 v15, v11;
	v12 =	vmul.f32 v12, v12;
	s15 =	sadd.s32 $0x100, s15;
	v6 =	vld [tilespmem:s30+$0xFFFFFFF0]  }
0x8e: {  	v8 =	vadd.f32 v9, v8;
	v0 =	vmul.f32 v0, v0  }
0x8f: {  	v9 =	vmul.f32 v2, v1;
	v1 =	vmul.f32 v1, v1;
	v7 =	vadd.f32 v7, v10  }
0x90: {  	v2 =	vmul.f32 v2, v2;
	v10 =	vadd.f32 v12, v11;
	v0 =	vadd.f32 v0, v8  }
0x91: {  	v8 =	vmul.f32 v4, v3;
	v7 =	vadd.f32 v9, v7  }
0x92: {  	v3 =	vmul.f32 v3, v3;
	v1 =	vadd.f32 v1, v10;
	v0 =	vadd.f32 v2, v0  }
0x93: {  	v2 =	vmul.f32 v4, v4;
	v4 =	vmul.f32 v6, v5;
	v7 =	vadd.f32 v8, v7  }
0x94: {  	v1 =	vadd.f32 v3, v1;
	v3 =	vmul.f32 v5, v5  }
0x95: {  	v0 =	vadd.f32 v2, v0;
	v2 =	vmul.f32 v6, v6;
	v4 =	vadd.f32 v4, v7  }
0x96: {  	v1 =	vadd.f32 v3, v1  }
0x97: {  	v0 =	vadd.f32 v2, v0;
	(xrf2) =	vadd.scan.msk.f32 $0xffff, v4  }
0x98: {  	(xrf2) =	vadd.scan.msk.f32 $0xffff, v1  }
0x99: {  	(xrf2) =	vadd.scan.msk.f32 $0xffff, v0;
	_ =	sdelay $0x2  }
0x9a: {  	v0, _, _ =	vpop (xrf2)  }
0x9b: {  	v1, _, _ =	vpop (xrf2)  }
0x9c: {  	s0 =	sadd.s32 $0x2, s0;
	v2, _, _ =	vpop (xrf2)  }
0x9d: {  	s3 =	sadd.s32 $0x2, s3;
	[tilespmem:s0+$0x0] =	vst.msk vm0, v2  }
0x9e: {  	s11 =	sadd.s32 $0x2, s31;
	[tilespmem:s3+$0x0] =	vst.msk vm0, v0  }
0x9f: {  	[tilespmem:s11+$0x0] =	vst.msk vm0, v1;
	v0, _, _ =	vpop (xrf2)  }
0xa0: {  	[tilespmem:s0+$0xFFFFFFFF] =	vst.msk vm0, v0;
	v0, _, _ =	vpop (xrf2)  }
0xa1: {  	[tilespmem:s3+$0xFFFFFFFF] =	vst.msk vm0, v0;
	v0, _, _ =	vpop (xrf2)  }
0xa2: {  	[tilespmem:s11+$0xFFFFFFFF] =	vst.msk vm0, v0  }
0xa3: {  	[tilespmem:s13], [sflag:$0x1] =	stream.indirect.gather [hbm4b:s1+s12], $0x80, s23, s12, $0xb8;
	[tilespmem:$0x18C50] =	vst v63  }
0xa4: {  	_ = 	snop  }
0xa5: {  	[tilespmem:s14], [sflag:$0x1] =	stream.indirect.gather [hbm4b:s1+s12], $0x80, s24, s12, $0xb8;
	[tilespmem:$0x18C50] =	vst v63  }
0xa6: {  	_ =	swait.ge [sflag:s25], $0x4000  }
0xa7: {  	[sflag:s25] =	ssyncset.done $0x0  }
0xa8: {  	[sflag:s25] =	ssyncadd.s32 $0xFFFFC000  }
0xa9: {  	_ =	swait.ge [sflag:s25], $0x4000  }
0xaa: {  	[sflag:s25] =	ssyncset.done $0x0  }
0xab: {  	s18 =	simm.s32 $0x0;
	[sflag:s25] =	ssyncadd.s32 $0xFFFFC000  }
0xac: {  	v0 =	vld [tilespmem:s18+$0x44C0]  }
0xad: {  	v1 =	vld [tilespmem:s18+$0x4490]  }
0xae: {  	v2 =	vld [tilespmem:s18+$0x4480]  }
0xaf: {  	v3 =	vld [tilespmem:s18+$0x44A0]  }
0xb0: {  	v5 =	vld [tilespmem:s18+$0x10480]  }
0xb1: {  	v4 =	vld [tilespmem:s18+$0x10490]  }
0xb2: {  	v6 =	vld [tilespmem:s18+$0x44B0]  }
0xb3: {  	v7 =	vld [tilespmem:s18+$0x104A0]  }
0xb4: {  	v10 =	vld [tilespmem:s18+$0x44D0];
	v8 =	vmul.f32 v2, v2  }
0xb5: {  	v15 =	vld [tilespmem:s18+$0x104C0];
	v9 =	vmul.f32 v1, v1;
	v13 =	vmul.f32 v5, v5  }
0xb6: {  	v11 =	vld [tilespmem:s18+$0x104B0];
	v14 =	vmul.f32 v4, v4;
	v2 =	vmul.f32 v5, v2  }
0xb7: {  	v12 =	vld [tilespmem:s18+$0x44E0];
	v16 =	vmul.f32 v0, v0;
	v8 =	vadd.f32 v9, v8;
	v9 =	vmul.f32 v3, v3  }
0xb8: {  	s30 =	simm.s32 $0x100;
	v17 =	vld [tilespmem:s18+$0x104D0];
	v1 =	vmul.f32 v4, v1;
	v13 =	vadd.f32 v14, v13;
	v2 =	vadd.f32 $0.0e+00, v2  }
0xb9: {  	v56 =	vld [tilespmem:s30+$0x10490];
	v14 =	vmul.f32 v7, v7;
	v5 =	vadd.f32 v9, v8;
	v8 =	vmul.f32 v6, v6  }
0xba: {  	v18 =	vld [tilespmem:s18+$0x104E0];
	v0 =	vmul.f32 v15, v0;
	v1 =	vadd.f32 v1, v2;
	v2 =	vmul.f32 v7, v3  }
0xbb: {  	v9 =	vld [tilespmem:s18+$0x44F0];
	v4 =	vadd.f32 v8, v5;
	v8 =	vadd.f32 v14, v13;
	v13 =	vmul.f32 v11, v11  }
0xbc: {  	v5 =	vld [tilespmem:s18+$0x4400];
	v14 =	vmul.f32 v10, v10;
	v1 =	vadd.f32 v2, v1;
	v2 =	vmul.f32 v11, v6  }
0xbd: {  	v51 =	vld [tilespmem:s18+$0x104F0];
	v3 =	vadd.f32 v16, v4;
	v7 =	vadd.f32 v13, v8;
	v8 =	vmul.f32 v15, v15  }
0xbe: {  	v59 =	vmul.f32 v56, v56;
	v4 =	vld [tilespmem:s18+$0x10400];
	v13 =	vmul.f32 v12, v12;
	v1 =	vadd.f32 v2, v1  }
0xbf: {  	v6 =	vld [tilespmem:s18+$0x4410];
	v3 =	vadd.f32 v14, v3;
	v7 =	vadd.f32 v8, v7;
	v8 =	vmul.f32 v17, v17  }
0xc0: {  	v11 =	vmul.f32 v9, v9;
	v14 =	vld [tilespmem:s18+$0x10410];
	v0 =	vadd.f32 v0, v1;
	v1 =	vmul.f32 v17, v10  }
0xc1: {  	v15 =	vld [tilespmem:s18+$0x10420];
	v2 =	vadd.f32 v13, v3;
	v13 =	vmul.f32 v5, v5;
	v7 =	vadd.f32 v8, v7  }
0xc2: {  	v3 =	vld [tilespmem:s18+$0x4420];
	v8 =	vmul.f32 v18, v18;
	v0 =	vadd.f32 v1, v0;
	v1 =	vmul.f32 v18, v12  }
0xc3: {  	v10 =	vld [tilespmem:s18+$0x4430];
	v5 =	vmul.f32 v4, v5;
	v4 =	vmul.f32 v4, v4  }
0xc4: {  	v12 =	vld [tilespmem:s18+$0x4440];
	v2 =	vadd.f32 v11, v2;
	v7 =	vadd.f32 v8, v7;
	v8 =	vmul.f32 v51, v51  }
0xc5: {  	v11 =	vld [tilespmem:s18+$0x10430];
	v0 =	vadd.f32 v1, v0;
	v5 =	vadd.f32 $0.0e+00, v5;
	v52 =	vmul.f32 v14, v6  }
0xc6: {  	v1 =	vmul.f32 v51, v9;
	v6 =	vmul.f32 v6, v6;
	v7 =	vadd.f32 v8, v7;
	v8 =	vld [tilespmem:s18+$0x10440]  }
0xc7: {  	v54 =	vld [tilespmem:s18+$0x10450];
	v14 =	vmul.f32 v14, v14;
	v5 =	vadd.f32 v52, v5;
	v53 =	vmul.f32 v15, v3  }
0xc8: {  	v9 =	vld [tilespmem:s18+$0x4450];
	v0 =	vadd.f32 v1, v0;
	v6 =	vadd.f32 v6, v13;
	v3 =	vmul.f32 v3, v3  }
0xc9: {  	v1 =	vld [tilespmem:s18+$0x4460];
	v4 =	vadd.f32 v14, v4;
	v13 =	vmul.f32 v15, v15;
	v5 =	vadd.f32 v53, v5  }
0xca: {  	v14 =	vld [tilespmem:s18+$0x10460];
	v3 =	vadd.f32 v3, v6;
	v6 =	vmul.f32 v11, v10;
	v10 =	vmul.f32 v10, v10  }
0xcb: {  	v55 =	vld [tilespmem:s18+$0x10470];
	v4 =	vadd.f32 v13, v4;
	v11 =	vmul.f32 v11, v11;
	v13 =	vmul.f32 v8, v12  }
0xcc: {  	v15 =	vld [tilespmem:s18+$0x4470];
	v5 =	vadd.f32 v6, v5;
	v3 =	vadd.f32 v10, v3;
	v6 =	vmul.f32 v12, v12  }
0xcd: {  	v10 =	vld [tilespmem:s30+$0x4490];
	v4 =	vadd.f32 v11, v4;
	v8 =	vmul.f32 v8, v8;
	v11 =	vmul.f32 v54, v9  }
0xce: {  	v12 =	vld [tilespmem:s30+$0x4480];
	v5 =	vadd.f32 v13, v5;
	v3 =	vadd.f32 v6, v3;
	v6 =	vmul.f32 v9, v9  }
0xcf: {  	v9 =	vld [tilespmem:s30+$0x44A0];
	v4 =	vadd.f32 v8, v4;
	v8 =	vmul.f32 v54, v54;
	v13 =	vmul.f32 v14, v1  }
0xd0: {  	v1 =	vmul.f32 v1, v1;
	v5 =	vadd.f32 v11, v5;
	v3 =	vadd.f32 v6, v3;
	v6 =	vld [tilespmem:s30+$0x10480]  }
0xd1: {  	v19 =	vld [tilespmem:s30+$0x104A0];
	v4 =	vadd.f32 v8, v4;
	v8 =	vmul.f32 v14, v14;
	v11 =	vmul.f32 v55, v15  }
0xd2: {  	v14 =	vld [tilespmem:s30+$0x44B0];
	v57 =	vmul.f32 v10, v10;
	v10 =	vmul.f32 v56, v10;
	v5 =	vadd.f32 v13, v5  }
0xd3: {  	v20 =	vld [tilespmem:s30+$0x44C0];
	v13 =	vmul.f32 v12, v12;
	v1 =	vadd.f32 v1, v3;
	v3 =	vmul.f32 v15, v15  }
0xd4: {  	v58 =	vld [tilespmem:s30+$0x104B0];
	(xrf2) =	vadd.scan.msk.f32 $0xffff, v2;
	v4 =	vadd.f32 v8, v4;
	v8 =	vmul.f32 v55, v55;
	v15 =	vmul.f32 v9, v9  }
0xd5: {  	(xrf2) =	vadd.scan.msk.f32 $0xffff, v7;
	v7 =	vld [tilespmem:s30+$0x104C0];
	v13 =	vadd.f32 v57, v13;
	v1 =	vadd.f32 v3, v1;
	v3 =	vmul.f32 v6, v12  }
0xd6: {  	v9 =	vmul.f32 v19, v9;
	v2 =	vadd.f32 v11, v5;
	v5 =	vld [tilespmem:s30+$0x44D0];
	v11 =	vmul.f32 v6, v6  }
0xd7: {  	(xrf2) =	vadd.scan.msk.f32 $0xffff, v0;
	v0 =	vld [tilespmem:s30+$0x44E0];
	v12 =	vmul.f32 v14, v14;
	v6 =	vadd.f32 v15, v13;
	v3 =	vadd.f32 $0.0e+00, v3  }
0xd8: {  	v60 =	vld [tilespmem:s30+$0x44F0];
	v4 =	vadd.f32 v8, v4;
	v13 =	vmul.f32 v19, v19;
	v11 =	vadd.f32 v59, v11  }
0xd9: {  	v15 =	vmul.f32 v20, v20;
	(xrf2) =	vadd.scan.msk.f32 $0xffff, v2;
	v6 =	vadd.f32 v12, v6;
	v12 =	vld [tilespmem:s30+$0x104D0];
	v2 =	vadd.f32 v10, v3  }
0xda: {  	v8 =	vmul.f32 v58, v14;
	v11 =	vadd.f32 v13, v11;
	v13 =	vmul.f32 v58, v58;
	v3 =	vld [tilespmem:s30+$0x4400]  }
0xdb: {  	v10 =	vmul.f32 v5, v5;
	v6 =	vadd.f32 v15, v6;
	v15 =	vld [tilespmem:s30+$0x104E0];
	v2 =	vadd.f32 v9, v2  }
0xdc: {  	(xrf2) =	vadd.scan.msk.f32 $0xffff, v1;
	v1 =	vld [tilespmem:s30+$0x10400];
	v11 =	vadd.f32 v13, v11;
	v13 =	vmul.f32 v7, v7;
	v9 =	vmul.f32 v0, v0  }
0xdd: {  	(xrf2) =	vadd.scan.msk.f32 $0xffff, v4;
	v7 =	vmul.f32 v7, v20;
	v6 =	vadd.f32 v10, v6;
	v10 =	vld [tilespmem:s30+$0x104F0];
	v2 =	vadd.f32 v8, v2  }
0xde: {  	v61 =	vld [tilespmem:s30+$0x10410];
	v14 =	vmul.f32 v60, v60;
	v11 =	vadd.f32 v13, v11;
	v13 =	vmul.f32 v12, v12  }
0xdf: {  	v4 =	vld [tilespmem:s30+$0x4410];
	v8, _, _ =	vpop (xrf2);
	v5 =	vmul.f32 v12, v5;
	v6 =	vadd.f32 v9, v6;
	v2 =	vadd.f32 v7, v2  }
0xe0: {  	v12 =	vmul.f32 v3, v3;
	v9, _, _ =	vpop (xrf2);
	v11 =	vadd.f32 v13, v11;
	v13 =	vmul.f32 v15, v15  }
0xe1: {  	s0 =	simm.s32 $0x184A0;
	v62 =	vld [tilespmem:s30+$0x4420];
	v3 =	vmul.f32 v1, v3;
	v7, _, _ =	vpop (xrf2);
	v2 =	vadd.f32 v5, v2;
	v5 =	vmul.f32 v15, v0  }
0xe2: {  	s31 =	simm.s32 $0x186B0;
	v6 =	vadd.f32 v14, v6;
	v14 =	vld [tilespmem:s30+$0x10420];
	[tilespmem:s0+$0x1] =	vst.msk vm0, v7;
	v7 =	vadd.f32 v13, v11;
	v11 =	vmul.f32 v10, v10  }
0xe3: {  	s3 =	simm.s32 $0x188C0;
	v63 =	vld [tilespmem:s30+$0x4430];
	[tilespmem:s31+$0x1] =	vst.msk vm0, v8;
	v5 =	vadd.f32 v5, v2  }
0xe4: {  	v3 =	vadd.f32 $0.0e+00, v3;
	v13 =	vld [tilespmem:s30+$0x10430];
	(xrf2) =	vadd.scan.msk.f32 $0xffff, v6;
	[tilespmem:s3+$0x1] =	vst.msk vm0, v9;
	v9 =	vmul.f32 v61, v4  }
0xe5: {  	v0 =	vld [tilespmem:s30+$0x4440];
	v10 =	vmul.f32 v10, v60;
	v8 =	vmul.f32 v1, v1;
	v1, _, _ =	vpop (xrf2);
	v7 =	vadd.f32 v11, v7  }
0xe6: {  	[tilespmem:s0+$0x0] =	vst.msk vm0, v1;
	v4 =	vmul.f32 v4, v4;
	v1 =	vld [tilespmem:s30+$0x10440];
	v11, _, _ =	vpop (xrf2);
	v6 =	vadd.f32 v9, v3  }
0xe7: {  	v2 =	vld [tilespmem:s30+$0x4450];
	v9 =	vmul.f32 v61, v61;
	v15 =	vmul.f32 v14, v62;
	v10 =	vadd.f32 v10, v5;
	v5, _, _ =	vpop (xrf2);
	(xrf2) =	vadd.scan.msk.f32 $0xffff, v7  }
0xe8: {  	v3 =	vld [tilespmem:s30+$0x10450];
	[tilespmem:s31+$0x0] =	vst.msk vm0, v11;
	v11 =	vadd.f32 v4, v12;
	v12 =	vmul.f32 v62, v62  }
0xe9: {  	v4 =	vld [tilespmem:s30+$0x4460];
	v8 =	vadd.f32 v9, v8;
	v7 =	vadd.f32 v15, v6;
	v6 =	vmul.f32 v14, v14;
	[tilespmem:s3+$0x0] =	vst.msk vm0, v5  }
0xea: {  	v9 =	vadd.f32 v12, v11;
	v11 =	vmul.f32 v13, v63;
	v12 =	vmul.f32 v63, v63;
	v5 =	vld [tilespmem:s30+$0x10460];
	(xrf2) =	vadd.scan.msk.f32 $0xffff, v10  }
0xeb: {  	s15 =	simm.s32 $0x800;
	s11 =	simm.s32 $0x2;
	v13 =	vmul.f32 v13, v13;
	v10 =	vadd.f32 v6, v8;
	v8 =	vmul.f32 v1, v0;
	v6 =	vld [tilespmem:s30+$0x4470]  }
.LBB2_4:
0xec: {  	v7 =	vadd.f32 v11, v7;
	v9 =	vadd.f32 v12, v9;
	v0 =	vmul.f32 v0, v0;
	v11 =	vld [tilespmem:s30+$0x10470];
	s30 =	sshra.s32 s15, $0x2  }
0xed: {  	v1 =	vmul.f32 v1, v1;
	v12 =	vld [tilespmem:s30+$0x44C0];
	v10 =	vadd.f32 v13, v10;
	v13 =	vmul.f32 v3, v2  }
0xee: {  	v2 =	vmul.f32 v2, v2;
	v14 =	vld [tilespmem:s30+$0x4490];
	v7 =	vadd.f32 v8, v7;
	v0 =	vadd.f32 v0, v9;
	v8, _, _ =	vpop (xrf2)  }
0xef: {  	v3 =	vmul.f32 v3, v3;
	v9 =	vld [tilespmem:s30+$0x4480];
	v1 =	vadd.f32 v1, v10;
	v10 =	vmul.f32 v5, v4  }
0xf0: {  	v15 =	vld [tilespmem:s30+$0x44A0];
	v7 =	vadd.f32 v13, v7;
	v0 =	vadd.f32 v2, v0;
	v2 =	vmul.f32 v4, v4  }
0xf1: {  	v4 =	vld [tilespmem:s30+$0x10490];
	v1 =	vadd.f32 v3, v1;
	v3 =	vmul.f32 v5, v5;
	v5 =	vmul.f32 v11, v6;
	v13, _, _ =	vpop (xrf2)  }
0xf2: {  	v16 =	vld [tilespmem:s30+$0x10480];
	v18 =	vadd.f32 v10, v7;
	v0 =	vadd.f32 v2, v0;
	v2 =	vmul.f32 v6, v6  }
0xf3: {  	v6 =	vld [tilespmem:s30+$0x44B0];
	v1 =	vadd.f32 v3, v1;
	v3 =	vmul.f32 v11, v11  }
0xf4: {  	s11 =	sadd.s32 $0x2, s11;
	s0 =	sadd.s32 $0x2, s0;
	v11 =	vmul.f32 v14, v14;
	v10 =	vmul.f32 v9, v9;
	v17 =	vld [tilespmem:s30+$0x104A0];
	v5 =	vadd.f32 v5, v18;
	v7, _, _ =	vpop (xrf2)  }
0xf5: {  	s31 =	sadd.s32 $0x2, s31;
	p0 =	slt.u32 s11, $0x7E;
	v0 =	vadd.f32 v2, v0;
	v18 =	vld [tilespmem:s30+$0x44D0];
	v1 =	vadd.f32 v3, v1;
	[tilespmem:s0+$0x1] =	vst.msk vm0, v7  }
0xf6: {  	s3 =	sadd.s32 $0x2, s3;
	v3 =	vmul.f32 v15, v15;
	v2 =	vadd.f32 v11, v10;
	v7 =	vld [tilespmem:s30+$0x104B0];
	[tilespmem:s31+$0x1] =	vst.msk vm0, v8;
	(xrf2) =	vadd.scan.msk.f32 $0xffff, v5  }
0xf7: {  	v8 =	vmul.f32 v4, v4;
	v5 =	vmul.f32 v16, v16;
	v10 =	vld [tilespmem:s30+$0x44E0];
	[tilespmem:s3+$0x1] =	vst.msk vm0, v13  }
0xf8: {  	v9 =	vmul.f32 v16, v9;
	v2 =	vadd.f32 v3, v2;
	v3 =	vmul.f32 v6, v6;
	v11 =	vld [tilespmem:s30+$0x104C0]  }
0xf9: {  	v13 =	vmul.f32 v12, v12;
	v5 =	vadd.f32 v8, v5;
	v8 =	vmul.f32 v17, v17;
	v16 =	vld [tilespmem:s30+$0x44F0];
	(xrf2) =	vadd.scan.msk.f32 $0xffff, v0  }
0xfa: {  	v4 =	vmul.f32 v4, v14;
	v0 =	vadd.f32 $0.0e+00, v9;
	v2 =	vadd.f32 v3, v2;
	v3 =	vld [tilespmem:s30+$0x104D0]  }
0xfb: {  	v14 =	vmul.f32 v18, v18;
	v9 =	vld [tilespmem:s30+$0x4400];
	v5 =	vadd.f32 v8, v5;
	v8 =	vmul.f32 v7, v7  }
0xfc: {  	v0 =	vadd.f32 v4, v0;
	v4 =	vmul.f32 v17, v15;
	v2 =	vadd.f32 v13, v2;
	v13 =	vld [tilespmem:s30+$0x104E0];
	(xrf2) =	vadd.scan.msk.f32 $0xffff, v1  }
0xfd: {  	v15 =	vmul.f32 v10, v10;
	v1 =	vld [tilespmem:s30+$0x10400];
	v5 =	vadd.f32 v8, v5;
	v8 =	vmul.f32 v11, v11  }
0xfe: {  	v0 =	vadd.f32 v4, v0;
	v4 =	vmul.f32 v7, v6;
	v2 =	vadd.f32 v14, v2;
	v6 =	vld [tilespmem:s30+$0x104F0]  }
0xff: {  	v14 =	vmul.f32 v16, v16;
	v7 =	vld [tilespmem:s30+$0x4410];
	v5 =	vadd.f32 v8, v5;
	v8 =	vmul.f32 v3, v3  }
0x100: {  	v0 =	vadd.f32 v4, v0;
	v4 =	vmul.f32 v11, v12;
	v17 =	vld [tilespmem:s30+$0x10410];
	v2 =	vadd.f32 v15, v2;
	v11, _, _ =	vpop (xrf2)  }
0x101: {  	v12 =	vmul.f32 v9, v9;
	v15 =	vld [tilespmem:s30+$0x4420];
	v5 =	vadd.f32 v8, v5;
	v8 =	vmul.f32 v13, v13;
	[tilespmem:s0+$0x0] =	vst.msk vm0, v11  }
0x102: {  	v3 =	vmul.f32 v3, v18;
	v0 =	vadd.f32 v4, v0;
	v11 =	vld [tilespmem:s30+$0x10420];
	v2 =	vadd.f32 v14, v2  }
0x103: {  	v4 =	vmul.f32 v1, v9;
	v14 =	vld [tilespmem:s30+$0x4430];
	v5 =	vadd.f32 v8, v5;
	v8 =	vmul.f32 v6, v6;
	v9, _, _ =	vpop (xrf2)  }
0x104: {  	v10 =	vmul.f32 v13, v10;
	v18 =	vmul.f32 v1, v1;
	v3 =	vadd.f32 v3, v0;
	v19 =	vld [tilespmem:s30+$0x10430];
	(xrf2) =	vadd.scan.msk.f32 $0xffff, v2  }
0x105: {  	v2 =	vadd.f32 $0.0e+00, v4;
	v4 =	vmul.f32 v17, v7;
	v0 =	vld [tilespmem:s30+$0x4440];
	v5 =	vadd.f32 v8, v5;
	[tilespmem:s31+$0x0] =	vst.msk vm0, v9  }
0x106: {  	v6 =	vmul.f32 v6, v16;
	v7 =	vmul.f32 v7, v7;
	v8 =	vadd.f32 v10, v3;
	v1 =	vld [tilespmem:s30+$0x10440];
	v9, _, _ =	vpop (xrf2)  }
.Ltmp1:
0x107: {  	v10 =	vmul.f32 v17, v17;
	v4 =	vadd.f32 v4, v2;
	v13 =	vmul.f32 v11, v15;
	v2 =	vld [tilespmem:s30+$0x4450];
	(xrf2) =	vadd.scan.msk.f32 $0xffff, v5;
	(pc) =	sbr.rel @p0 .LBB2_4-.Ltmp1, $4  }
0x108: {  	v5 =	vadd.f32 v7, v12;
	v12 =	vmul.f32 v15, v15;
	v6 =	vadd.f32 v6, v8;
	v3 =	vld [tilespmem:s30+$0x10450];
	[tilespmem:s3+$0x0] =	vst.msk vm0, v9  }
0x109: {  	v8 =	vadd.f32 v10, v18;
	v10 =	vmul.f32 v11, v11;
	v7 =	vadd.f32 v13, v4;
	v4 =	vld [tilespmem:s30+$0x4460]  }
0x10a: {  	v9 =	vadd.f32 v12, v5;
	v11 =	vmul.f32 v19, v14;
	v12 =	vmul.f32 v14, v14;
	v5 =	vld [tilespmem:s30+$0x10460];
	(xrf2) =	vadd.scan.msk.f32 $0xffff, v6  }
0x10b: {  	s15 =	sadd.s32 $0x400, s15;
	v10 =	vadd.f32 v10, v8;
	v13 =	vmul.f32 v19, v19;
	v8 =	vmul.f32 v1, v0;
	v6 =	vld [tilespmem:s30+$0x4470]  }
0x10c: {  	v7 =	vadd.f32 v11, v7;
	v9 =	vadd.f32 v12, v9  }
0x10d: {  	v0 =	vmul.f32 v0, v0;
	v11 =	vld [tilespmem:s30+$0x10470];
	v1 =	vmul.f32 v1, v1;
	v10 =	vadd.f32 v13, v10  }
0x10e: {  	v12 =	vmul.f32 v3, v2;
	v2 =	vmul.f32 v2, v2;
	v7 =	vadd.f32 v8, v7  }
0x10f: {  	v3 =	vmul.f32 v3, v3;
	v0 =	vadd.f32 v0, v9;
	v1 =	vadd.f32 v1, v10  }
0x110: {  	v8 =	vmul.f32 v5, v4;
	v7 =	vadd.f32 v12, v7  }
0x111: {  	v0 =	vadd.f32 v2, v0;
	v2 =	vmul.f32 v4, v4;
	v1 =	vadd.f32 v3, v1  }
0x112: {  	v3 =	vmul.f32 v5, v5;
	v4 =	vmul.f32 v11, v6;
	v5 =	vadd.f32 v8, v7  }
0x113: {  	v0 =	vadd.f32 v2, v0;
	v2 =	vmul.f32 v6, v6  }
0x114: {  	v1 =	vadd.f32 v3, v1;
	v3 =	vmul.f32 v11, v11;
	v4 =	vadd.f32 v4, v5  }
0x115: {  	v0 =	vadd.f32 v2, v0  }
0x116: {  	v1 =	vadd.f32 v3, v1;
	(xrf2) =	vadd.scan.msk.f32 $0xffff, v4  }
0x117: {  	(xrf2) =	vadd.scan.msk.f32 $0xffff, v0  }
0x118: {  	(xrf2) =	vadd.scan.msk.f32 $0xffff, v1;
	_ =	sdelay $0x2  }
0x119: {  	v0, _, _ =	vpop (xrf2)  }
0x11a: {  	v1, _, _ =	vpop (xrf2)  }
0x11b: {  	s0 =	sadd.s32 $0x2, s0;
	v2, _, _ =	vpop (xrf2)  }
0x11c: {  	s11 =	sadd.s32 $0x2, s31;
	[tilespmem:s0+$0x1] =	vst.msk vm0, v2  }
0x11d: {  	s3 =	sadd.s32 $0x2, s3;
	[tilespmem:s11+$0x1] =	vst.msk vm0, v0  }
0x11e: {  	[tilespmem:s3+$0x1] =	vst.msk vm0, v1;
	v0, _, _ =	vpop (xrf2)  }
0x11f: {  	[tilespmem:s0+$0x0] =	vst.msk vm0, v0;
	v0, _, _ =	vpop (xrf2)  }
0x120: {  	[tilespmem:s11+$0x0] =	vst.msk vm0, v0;
	v0, _, _ =	vpop (xrf2)  }
0x121: {  	[tilespmem:s3+$0x0] =	vst.msk vm0, v0  }
0x122: {  	_ =	swait.ge [sflag:s26], $0x4000  }
0x123: {  	[sflag:s26] =	ssyncset.done $0x0  }
0x124: {  	[sflag:s26] =	ssyncadd.s32 $0xFFFFC000  }
0x125: {  	_ =	swait.ge [sflag:s26], $0x4000  }
0x126: {  	[sflag:s26] =	ssyncset.done $0x0  }
0x127: {  	s18 =	simm.s32 $0x0;
	[sflag:s26] =	ssyncadd.s32 $0xFFFFC000  }
0x128: {  	v0 =	vld [tilespmem:s18+$0x84C0]  }
0x129: {  	v1 =	vld [tilespmem:s18+$0x8490]  }
0x12a: {  	v2 =	vld [tilespmem:s18+$0x8480]  }
0x12b: {  	v3 =	vld [tilespmem:s18+$0x84A0]  }
0x12c: {  	v5 =	vld [tilespmem:s18+$0x14480]  }
0x12d: {  	v4 =	vld [tilespmem:s18+$0x14490]  }
0x12e: {  	v6 =	vld [tilespmem:s18+$0x84B0]  }
0x12f: {  	v7 =	vld [tilespmem:s18+$0x144A0]  }
0x130: {  	v10 =	vld [tilespmem:s18+$0x84D0];
	v8 =	vmul.f32 v2, v2  }
0x131: {  	v15 =	vld [tilespmem:s18+$0x144C0];
	v9 =	vmul.f32 v1, v1;
	v13 =	vmul.f32 v5, v5  }
0x132: {  	v11 =	vld [tilespmem:s18+$0x144B0];
	v14 =	vmul.f32 v4, v4;
	v2 =	vmul.f32 v5, v2  }
0x133: {  	v12 =	vld [tilespmem:s18+$0x84E0];
	v16 =	vmul.f32 v0, v0;
	v8 =	vadd.f32 v9, v8;
	v9 =	vmul.f32 v3, v3  }
0x134: {  	s30 =	simm.s32 $0x100;
	v17 =	vld [tilespmem:s18+$0x144D0];
	v1 =	vmul.f32 v4, v1;
	v13 =	vadd.f32 v14, v13;
	v2 =	vadd.f32 $0.0e+00, v2  }
0x135: {  	v56 =	vld [tilespmem:s30+$0x14490];
	v14 =	vmul.f32 v7, v7;
	v5 =	vadd.f32 v9, v8;
	v8 =	vmul.f32 v6, v6  }
0x136: {  	v18 =	vld [tilespmem:s18+$0x144E0];
	v0 =	vmul.f32 v15, v0;
	v1 =	vadd.f32 v1, v2;
	v2 =	vmul.f32 v7, v3  }
0x137: {  	v9 =	vld [tilespmem:s18+$0x84F0];
	v4 =	vadd.f32 v8, v5;
	v8 =	vadd.f32 v14, v13;
	v13 =	vmul.f32 v11, v11  }
0x138: {  	v5 =	vld [tilespmem:s18+$0x8400];
	v14 =	vmul.f32 v10, v10;
	v1 =	vadd.f32 v2, v1;
	v2 =	vmul.f32 v11, v6  }
0x139: {  	v51 =	vld [tilespmem:s18+$0x144F0];
	v3 =	vadd.f32 v16, v4;
	v7 =	vadd.f32 v13, v8;
	v8 =	vmul.f32 v15, v15  }
0x13a: {  	v59 =	vmul.f32 v56, v56;
	v4 =	vld [tilespmem:s18+$0x14400];
	v13 =	vmul.f32 v12, v12;
	v1 =	vadd.f32 v2, v1  }
0x13b: {  	v6 =	vld [tilespmem:s18+$0x8410];
	v3 =	vadd.f32 v14, v3;
	v7 =	vadd.f32 v8, v7;
	v8 =	vmul.f32 v17, v17  }
0x13c: {  	v11 =	vmul.f32 v9, v9;
	v14 =	vld [tilespmem:s18+$0x14410];
	v0 =	vadd.f32 v0, v1;
	v1 =	vmul.f32 v17, v10  }
0x13d: {  	v15 =	vld [tilespmem:s18+$0x14420];
	v2 =	vadd.f32 v13, v3;
	v13 =	vmul.f32 v5, v5;
	v7 =	vadd.f32 v8, v7  }
0x13e: {  	v3 =	vld [tilespmem:s18+$0x8420];
	v8 =	vmul.f32 v18, v18;
	v0 =	vadd.f32 v1, v0;
	v1 =	vmul.f32 v18, v12  }
0x13f: {  	v10 =	vld [tilespmem:s18+$0x8430];
	v5 =	vmul.f32 v4, v5;
	v4 =	vmul.f32 v4, v4  }
0x140: {  	v12 =	vld [tilespmem:s18+$0x8440];
	v2 =	vadd.f32 v11, v2;
	v7 =	vadd.f32 v8, v7;
	v8 =	vmul.f32 v51, v51  }
0x141: {  	v11 =	vld [tilespmem:s18+$0x14430];
	v0 =	vadd.f32 v1, v0;
	v5 =	vadd.f32 $0.0e+00, v5;
	v52 =	vmul.f32 v14, v6  }
0x142: {  	v1 =	vmul.f32 v51, v9;
	v6 =	vmul.f32 v6, v6;
	v7 =	vadd.f32 v8, v7;
	v8 =	vld [tilespmem:s18+$0x14440]  }
0x143: {  	v54 =	vld [tilespmem:s18+$0x14450];
	v14 =	vmul.f32 v14, v14;
	v5 =	vadd.f32 v52, v5;
	v53 =	vmul.f32 v15, v3  }
0x144: {  	v9 =	vld [tilespmem:s18+$0x8450];
	v0 =	vadd.f32 v1, v0;
	v6 =	vadd.f32 v6, v13;
	v3 =	vmul.f32 v3, v3  }
0x145: {  	v1 =	vld [tilespmem:s18+$0x8460];
	v4 =	vadd.f32 v14, v4;
	v13 =	vmul.f32 v15, v15;
	v5 =	vadd.f32 v53, v5  }
0x146: {  	v14 =	vld [tilespmem:s18+$0x14460];
	v3 =	vadd.f32 v3, v6;
	v6 =	vmul.f32 v11, v10;
	v10 =	vmul.f32 v10, v10  }
0x147: {  	v55 =	vld [tilespmem:s18+$0x14470];
	v4 =	vadd.f32 v13, v4;
	v11 =	vmul.f32 v11, v11;
	v13 =	vmul.f32 v8, v12  }
0x148: {  	v15 =	vld [tilespmem:s18+$0x8470];
	v5 =	vadd.f32 v6, v5;
	v3 =	vadd.f32 v10, v3;
	v6 =	vmul.f32 v12, v12  }
0x149: {  	v10 =	vld [tilespmem:s30+$0x8490];
	v4 =	vadd.f32 v11, v4;
	v8 =	vmul.f32 v8, v8;
	v11 =	vmul.f32 v54, v9  }
0x14a: {  	v12 =	vld [tilespmem:s30+$0x8480];
	v5 =	vadd.f32 v13, v5;
	v3 =	vadd.f32 v6, v3;
	v6 =	vmul.f32 v9, v9  }
0x14b: {  	v9 =	vld [tilespmem:s30+$0x84A0];
	v4 =	vadd.f32 v8, v4;
	v8 =	vmul.f32 v54, v54;
	v13 =	vmul.f32 v14, v1  }
0x14c: {  	v1 =	vmul.f32 v1, v1;
	v5 =	vadd.f32 v11, v5;
	v3 =	vadd.f32 v6, v3;
	v6 =	vld [tilespmem:s30+$0x14480]  }
0x14d: {  	v19 =	vld [tilespmem:s30+$0x144A0];
	v4 =	vadd.f32 v8, v4;
	v8 =	vmul.f32 v14, v14;
	v11 =	vmul.f32 v55, v15  }
0x14e: {  	v14 =	vld [tilespmem:s30+$0x84B0];
	v57 =	vmul.f32 v10, v10;
	v10 =	vmul.f32 v56, v10;
	v5 =	vadd.f32 v13, v5  }
0x14f: {  	v20 =	vld [tilespmem:s30+$0x84C0];
	v13 =	vmul.f32 v12, v12;
	v1 =	vadd.f32 v1, v3;
	v3 =	vmul.f32 v15, v15  }
0x150: {  	v58 =	vld [tilespmem:s30+$0x144B0];
	(xrf2) =	vadd.scan.msk.f32 $0xffff, v2;
	v4 =	vadd.f32 v8, v4;
	v8 =	vmul.f32 v55, v55;
	v15 =	vmul.f32 v9, v9  }
0x151: {  	(xrf2) =	vadd.scan.msk.f32 $0xffff, v7;
	v7 =	vld [tilespmem:s30+$0x144C0];
	v13 =	vadd.f32 v57, v13;
	v1 =	vadd.f32 v3, v1;
	v3 =	vmul.f32 v6, v12  }
0x152: {  	v9 =	vmul.f32 v19, v9;
	v2 =	vadd.f32 v11, v5;
	v5 =	vld [tilespmem:s30+$0x84D0];
	v11 =	vmul.f32 v6, v6  }
0x153: {  	(xrf2) =	vadd.scan.msk.f32 $0xffff, v0;
	v0 =	vld [tilespmem:s30+$0x84E0];
	v12 =	vmul.f32 v14, v14;
	v6 =	vadd.f32 v15, v13;
	v3 =	vadd.f32 $0.0e+00, v3  }
0x154: {  	v60 =	vld [tilespmem:s30+$0x84F0];
	v4 =	vadd.f32 v8, v4;
	v13 =	vmul.f32 v19, v19;
	v11 =	vadd.f32 v59, v11  }
0x155: {  	v15 =	vmul.f32 v20, v20;
	(xrf2) =	vadd.scan.msk.f32 $0xffff, v2;
	v6 =	vadd.f32 v12, v6;
	v12 =	vld [tilespmem:s30+$0x144D0];
	v2 =	vadd.f32 v10, v3  }
0x156: {  	v8 =	vmul.f32 v58, v14;
	v11 =	vadd.f32 v13, v11;
	v13 =	vmul.f32 v58, v58;
	v3 =	vld [tilespmem:s30+$0x8400]  }
0x157: {  	v10 =	vmul.f32 v5, v5;
	v6 =	vadd.f32 v15, v6;
	v15 =	vld [tilespmem:s30+$0x144E0];
	v2 =	vadd.f32 v9, v2  }
0x158: {  	(xrf2) =	vadd.scan.msk.f32 $0xffff, v1;
	v1 =	vld [tilespmem:s30+$0x14400];
	v11 =	vadd.f32 v13, v11;
	v13 =	vmul.f32 v7, v7;
	v9 =	vmul.f32 v0, v0  }
0x159: {  	(xrf2) =	vadd.scan.msk.f32 $0xffff, v4;
	v7 =	vmul.f32 v7, v20;
	v6 =	vadd.f32 v10, v6;
	v10 =	vld [tilespmem:s30+$0x144F0];
	v2 =	vadd.f32 v8, v2  }
0x15a: {  	v61 =	vld [tilespmem:s30+$0x14410];
	v14 =	vmul.f32 v60, v60;
	v11 =	vadd.f32 v13, v11;
	v13 =	vmul.f32 v12, v12  }
0x15b: {  	v4 =	vld [tilespmem:s30+$0x8410];
	v8, _, _ =	vpop (xrf2);
	v5 =	vmul.f32 v12, v5;
	v6 =	vadd.f32 v9, v6;
	v2 =	vadd.f32 v7, v2  }
0x15c: {  	v12 =	vmul.f32 v3, v3;
	v9, _, _ =	vpop (xrf2);
	v11 =	vadd.f32 v13, v11;
	v13 =	vmul.f32 v15, v15  }
0x15d: {  	s0 =	simm.s32 $0x18520;
	v62 =	vld [tilespmem:s30+$0x8420];
	v3 =	vmul.f32 v1, v3;
	v7, _, _ =	vpop (xrf2);
	v2 =	vadd.f32 v5, v2;
	v5 =	vmul.f32 v15, v0  }
0x15e: {  	s31 =	simm.s32 $0x18730;
	v6 =	vadd.f32 v14, v6;
	v14 =	vld [tilespmem:s30+$0x14420];
	[tilespmem:s0+$0x1] =	vst.msk vm0, v7;
	v7 =	vadd.f32 v13, v11;
	v11 =	vmul.f32 v10, v10  }
0x15f: {  	s3 =	simm.s32 $0x18940;
	v63 =	vld [tilespmem:s30+$0x8430];
	[tilespmem:s31+$0x1] =	vst.msk vm0, v8;
	v5 =	vadd.f32 v5, v2  }
0x160: {  	v3 =	vadd.f32 $0.0e+00, v3;
	v13 =	vld [tilespmem:s30+$0x14430];
	(xrf2) =	vadd.scan.msk.f32 $0xffff, v6;
	[tilespmem:s3+$0x1] =	vst.msk vm0, v9;
	v9 =	vmul.f32 v61, v4  }
0x161: {  	v0 =	vld [tilespmem:s30+$0x8440];
	v10 =	vmul.f32 v10, v60;
	v8 =	vmul.f32 v1, v1;
	v1, _, _ =	vpop (xrf2);
	v7 =	vadd.f32 v11, v7  }
0x162: {  	[tilespmem:s0+$0x0] =	vst.msk vm0, v1;
	v4 =	vmul.f32 v4, v4;
	v1 =	vld [tilespmem:s30+$0x14440];
	v11, _, _ =	vpop (xrf2);
	v6 =	vadd.f32 v9, v3  }
0x163: {  	v2 =	vld [tilespmem:s30+$0x8450];
	v9 =	vmul.f32 v61, v61;
	v15 =	vmul.f32 v14, v62;
	v10 =	vadd.f32 v10, v5;
	v5, _, _ =	vpop (xrf2);
	(xrf2) =	vadd.scan.msk.f32 $0xffff, v7  }
0x164: {  	v3 =	vld [tilespmem:s30+$0x14450];
	[tilespmem:s31+$0x0] =	vst.msk vm0, v11;
	v11 =	vadd.f32 v4, v12;
	v12 =	vmul.f32 v62, v62  }
0x165: {  	v4 =	vld [tilespmem:s30+$0x8460];
	v8 =	vadd.f32 v9, v8;
	v7 =	vadd.f32 v15, v6;
	v6 =	vmul.f32 v14, v14;
	[tilespmem:s3+$0x0] =	vst.msk vm0, v5  }
0x166: {  	v9 =	vadd.f32 v12, v11;
	v11 =	vmul.f32 v13, v63;
	v12 =	vmul.f32 v63, v63;
	v5 =	vld [tilespmem:s30+$0x14460];
	(xrf2) =	vadd.scan.msk.f32 $0xffff, v10  }
0x167: {  	s15 =	simm.s32 $0x800;
	s11 =	simm.s32 $0x2;
	v13 =	vmul.f32 v13, v13;
	v10 =	vadd.f32 v6, v8;
	v8 =	vmul.f32 v1, v0;
	v6 =	vld [tilespmem:s30+$0x8470]  }
.LBB2_6:
0x168: {  	v7 =	vadd.f32 v11, v7;
	v9 =	vadd.f32 v12, v9;
	v0 =	vmul.f32 v0, v0;
	v11 =	vld [tilespmem:s30+$0x14470];
	s30 =	sshra.s32 s15, $0x2  }
0x169: {  	v1 =	vmul.f32 v1, v1;
	v12 =	vld [tilespmem:s30+$0x84C0];
	v10 =	vadd.f32 v13, v10;
	v13 =	vmul.f32 v3, v2  }
0x16a: {  	v2 =	vmul.f32 v2, v2;
	v14 =	vld [tilespmem:s30+$0x8490];
	v7 =	vadd.f32 v8, v7;
	v0 =	vadd.f32 v0, v9;
	v8, _, _ =	vpop (xrf2)  }
0x16b: {  	v3 =	vmul.f32 v3, v3;
	v9 =	vld [tilespmem:s30+$0x8480];
	v1 =	vadd.f32 v1, v10;
	v10 =	vmul.f32 v5, v4  }
0x16c: {  	v15 =	vld [tilespmem:s30+$0x84A0];
	v7 =	vadd.f32 v13, v7;
	v0 =	vadd.f32 v2, v0;
	v2 =	vmul.f32 v4, v4  }
0x16d: {  	v4 =	vld [tilespmem:s30+$0x14490];
	v1 =	vadd.f32 v3, v1;
	v3 =	vmul.f32 v5, v5;
	v5 =	vmul.f32 v11, v6;
	v13, _, _ =	vpop (xrf2)  }
0x16e: {  	v16 =	vld [tilespmem:s30+$0x14480];
	v18 =	vadd.f32 v10, v7;
	v0 =	vadd.f32 v2, v0;
	v2 =	vmul.f32 v6, v6  }
0x16f: {  	v6 =	vld [tilespmem:s30+$0x84B0];
	v1 =	vadd.f32 v3, v1;
	v3 =	vmul.f32 v11, v11  }
0x170: {  	s11 =	sadd.s32 $0x2, s11;
	s0 =	sadd.s32 $0x2, s0;
	v11 =	vmul.f32 v14, v14;
	v10 =	vmul.f32 v9, v9;
	v17 =	vld [tilespmem:s30+$0x144A0];
	v5 =	vadd.f32 v5, v18;
	v7, _, _ =	vpop (xrf2)  }
0x171: {  	s31 =	sadd.s32 $0x2, s31;
	p0 =	slt.u32 s11, $0x7E;
	v0 =	vadd.f32 v2, v0;
	v18 =	vld [tilespmem:s30+$0x84D0];
	v1 =	vadd.f32 v3, v1;
	[tilespmem:s0+$0x1] =	vst.msk vm0, v7  }
0x172: {  	s3 =	sadd.s32 $0x2, s3;
	v3 =	vmul.f32 v15, v15;
	v2 =	vadd.f32 v11, v10;
	v7 =	vld [tilespmem:s30+$0x144B0];
	[tilespmem:s31+$0x1] =	vst.msk vm0, v8;
	(xrf2) =	vadd.scan.msk.f32 $0xffff, v5  }
0x173: {  	v8 =	vmul.f32 v4, v4;
	v5 =	vmul.f32 v16, v16;
	v10 =	vld [tilespmem:s30+$0x84E0];
	[tilespmem:s3+$0x1] =	vst.msk vm0, v13  }
0x174: {  	v9 =	vmul.f32 v16, v9;
	v2 =	vadd.f32 v3, v2;
	v3 =	vmul.f32 v6, v6;
	v11 =	vld [tilespmem:s30+$0x144C0]  }
0x175: {  	v13 =	vmul.f32 v12, v12;
	v5 =	vadd.f32 v8, v5;
	v8 =	vmul.f32 v17, v17;
	v16 =	vld [tilespmem:s30+$0x84F0];
	(xrf2) =	vadd.scan.msk.f32 $0xffff, v0  }
0x176: {  	v4 =	vmul.f32 v4, v14;
	v0 =	vadd.f32 $0.0e+00, v9;
	v2 =	vadd.f32 v3, v2;
	v3 =	vld [tilespmem:s30+$0x144D0]  }
0x177: {  	v14 =	vmul.f32 v18, v18;
	v9 =	vld [tilespmem:s30+$0x8400];
	v5 =	vadd.f32 v8, v5;
	v8 =	vmul.f32 v7, v7  }
0x178: {  	v0 =	vadd.f32 v4, v0;
	v4 =	vmul.f32 v17, v15;
	v2 =	vadd.f32 v13, v2;
	v13 =	vld [tilespmem:s30+$0x144E0];
	(xrf2) =	vadd.scan.msk.f32 $0xffff, v1  }
0x179: {  	v15 =	vmul.f32 v10, v10;
	v1 =	vld [tilespmem:s30+$0x14400];
	v5 =	vadd.f32 v8, v5;
	v8 =	vmul.f32 v11, v11  }
0x17a: {  	v0 =	vadd.f32 v4, v0;
	v4 =	vmul.f32 v7, v6;
	v2 =	vadd.f32 v14, v2;
	v6 =	vld [tilespmem:s30+$0x144F0]  }
0x17b: {  	v14 =	vmul.f32 v16, v16;
	v7 =	vld [tilespmem:s30+$0x8410];
	v5 =	vadd.f32 v8, v5;
	v8 =	vmul.f32 v3, v3  }
0x17c: {  	v0 =	vadd.f32 v4, v0;
	v4 =	vmul.f32 v11, v12;
	v17 =	vld [tilespmem:s30+$0x14410];
	v2 =	vadd.f32 v15, v2;
	v11, _, _ =	vpop (xrf2)  }
0x17d: {  	v12 =	vmul.f32 v9, v9;
	v15 =	vld [tilespmem:s30+$0x8420];
	v5 =	vadd.f32 v8, v5;
	v8 =	vmul.f32 v13, v13;
	[tilespmem:s0+$0x0] =	vst.msk vm0, v11  }
0x17e: {  	v3 =	vmul.f32 v3, v18;
	v0 =	vadd.f32 v4, v0;
	v11 =	vld [tilespmem:s30+$0x14420];
	v2 =	vadd.f32 v14, v2  }
0x17f: {  	v4 =	vmul.f32 v1, v9;
	v14 =	vld [tilespmem:s30+$0x8430];
	v5 =	vadd.f32 v8, v5;
	v8 =	vmul.f32 v6, v6;
	v9, _, _ =	vpop (xrf2)  }
0x180: {  	v10 =	vmul.f32 v13, v10;
	v18 =	vmul.f32 v1, v1;
	v3 =	vadd.f32 v3, v0;
	v19 =	vld [tilespmem:s30+$0x14430];
	(xrf2) =	vadd.scan.msk.f32 $0xffff, v2  }
0x181: {  	v2 =	vadd.f32 $0.0e+00, v4;
	v4 =	vmul.f32 v17, v7;
	v0 =	vld [tilespmem:s30+$0x8440];
	v5 =	vadd.f32 v8, v5;
	[tilespmem:s31+$0x0] =	vst.msk vm0, v9  }
0x182: {  	v6 =	vmul.f32 v6, v16;
	v7 =	vmul.f32 v7, v7;
	v8 =	vadd.f32 v10, v3;
	v1 =	vld [tilespmem:s30+$0x14440];
	v9, _, _ =	vpop (xrf2)  }
.Ltmp2:
0x183: {  	v10 =	vmul.f32 v17, v17;
	v4 =	vadd.f32 v4, v2;
	v13 =	vmul.f32 v11, v15;
	v2 =	vld [tilespmem:s30+$0x8450];
	(xrf2) =	vadd.scan.msk.f32 $0xffff, v5;
	(pc) =	sbr.rel @p0 .LBB2_6-.Ltmp2, $4  }
0x184: {  	v5 =	vadd.f32 v7, v12;
	v12 =	vmul.f32 v15, v15;
	v6 =	vadd.f32 v6, v8;
	v3 =	vld [tilespmem:s30+$0x14450];
	[tilespmem:s3+$0x0] =	vst.msk vm0, v9  }
0x185: {  	v8 =	vadd.f32 v10, v18;
	v10 =	vmul.f32 v11, v11;
	v7 =	vadd.f32 v13, v4;
	v4 =	vld [tilespmem:s30+$0x8460]  }
0x186: {  	v9 =	vadd.f32 v12, v5;
	v11 =	vmul.f32 v19, v14;
	v12 =	vmul.f32 v14, v14;
	v5 =	vld [tilespmem:s30+$0x14460];
	(xrf2) =	vadd.scan.msk.f32 $0xffff, v6  }
0x187: {  	s15 =	sadd.s32 $0x400, s15;
	v10 =	vadd.f32 v10, v8;
	v13 =	vmul.f32 v19, v19;
	v8 =	vmul.f32 v1, v0;
	v6 =	vld [tilespmem:s30+$0x8470]  }
0x188: {  	v7 =	vadd.f32 v11, v7;
	v9 =	vadd.f32 v12, v9  }
0x189: {  	v0 =	vmul.f32 v0, v0;
	v11 =	vld [tilespmem:s30+$0x14470];
	v1 =	vmul.f32 v1, v1;
	v10 =	vadd.f32 v13, v10  }
0x18a: {  	v12 =	vmul.f32 v3, v2;
	v2 =	vmul.f32 v2, v2;
	v7 =	vadd.f32 v8, v7  }
0x18b: {  	v3 =	vmul.f32 v3, v3;
	v0 =	vadd.f32 v0, v9;
	v1 =	vadd.f32 v1, v10  }
0x18c: {  	v8 =	vmul.f32 v5, v4;
	v7 =	vadd.f32 v12, v7  }
0x18d: {  	v0 =	vadd.f32 v2, v0;
	v2 =	vmul.f32 v4, v4;
	v1 =	vadd.f32 v3, v1  }
0x18e: {  	v3 =	vmul.f32 v5, v5;
	v4 =	vmul.f32 v11, v6;
	v5 =	vadd.f32 v8, v7  }
0x18f: {  	v0 =	vadd.f32 v2, v0;
	v2 =	vmul.f32 v6, v6  }
0x190: {  	v1 =	vadd.f32 v3, v1;
	v3 =	vmul.f32 v11, v11;
	v4 =	vadd.f32 v4, v5  }
0x191: {  	v0 =	vadd.f32 v2, v0  }
0x192: {  	v1 =	vadd.f32 v3, v1;
	(xrf2) =	vadd.scan.msk.f32 $0xffff, v4  }
0x193: {  	(xrf2) =	vadd.scan.msk.f32 $0xffff, v0  }
0x194: {  	(xrf2) =	vadd.scan.msk.f32 $0xffff, v1;
	_ =	sdelay $0x2  }
0x195: {  	v0, _, _ =	vpop (xrf2)  }
0x196: {  	v1, _, _ =	vpop (xrf2)  }
0x197: {  	s0 =	sadd.s32 $0x2, s0;
	v2, _, _ =	vpop (xrf2)  }
0x198: {  	s11 =	sadd.s32 $0x2, s31;
	[tilespmem:s0+$0x1] =	vst.msk vm0, v2  }
0x199: {  	s3 =	sadd.s32 $0x2, s3;
	[tilespmem:s11+$0x1] =	vst.msk vm0, v0  }
0x19a: {  	[tilespmem:s3+$0x1] =	vst.msk vm0, v1;
	v0, _, _ =	vpop (xrf2)  }
0x19b: {  	[tilespmem:s0+$0x0] =	vst.msk vm0, v0;
	v0, _, _ =	vpop (xrf2)  }
0x19c: {  	[tilespmem:s11+$0x0] =	vst.msk vm0, v0;
	v0, _, _ =	vpop (xrf2)  }
0x19d: {  	[tilespmem:s3+$0x0] =	vst.msk vm0, v0  }
0x19e: {  	_ =	swait.ge [sflag:s22], $0x4000  }
0x19f: {  	[sflag:s22] =	ssyncset.done $0x0  }
0x1a0: {  	[sflag:s22] =	ssyncadd.s32 $0xFFFFC000  }
0x1a1: {  	_ =	swait.ge [sflag:s22], $0x4000  }
0x1a2: {  	[sflag:s22] =	ssyncset.done $0x0  }
0x1a3: {  	s16 =	simm.s32 $0x480;
	[sflag:s22] =	ssyncadd.s32 $0xFFFFC000  }
0x1a4: {  	v0 =	vld [tilespmem:s16+$0x40]  }
0x1a5: {  	v1 =	vld [tilespmem:s16+$0x10]  }
0x1a6: {  	v2 =	vld [tilespmem:s16+$0x0]  }
0x1a7: {  	s17 =	simm.s32 $0xC480;
	v3 =	vld [tilespmem:s16+$0x20]  }
0x1a8: {  	v4 =	vld [tilespmem:s17+$0x10]  }
0x1a9: {  	v5 =	vld [tilespmem:s17+$0x0]  }
0x1aa: {  	v6 =	vld [tilespmem:s16+$0x30]  }
0x1ab: {  	v7 =	vld [tilespmem:s17+$0x20]  }
0x1ac: {  	v10 =	vld [tilespmem:s16+$0x50]  }
0x1ad: {  	v11 =	vld [tilespmem:s17+$0x30];
	v8 =	vmul.f32 v2, v2;
	v9 =	vmul.f32 v1, v1  }
0x1ae: {  	v12 =	vld [tilespmem:s16+$0x60];
	v13 =	vmul.f32 v5, v5;
	v14 =	vmul.f32 v4, v4  }
0x1af: {  	v15 =	vld [tilespmem:s17+$0x40];
	v2 =	vmul.f32 v5, v2;
	v17 =	vmul.f32 v0, v0  }
0x1b0: {  	v16 =	vld [tilespmem:s17+$0x50];
	v1 =	vmul.f32 v4, v1;
	v8 =	vadd.f32 v9, v8;
	v9 =	vmul.f32 v3, v3  }
0x1b1: {  	v4 =	vld [tilespmem:s17+$0xFFFFFF80];
	v18 =	vmul.f32 v10, v10;
	v13 =	vadd.f32 v14, v13;
	v2 =	vadd.f32 $0.0e+00, v2  }
0x1b2: {  	v14 =	vmul.f32 v7, v7;
	v5 =	vadd.f32 v9, v8;
	v8 =	vld [tilespmem:s16+$0x70];
	v9 =	vmul.f32 v6, v6  }
0x1b3: {  	v46 =	vmul.f32 v12, v12;
	v1 =	vadd.f32 v1, v2;
	v2 =	vmul.f32 v7, v3;
	v3 =	vld [tilespmem:s16+$0xFFFFFF80]  }
0x1b4: {  	v50 =	vld [tilespmem:s17+$0xFFFFFFC0];
	v5 =	vadd.f32 v9, v5;
	v9 =	vadd.f32 v14, v13;
	v13 =	vmul.f32 v11, v11  }
0x1b5: {  	v0 =	vmul.f32 v15, v0;
	v14 =	vld [tilespmem:s17+$0x60];
	v1 =	vadd.f32 v2, v1;
	v2 =	vmul.f32 v11, v6  }
0x1b6: {  	v48 =	vmul.f32 v4, v4;
	v6 =	vld [tilespmem:s16+$0xFFFFFF90];
	v7 =	vadd.f32 v13, v9;
	v9 =	vmul.f32 v15, v15  }
0x1b7: {  	v11 =	vld [tilespmem:s17+$0xFFFFFF90];
	v5 =	vadd.f32 v17, v5;
	v1 =	vadd.f32 v2, v1;
	v47 =	vmul.f32 v8, v8  }
0x1b8: {  	v13 =	vld [tilespmem:s17+$0x70];
	v4 =	vmul.f32 v4, v3;
	v7 =	vadd.f32 v9, v7;
	v9 =	vmul.f32 v16, v16  }
0x1b9: {  	v2 =	vld [tilespmem:s16+$0xFFFFFFA0];
	v5 =	vadd.f32 v18, v5;
	v0 =	vadd.f32 v0, v1;
	v1 =	vmul.f32 v16, v10  }
0x1ba: {  	s18 =	simm.s32 $0x580;
	v15 =	vld [tilespmem:s17+$0xFFFFFFA0];
	v3 =	vmul.f32 v3, v3;
	v4 =	vadd.f32 $0.0e+00, v4;
	v7 =	vadd.f32 v9, v7  }
0x1bb: {  	v53 =	vld [tilespmem:s18+$0x10];
	v9 =	vmul.f32 v14, v14;
	v0 =	vadd.f32 v1, v0;
	v1 =	vmul.f32 v14, v12  }
0x1bc: {  	v10 =	vld [tilespmem:s16+$0xFFFFFFB0];
	v5 =	vadd.f32 v46, v5;
	v14 =	vmul.f32 v11, v6;
	v6 =	vmul.f32 v6, v6  }
0x1bd: {  	v11 =	vmul.f32 v11, v11;
	v49 =	vmul.f32 v13, v13;
	v7 =	vadd.f32 v9, v7;
	v9 =	vld [tilespmem:s17+$0xFFFFFFB0]  }
0x1be: {  	v12 =	vld [tilespmem:s16+$0xFFFFFFC0];
	v8 =	vmul.f32 v13, v8;
	v5 =	vadd.f32 v47, v5;
	v4 =	vadd.f32 v14, v4  }
0x1bf: {  	v51 =	vld [tilespmem:s17+$0xFFFFFFD0];
	v14 =	vmul.f32 v15, v2;
	v3 =	vadd.f32 v6, v3;
	v2 =	vmul.f32 v2, v2  }
0x1c0: {  	v13 =	vmul.f32 v15, v15;
	v0 =	vadd.f32 v1, v0;
	v1 =	vld [tilespmem:s16+$0xFFFFFFD0];
	v11 =	vadd.f32 v11, v48  }
0x1c1: {  	v54 =	vmul.f32 v53, v53;
	v6 =	vld [tilespmem:s16+$0xFFFFFFE0];
	v4 =	vadd.f32 v14, v4;
	v2 =	vadd.f32 v2, v3  }
0x1c2: {  	v14 =	vld [tilespmem:s17+$0xFFFFFFE0];
	v11 =	vadd.f32 v13, v11;
	v3 =	vmul.f32 v9, v10;
	v10 =	vmul.f32 v10, v10  }
0x1c3: {  	v52 =	vld [tilespmem:s17+$0xFFFFFFF0];
	v0 =	vadd.f32 v8, v0;
	v13 =	vmul.f32 v50, v12;
	v9 =	vmul.f32 v9, v9  }
0x1c4: {  	s30 =	simm.s32 $0xC580;
	v15 =	vld [tilespmem:s16+$0xFFFFFFF0];
	v3 =	vadd.f32 v3, v4;
	v2 =	vadd.f32 v10, v2;
	v4 =	vmul.f32 v12, v12  }
0x1c5: {  	v19 =	vld [tilespmem:s30+$0x20];
	v9 =	vadd.f32 v9, v11;
	v11 =	vmul.f32 v50, v50;
	v12 =	vmul.f32 v51, v1  }
0x1c6: {  	v1 =	vmul.f32 v1, v1;
	v3 =	vadd.f32 v13, v3;
	v2 =	vadd.f32 v4, v2;
	v4 =	vld [tilespmem:s18+$0x0]  }
0x1c7: {  	v8 =	vadd.f32 v11, v9;
	v9 =	vmul.f32 v51, v51;
	v11 =	vld [tilespmem:s18+$0x20];
	v13 =	vmul.f32 v14, v6  }
0x1c8: {  	v6 =	vmul.f32 v6, v6;
	v3 =	vadd.f32 v12, v3;
	v1 =	vadd.f32 v1, v2;
	v12 =	vld [tilespmem:s30+$0x0]  }
0x1c9: {  	v2 =	vld [tilespmem:s30+$0x10];
	v8 =	vadd.f32 v9, v8;
	v9 =	vmul.f32 v14, v14;
	v14 =	vmul.f32 v52, v15  }
0x1ca: {  	v3 =	vadd.f32 v13, v3;
	v13 =	vmul.f32 v15, v15;
	v15 =	vld [tilespmem:s18+$0x30];
	v1 =	vadd.f32 v6, v1  }
0x1cb: {  	v55 =	vld [tilespmem:s30+$0x30];
	v8 =	vadd.f32 v9, v8;
	v9 =	vmul.f32 v52, v52;
	v6 =	vmul.f32 v4, v4  }
0x1cc: {  	v7 =	vadd.f32 v49, v7;
	v10 =	vld [tilespmem:s18+$0x40];
	v1 =	vadd.f32 v13, v1;
	v13 =	vmul.f32 v11, v11  }
0x1cd: {  	v56 =	vld [tilespmem:s18+$0x60];
	(xrf2) =	vadd.scan.msk.f32 $0xffff, v5;
	v5 =	vadd.f32 v9, v8;
	v6 =	vadd.f32 v54, v6;
	v8 =	vmul.f32 v12, v12  }
0x1ce: {  	(xrf2) =	vadd.scan.msk.f32 $0xffff, v7;
	v3 =	vadd.f32 v14, v3;
	v14 =	vld [tilespmem:s18+$0x50];
	v9 =	vmul.f32 v2, v2;
	v4 =	vmul.f32 v12, v4  }
0x1cf: {  	v57 =	vld [tilespmem:s30+$0xFFFFFF80];
	(xrf2) =	vadd.scan.msk.f32 $0xffff, v0;
	v2 =	vmul.f32 v2, v53;
	v6 =	vadd.f32 v13, v6;
	v7 =	vmul.f32 v15, v15  }
0x1d0: {  	v12 =	vld [tilespmem:s30+$0x40];
	v0 =	vadd.f32 v9, v8;
	v8 =	vmul.f32 v19, v19;
	v4 =	vadd.f32 $0.0e+00, v4  }
0x1d1: {  	(xrf2) =	vadd.scan.msk.f32 $0xffff, v3;
	v9 =	vmul.f32 v10, v10;
	v13 =	vld [tilespmem:s18+$0x70];
	v6 =	vadd.f32 v7, v6  }
0x1d2: {  	v3 =	vmul.f32 v19, v11;
	(xrf2) =	vadd.scan.msk.f32 $0xffff, v1;
	v7 =	vld [tilespmem:s30+$0x50];
	v0 =	vadd.f32 v8, v0;
	v2 =	vadd.f32 v2, v4  }
0x1d3: {  	v8 =	vmul.f32 v55, v55;
	v20 =	vmul.f32 v14, v14;
	v4 =	vadd.f32 v9, v6;
	v6 =	vld [tilespmem:s30+$0x60]  }
0x1d4: {  	v11 =	vmul.f32 v56, v56;
	v9 =	vld [tilespmem:s18+$0xFFFFFF80];
	v1 =	vadd.f32 v3, v2;
	v2 =	vmul.f32 v55, v15  }
0x1d5: {  	(xrf2) =	vadd.scan.msk.f32 $0xffff, v5;
	v5 =	vld [tilespmem:s30+$0xFFFFFF90];
	v0 =	vadd.f32 v8, v0;
	v8 =	vmul.f32 v12, v12;
	v3 =	vadd.f32 v20, v4  }
0x1d6: {  	v58 =	vmul.f32 v13, v13;
	v4 =	vld [tilespmem:s30+$0x70];
	v1 =	vadd.f32 v2, v1;
	v2 =	vmul.f32 v12, v10  }
0x1d7: {  	v15 =	vld [tilespmem:s18+$0xFFFFFF90];
	v0 =	vadd.f32 v8, v0;
	v10, _, _ =	vpop (xrf2);
	v8 =	vmul.f32 v7, v7;
	v3 =	vadd.f32 v11, v3  }
0x1d8: {  	v59, _, _ =	vpop (xrf2);
	v11 =	vmul.f32 v57, v57;
	v1 =	vadd.f32 v2, v1;
	v2 =	vmul.f32 v7, v14  }
0x1d9: {  	s0 =	simm.s32 $0x185A1;
	v60 =	vld [tilespmem:s30+$0xFFFFFFA0];
	v7, _, _ =	vpop (xrf2);
	v0 =	vadd.f32 v8, v0;
	v8 =	vmul.f32 v6, v6;
	v14 =	vmul.f32 v57, v9  }
0x1da: {  	v12 =	vld [tilespmem:s18+$0xFFFFFFA0];
	[tilespmem:s0+$0x0] =	vst.msk vm0, v7;
	v7 =	vmul.f32 v9, v9;
	v3 =	vadd.f32 v58, v3;
	v1 =	vadd.f32 v2, v1  }
0x1db: {  	s3 =	simm.s32 $0x187B1;
	v61 =	vld [tilespmem:s18+$0xFFFFFFB0];
	v62, _, _ =	vpop (xrf2);
	v2 =	vmul.f32 v6, v56;
	v0 =	vadd.f32 v8, v0;
	v8 =	vmul.f32 v4, v4  }
0x1dc: {  	v9 =	vld [tilespmem:s30+$0xFFFFFFB0];
	[tilespmem:s3+$0x0] =	vst.msk vm0, v10;
	v10 =	vmul.f32 v5, v15;
	v4 =	vmul.f32 v4, v13;
	v13, _, _ =	vpop (xrf2);
	(xrf2) =	vadd.scan.msk.f32 $0xffff, v3  }
0x1dd: {  	v5 =	vmul.f32 v5, v5;
	v6 =	vadd.f32 $0.0e+00, v14;
	v14 =	vld [tilespmem:s18+$0xFFFFFFC0];
	v8 =	vadd.f32 v8, v0  }
0x1de: {  	v15 =	vmul.f32 v15, v15;
	v63 =	vadd.f32 v2, v1;
	v1 =	vld [tilespmem:s18+$0xFFFFFFD0]  }
0x1df: {  	v5 =	vadd.f32 v5, v11;
	v11, _, _ =	vpop (xrf2);
	v0 =	vld [tilespmem:s30+$0xFFFFFFC0];
	v6 =	vadd.f32 v10, v6;
	v10 =	vmul.f32 v60, v12;
	(xrf2) =	vadd.scan.msk.f32 $0xffff, v8  }
0x1e0: {  	[tilespmem:s0+$0xFFFFFFFF] =	vst.msk vm0, v62;
	v7 =	vadd.f32 v15, v7;
	v2 =	vld [tilespmem:s30+$0xFFFFFFD0];
	v12 =	vmul.f32 v12, v12;
	v15 =	vadd.f32 v4, v63  }
0x1e1: {  	[tilespmem:s3+$0xFFFFFFFF] =	vst.msk vm0, v13;
	v3 =	vld [tilespmem:s18+$0xFFFFFFE0];
	v13 =	vmul.f32 v9, v61;
	v6 =	vadd.f32 v10, v6;
	v10 =	vmul.f32 v60, v60  }
0x1e2: {  	s31 =	simm.s32 $0x189C1;
	v16 =	vmul.f32 v61, v61;
	v4 =	vld [tilespmem:s30+$0xFFFFFFE0];
	v12 =	vadd.f32 v12, v7;
	(xrf2) =	vadd.scan.msk.f32 $0xffff, v15  }
0x1e3: {  	[tilespmem:s31+$0x0] =	vst.msk vm0, v59;
	v9 =	vmul.f32 v9, v9;
	v8 =	vadd.f32 v10, v5;
	v5 =	vld [tilespmem:s18+$0xFFFFFFF0];
	v10 =	vadd.f32 v13, v6  }
0x1e4: {  	s15 =	simm.s32 $0x680;
	s11 =	simm.s32 $0x2;
	[tilespmem:s31+$0xFFFFFFFF] =	vst.msk vm0, v11;
	v11 =	vadd.f32 v16, v12;
	v12 =	vmul.f32 v14, v14;
	v6 =	vld [tilespmem:s30+$0xFFFFFFF0];
	v7 =	vmul.f32 v0, v14  }
.LBB2_8:
0x1e5: {  	v13 =	vld [tilespmem:s15+$0x40];
	v8 =	vadd.f32 v9, v8;
	v0 =	vmul.f32 v0, v0;
	v9 =	vmul.f32 v2, v1  }
0x1e6: {  	v1 =	vmul.f32 v1, v1;
	v14 =	vld [tilespmem:s15+$0x10];
	v7 =	vadd.f32 v7, v10;
	v16 =	vadd.f32 v12, v11;
	v11, _, _ =	vpop (xrf2)  }
0x1e7: {  	v2 =	vmul.f32 v2, v2;
	v12 =	vld [tilespmem:s15+$0x0];
	v0 =	vadd.f32 v0, v8;
	v8 =	vmul.f32 v4, v3  }
0x1e8: {  	s30 =	sadd.s32 $0x100, s30;
	v3 =	vmul.f32 v3, v3;
	v15 =	vld [tilespmem:s15+$0x20];
	v7 =	vadd.f32 v9, v7;
	v1 =	vadd.f32 v1, v16  }
0x1e9: {  	v9 =	vld [tilespmem:s30+$0x10];
	v0 =	vadd.f32 v2, v0;
	v2 =	vmul.f32 v4, v4;
	v4 =	vmul.f32 v6, v5;
	v10, _, _ =	vpop (xrf2)  }
0x1ea: {  	v16 =	vld [tilespmem:s30+$0x0];
	v18 =	vadd.f32 v8, v7;
	v1 =	vadd.f32 v3, v1;
	v3 =	vmul.f32 v5, v5  }
0x1eb: {  	v5 =	vld [tilespmem:s15+$0x30];
	v0 =	vadd.f32 v2, v0;
	v2 =	vmul.f32 v6, v6  }
0x1ec: {  	s0 =	sadd.s32 $0x2, s0;
	v8 =	vmul.f32 v14, v14;
	v6 =	vmul.f32 v12, v12;
	v17 =	vld [tilespmem:s30+$0x20];
	v4 =	vadd.f32 v4, v18;
	v7, _, _ =	vpop (xrf2)  }
0x1ed: {  	s11 =	sadd.s32 $0x2, s11;
	s3 =	sadd.s32 $0x2, s3;
	v1 =	vadd.f32 v3, v1;
	v18 =	vld [tilespmem:s15+$0x50];
	v0 =	vadd.f32 v2, v0;
	[tilespmem:s0+$0x0] =	vst.msk vm0, v7  }
0x1ee: {  	s31 =	sadd.s32 $0x2, s31;
	p0 =	slt.u32 s11, $0x7E;
	v3 =	vmul.f32 v15, v15;
	v2 =	vadd.f32 v8, v6;
	v6 =	vld [tilespmem:s30+$0x30];
	[tilespmem:s3+$0x0] =	vst.msk vm0, v11;
	(xrf2) =	vadd.scan.msk.f32 $0xffff, v4  }
0x1ef: {  	v7 =	vmul.f32 v9, v9;
	v4 =	vmul.f32 v16, v16;
	v8 =	vld [tilespmem:s15+$0x60];
	[tilespmem:s31+$0x0] =	vst.msk vm0, v10  }
0x1f0: {  	v10 =	vmul.f32 v16, v12;
	v2 =	vadd.f32 v3, v2;
	v3 =	vmul.f32 v5, v5;
	v11 =	vld [tilespmem:s30+$0x40]  }
0x1f1: {  	v12 =	vmul.f32 v13, v13;
	v4 =	vadd.f32 v7, v4;
	v7 =	vmul.f32 v17, v17;
	v16 =	vld [tilespmem:s15+$0x70];
	(xrf2) =	vadd.scan.msk.f32 $0xffff, v1  }
0x1f2: {  	v9 =	vmul.f32 v9, v14;
	v1 =	vadd.f32 $0.0e+00, v10;
	v2 =	vadd.f32 v3, v2;
	v3 =	vld [tilespmem:s30+$0x50]  }
0x1f3: {  	v14 =	vmul.f32 v18, v18;
	v10 =	vld [tilespmem:s30+$0xFFFFFF80];
	v4 =	vadd.f32 v7, v4;
	v7 =	vmul.f32 v6, v6  }
0x1f4: {  	v1 =	vadd.f32 v9, v1;
	v9 =	vmul.f32 v17, v15;
	v2 =	vadd.f32 v12, v2;
	v12 =	vld [tilespmem:s30+$0x60];
	(xrf2) =	vadd.scan.msk.f32 $0xffff, v0  }
0x1f5: {  	v15 =	vmul.f32 v8, v8;
	v0 =	vld [tilespmem:s15+$0xFFFFFF80];
	v4 =	vadd.f32 v7, v4;
	v7 =	vmul.f32 v11, v11  }
0x1f6: {  	v5 =	vmul.f32 v6, v5;
	v1 =	vadd.f32 v9, v1;
	v2 =	vadd.f32 v14, v2;
	v6 =	vld [tilespmem:s30+$0x70]  }
0x1f7: {  	v14 =	vmul.f32 v16, v16;
	v9 =	vld [tilespmem:s15+$0xFFFFFF90];
	v4 =	vadd.f32 v7, v4;
	v7 =	vmul.f32 v3, v3  }
0x1f8: {  	v1 =	vadd.f32 v5, v1;
	v5 =	vmul.f32 v11, v13;
	v17 =	vld [tilespmem:s30+$0xFFFFFF90];
	v2 =	vadd.f32 v15, v2;
	v11, _, _ =	vpop (xrf2)  }
0x1f9: {  	v13 =	vmul.f32 v10, v10;
	v15 =	vld [tilespmem:s15+$0xFFFFFFA0];
	v4 =	vadd.f32 v7, v4;
	v7 =	vmul.f32 v12, v12;
	[tilespmem:s0+$0xFFFFFFFF] =	vst.msk vm0, v11  }
0x1fa: {  	v3 =	vmul.f32 v3, v18;
	v1 =	vadd.f32 v5, v1;
	v11 =	vld [tilespmem:s30+$0xFFFFFFA0];
	v2 =	vadd.f32 v14, v2  }
0x1fb: {  	v5 =	vmul.f32 v10, v0;
	v10 =	vld [tilespmem:s15+$0xFFFFFFB0];
	v4 =	vadd.f32 v7, v4;
	v7 =	vmul.f32 v6, v6;
	v14, _, _ =	vpop (xrf2)  }
0x1fc: {  	v18 =	vmul.f32 v0, v0;
	v1 =	vadd.f32 v3, v1;
	v3 =	vmul.f32 v12, v8;
	v19 =	vld [tilespmem:s30+$0xFFFFFFB0];
	(xrf2) =	vadd.scan.msk.f32 $0xffff, v2  }
0x1fd: {  	v2 =	vadd.f32 $0.0e+00, v5;
	v5 =	vmul.f32 v17, v9;
	v12 =	vld [tilespmem:s15+$0xFFFFFFC0];
	v4 =	vadd.f32 v7, v4;
	[tilespmem:s3+$0xFFFFFFFF] =	vst.msk vm0, v14  }
0x1fe: {  	v6 =	vmul.f32 v6, v16;
	v7 =	vmul.f32 v9, v9;
	v3 =	vadd.f32 v3, v1;
	v0 =	vld [tilespmem:s30+$0xFFFFFFC0];
	v8, _, _ =	vpop (xrf2)  }
0x1ff: {  	v9 =	vmul.f32 v17, v17;
	v5 =	vadd.f32 v5, v2;
	v14 =	vmul.f32 v11, v15;
	v1 =	vld [tilespmem:s15+$0xFFFFFFD0];
	(xrf2) =	vadd.scan.msk.f32 $0xffff, v4  }
.Ltmp3:
0x200: {  	v4 =	vadd.f32 v7, v18;
	v7 =	vmul.f32 v15, v15;
	v6 =	vadd.f32 v6, v3;
	v2 =	vld [tilespmem:s30+$0xFFFFFFD0];
	[tilespmem:s31+$0xFFFFFFFF] =	vst.msk vm0, v8;
	(pc) =	sbr.rel @p0 .LBB2_8-.Ltmp3, $4  }
0x201: {  	v8 =	vadd.f32 v9, v13;
	v13 =	vadd.f32 v14, v5;
	v5 =	vmul.f32 v11, v11;
	v3 =	vld [tilespmem:s15+$0xFFFFFFE0]  }
0x202: {  	v15 =	vmul.f32 v10, v10;
	v11 =	vadd.f32 v7, v4;
	v14 =	vmul.f32 v19, v10;
	v4 =	vld [tilespmem:s30+$0xFFFFFFE0];
	(xrf2) =	vadd.scan.msk.f32 $0xffff, v6  }
0x203: {  	v9 =	vmul.f32 v19, v19;
	v8 =	vadd.f32 v5, v8;
	v7 =	vmul.f32 v0, v12;
	v5 =	vld [tilespmem:s15+$0xFFFFFFF0]  }
0x204: {  	v10 =	vadd.f32 v14, v13;
	v11 =	vadd.f32 v15, v11;
	v12 =	vmul.f32 v12, v12;
	s15 =	sadd.s32 $0x100, s15;
	v6 =	vld [tilespmem:s30+$0xFFFFFFF0]  }
0x205: {  	v8 =	vadd.f32 v9, v8;
	v0 =	vmul.f32 v0, v0  }
0x206: {  	v9 =	vmul.f32 v2, v1;
	v1 =	vmul.f32 v1, v1;
	v7 =	vadd.f32 v7, v10  }
0x207: {  	v2 =	vmul.f32 v2, v2;
	v10 =	vadd.f32 v12, v11;
	v0 =	vadd.f32 v0, v8  }
0x208: {  	v8 =	vmul.f32 v4, v3;
	v7 =	vadd.f32 v9, v7  }
0x209: {  	v3 =	vmul.f32 v3, v3;
	v1 =	vadd.f32 v1, v10;
	v0 =	vadd.f32 v2, v0  }
0x20a: {  	v2 =	vmul.f32 v4, v4;
	v4 =	vmul.f32 v6, v5;
	v7 =	vadd.f32 v8, v7  }
0x20b: {  	v1 =	vadd.f32 v3, v1;
	v3 =	vmul.f32 v5, v5  }
0x20c: {  	v0 =	vadd.f32 v2, v0;
	v2 =	vmul.f32 v6, v6;
	v4 =	vadd.f32 v4, v7  }
0x20d: {  	v1 =	vadd.f32 v3, v1  }
0x20e: {  	v0 =	vadd.f32 v2, v0;
	(xrf2) =	vadd.scan.msk.f32 $0xffff, v4  }
0x20f: {  	(xrf2) =	vadd.scan.msk.f32 $0xffff, v1  }
0x210: {  	(xrf2) =	vadd.scan.msk.f32 $0xffff, v0;
	_ =	sdelay $0x2  }
0x211: {  	v0, _, _ =	vpop (xrf2)  }
0x212: {  	v1, _, _ =	vpop (xrf2)  }
0x213: {  	s0 =	sadd.s32 $0x2, s0;
	v2, _, _ =	vpop (xrf2)  }
0x214: {  	s3 =	sadd.s32 $0x2, s3;
	[tilespmem:s0+$0x0] =	vst.msk vm0, v2  }
0x215: {  	s11 =	sadd.s32 $0x2, s31;
	[tilespmem:s3+$0x0] =	vst.msk vm0, v0  }
0x216: {  	[tilespmem:s11+$0x0] =	vst.msk vm0, v1;
	v0, _, _ =	vpop (xrf2)  }
0x217: {  	[tilespmem:s0+$0xFFFFFFFF] =	vst.msk vm0, v0;
	v0, _, _ =	vpop (xrf2)  }
0x218: {  	[tilespmem:s3+$0xFFFFFFFF] =	vst.msk vm0, v0;
	v0, _, _ =	vpop (xrf2)  }
0x219: {  	s17 =	simm.s32 $0x18640;
	[tilespmem:s11+$0xFFFFFFFF] =	vst.msk vm0, v0  }
0x21a: {  	v0 =	vld [tilespmem:s17+$0xFFFFFFF0];
	_ =	sdelay $0x2  }
0x21b: {  	v1 =	vld [tilespmem:s17+$0x0];
	_ =	sdelay $0x1  }
0x21c: {  	v0 =	vmax.f32 v0, $1.000000020e-16  }
0x21d: {  	v2 =	vshra.s32 v0, $0x1;
	v3 =	vmul.f32 $5.000000000e-01, v0  }
0x21e: {  	v0 =	vsub.s32 $0x5F3759DF, v2  }
0x21f: {  	v1 =	vmax.f32 v1, $1.000000020e-16;
	v2 =	vmul.f32 v0, v3  }
0x220: {  	v4 =	vshra.s32 v1, $0x1;
	v1 =	vmul.f32 $5.000000000e-01, v1  }
0x221: {  	v4 =	vsub.s32 $0x5F3759DF, v4;
	v2 =	vmul.f32 v0, v2  }
0x222: {  	v5 =	vmul.f32 v4, v1  }
0x223: {  	v2 =	vsub.f32 $1.500000000e+00, v2  }
0x224: {  	s18 =	simm.s32 $0x18850;
	v5 =	vmul.f32 v4, v5  }
0x225: {  	v6 =	vld [tilespmem:s18+$0xFFFFFFF0];
	v2 =	vmul.f32 v0, v2  }
0x226: {  	v5 =	vsub.f32 $1.500000000e+00, v5;
	v0 =	vld [tilespmem:s18+$0x0]  }
0x227: {  	v7 =	vmul.f32 v2, v3  }
0x228: {  	v4 =	vmul.f32 v4, v5  }
0x229: {  	v7 =	vmul.f32 v7, v2  }
0x22a: {  	s3 =	simm.s32 $0x18660;
	v9 =	vmul.f32 v4, v1  }
0x22b: {  	v8 =	vld [tilespmem:s3+$0xFFFFFFF0];
	v5 =	vmax.f32 v0, $1.000000020e-16;
	v0 =	vmax.f32 v6, $1.000000020e-16;
	v7 =	vsub.f32 $1.500000000e+00, v7  }
0x22c: {  	v10 =	vshra.s32 v0, $0x1;
	v0 =	vmul.f32 $5.000000000e-01, v0  }
0x22d: {  	v9 =	vmul.f32 v9, v4;
	v2 =	vmul.f32 v7, v2;
	v7 =	vsub.s32 $0x5F3759DF, v10  }
0x22e: {  	v6 =	vshra.s32 v5, $0x1;
	v5 =	vmul.f32 $5.000000000e-01, v5;
	v10 =	vmul.f32 v7, v0  }
0x22f: {  	v9 =	vsub.f32 $1.500000000e+00, v9;
	v6 =	vsub.s32 $0x5F3759DF, v6;
	v3 =	vmul.f32 v2, v3  }
0x230: {  	v12 =	vld [tilespmem:s3+$0x0];
	v8 =	vmax.f32 v8, $1.000000020e-16;
	v11 =	vmul.f32 v6, v5;
	v10 =	vmul.f32 v7, v10  }
0x231: {  	v13 =	vshra.s32 v8, $0x1;
	v4 =	vmul.f32 v9, v4;
	v3 =	vmul.f32 v3, v2  }
0x232: {  	s11 =	simm.s32 $0x18430;
	v8 =	vmul.f32 $5.000000000e-01, v8;
	v11 =	vmul.f32 v6, v11;
	v10 =	vsub.f32 $1.500000000e+00, v10  }
0x233: {  	v9 =	vsub.s32 $0x5F3759DF, v13;
	v13 =	vld [tilespmem:s11+$0xFFFFFFF0];
	v1 =	vmul.f32 v4, v1;
	v3 =	vsub.f32 $1.500000000e+00, v3  }
0x234: {  	s15 =	simm.s32 $0x18870;
	v14 =	vmul.f32 v9, v8;
	v11 =	vsub.f32 $1.500000000e+00, v11;
	v16 =	vmul.f32 v7, v10  }
0x235: {  	v15 =	vld [tilespmem:s15+$0x0];
	v10 =	vmul.f32 v1, v4;
	v2 =	vmul.f32 v3, v2;
	v3 =	vmax.f32 v12, $1.000000020e-16  }
0x236: {  	v6 =	vmul.f32 v6, v11;
	v12 =	vmul.f32 v9, v14;
	v14 =	vld [tilespmem:s15+$0xFFFFFFF0];
	v7 =	vshra.s32 v3, $0x1  }
0x237: {  	v3 =	vmul.f32 $5.000000000e-01, v3;
	v10 =	vsub.f32 $1.500000000e+00, v10;
	v7 =	vsub.s32 $0x5F3759DF, v7  }
0x238: {  	v12 =	vsub.f32 $1.500000000e+00, v12;
	v1 =	vmul.f32 v2, v13;
	v13 =	vmul.f32 v16, v0  }
0x239: {  	v2 =	vmul.f32 v7, v3;
	v4 =	vmul.f32 v10, v4  }
0x23a: {  	v9 =	vmul.f32 v9, v12;
	v12 =	vmax.f32 v15, $1.000000020e-16;
	v15 =	vmul.f32 v13, v16  }
0x23b: {  	v2 =	vmul.f32 v7, v2;
	v13 =	vmax.f32 v14, $1.000000020e-16;
	v17 =	vshra.s32 v12, $0x1  }
0x23c: {  	v12 =	vmul.f32 $5.000000000e-01, v12;
	v14 =	vmul.f32 v9, v8;
	v11 =	vshra.s32 v13, $0x1  }
0x23d: {  	v10 =	vmul.f32 $5.000000000e-01, v13;
	v13 =	vmul.f32 v6, v5;
	v2 =	vsub.f32 $1.500000000e+00, v2  }
0x23e: {  	s16 =	simm.s32 $0x18680;
	v17 =	vsub.s32 $0x5F3759DF, v17;
	v15 =	vsub.f32 $1.500000000e+00, v15;
	v14 =	vmul.f32 v14, v9  }
0x23f: {  	v11 =	vsub.s32 $0x5F3759DF, v11;
	v20 =	vmul.f32 v17, v12;
	v2 =	vmul.f32 v7, v2;
	v7 =	vld [tilespmem:s16+$0xFFFFFFF0]  }
0x240: {  	v18 =	vmul.f32 v11, v10;
	v13 =	vmul.f32 v13, v6;
	v14 =	vsub.f32 $1.500000000e+00, v14  }
0x241: {  	v15 =	vmul.f32 v15, v16;
	v19 =	vmul.f32 v2, v3  }
0x242: {  	v20 =	vmul.f32 v17, v20;
	v9 =	vmul.f32 v14, v9  }
0x243: {  	v18 =	vmul.f32 v11, v18;
	v14 =	vmul.f32 v19, v2  }
0x244: {  	v0 =	vmul.f32 v15, v0;
	v19 =	vld [tilespmem:s16+$0x0];
	v8 =	vmul.f32 v9, v8;
	v7 =	vmax.f32 v7, $1.000000020e-16  }
0x245: {  	v14 =	vsub.f32 $1.500000000e+00, v14;
	v21 =	vshra.s32 v7, $0x1;
	v22 =	vmul.f32 $5.000000000e-01, v7  }
0x246: {  	v7 =	vmul.f32 v8, v9;
	v8 =	vsub.f32 $1.500000000e+00, v13;
	v13 =	vsub.s32 $0x5F3759DF, v21  }
0x247: {  	v0 =	vmul.f32 v0, v15;
	v21 =	vmul.f32 v13, v22  }
0x248: {  	s17 =	simm.s32 $0x18450;
	v2 =	vmul.f32 v14, v2;
	v7 =	vsub.f32 $1.500000000e+00, v7;
	v8 =	vmul.f32 v8, v6  }
0x249: {  	v6 =	vsub.f32 $1.500000000e+00, v18;
	v14 =	vmax.f32 v19, $1.000000020e-16;
	v19 =	vld [tilespmem:s17+$0xFFFFFFF0];
	v18 =	vmul.f32 v13, v21  }
0x24a: {  	v23 =	vld [tilespmem:s11+$0x0];
	s18 =	simm.s32 $0x18890;
	v3 =	vmul.f32 v2, v3;
	v21 =	vshra.s32 v14, $0x1;
	v14 =	vmul.f32 $5.000000000e-01, v14  }
0x24b: {  	v24 =	vld [tilespmem:s18+$0x0];
	v9 =	vmul.f32 v7, v9;
	v21 =	vsub.s32 $0x5F3759DF, v21;
	v18 =	vsub.f32 $1.500000000e+00, v18  }
0x24c: {  	v7 =	vmul.f32 v11, v6;
	v25 =	vmul.f32 v21, v14  }
0x24d: {  	v3 =	vmul.f32 v3, v2;
	v6 =	vmul.f32 v13, v18  }
0x24e: {  	v11 =	vmul.f32 v21, v25;
	v13 =	vmul.f32 v9, v19  }
0x24f: {  	v26 =	vld [tilespmem:s18+$0xFFFFFFF0];
	v18 =	vsub.f32 $1.500000000e+00, v20;
	v19 =	vmul.f32 v7, v10;
	v9 =	vmul.f32 v6, v22  }
0x250: {  	v20 =	vmul.f32 v4, v23;
	v4 =	vmax.f32 v24, $1.000000020e-16;
	v11 =	vsub.f32 $1.500000000e+00, v11  }
0x251: {  	s16 =	simm.s32 $0x188B0;
	v3 =	vsub.f32 $1.500000000e+00, v3;
	v24 =	vmul.f32 $5.000000000e-01, v4;
	v9 =	vmul.f32 v9, v6  }
0x252: {  	v28 =	vld [tilespmem:s16+$0x0];
	v23 =	vmul.f32 v19, v7;
	v11 =	vmul.f32 v21, v11  }
0x253: {  	v17 =	vmul.f32 v17, v18;
	v18 =	vmul.f32 v3, v2;
	v3 =	vsub.f32 $1.500000000e+00, v9  }
0x254: {  	v19 =	vmax.f32 v26, $1.000000020e-16;
	v9 =	vshra.s32 v4, $0x1;
	v4 =	vmul.f32 v11, v14  }
0x255: {  	v2 =	vmul.f32 $5.000000000e-01, v19;
	v3 =	vmul.f32 v3, v6  }
0x256: {  	v21 =	vshra.s32 v19, $0x1;
	v19 =	vmul.f32 v17, v12;
	v4 =	vmul.f32 v4, v11  }
0x257: {  	s0 =	simm.s32 $0x186A0;
	v28 =	vmax.f32 v28, $1.000000020e-16;
	v6 =	vsub.s32 $0x5F3759DF, v21;
	v22 =	vmul.f32 v3, v22  }
0x258: {  	v26 =	vld [tilespmem:s0+$0xFFFFFFF0];
	v19 =	vmul.f32 v19, v17;
	v21 =	vmul.f32 v6, v2;
	v4 =	vsub.f32 $1.500000000e+00, v4  }
0x259: {  	v5 =	vmul.f32 v8, v5;
	v9 =	vsub.s32 $0x5F3759DF, v9;
	v22 =	vmul.f32 v22, v3  }
0x25a: {  	s15 =	simm.s32 $0x18470;
	v16 =	vld [tilespmem:s17+$0x0];
	v19 =	vsub.f32 $1.500000000e+00, v19;
	v21 =	vmul.f32 v6, v21;
	v11 =	vmul.f32 v4, v11  }
0x25b: {  	v27 =	vld [tilespmem:s15+$0xFFFFFFF0];
	v5 =	vmul.f32 v5, v8;
	v25 =	vmul.f32 v9, v24;
	v4 =	vsub.f32 $1.500000000e+00, v22  }
0x25c: {  	v17 =	vmul.f32 v19, v17;
	v19 =	vsub.f32 $1.500000000e+00, v21;
	v21 =	vld [tilespmem:s0+$0x0];
	v14 =	vmul.f32 v11, v14  }
0x25d: {  	v25 =	vmul.f32 v9, v25;
	v3 =	vmul.f32 v4, v3;
	v4 =	vmax.f32 v26, $1.000000020e-16  }
0x25e: {  	v14 =	vmul.f32 v14, v11;
	v22 =	vshra.s32 v4, $0x1;
	v26 =	vmul.f32 $5.000000000e-01, v4  }
0x25f: {  	v4 =	vmul.f32 v6, v19;
	v19 =	vmul.f32 v18, v16;
	v16 =	vsub.f32 $1.500000000e+00, v0  }
0x260: {  	v6 =	vsub.s32 $0x5F3759DF, v22;
	v22 =	vsub.f32 $1.500000000e+00, v25;
	v3 =	vmul.f32 v3, v27  }
0x261: {  	v18 =	vld [tilespmem:s16+$0xFFFFFFF0];
	v21 =	vmax.f32 v21, $1.000000020e-16;
	v25 =	vmul.f32 v6, v26;
	v27 =	vmul.f32 v4, v2  }
0x262: {  	v0 =	vld [tilespmem:$0x18400];
	v29 =	vshra.s32 v21, $0x1;
	v15 =	vmul.f32 v16, v15;
	v16 =	vmul.f32 $5.000000000e-01, v21  }
0x263: {  	v25 =	vmul.f32 v6, v25;
	v21 =	vmul.f32 v27, v4;
	v27 =	vsub.s32 $0x5F3759DF, v29  }
0x264: {  	v14 =	vsub.f32 $1.500000000e+00, v14;
	v1 =	vmul.f32 v15, v1;
	v15 =	vmul.f32 v27, v16  }
0x265: {  	v12 =	vmul.f32 v17, v12;
	v9 =	vmul.f32 v9, v22;
	v25 =	vsub.f32 $1.500000000e+00, v25  }
0x266: {  	v11 =	vmul.f32 v14, v11;
	v18 =	vmax.f32 v18, $1.000000020e-16;
	v14 =	vmul.f32 v27, v15  }
0x267: {  	v15 =	vshra.s32 v28, $0x1;
	v22 =	vmul.f32 v6, v25;
	v25 =	vmul.f32 v1, v0  }
0x268: {  	v1 =	vld [tilespmem:$0x18410];
	v6 =	vmul.f32 $5.000000000e-01, v28;
	v28 =	vsub.f32 $1.500000000e+00, v5;
	v14 =	vsub.f32 $1.500000000e+00, v14  }
0x269: {  	v5 =	vmul.f32 $5.000000000e-01, v18;
	v29 =	vmul.f32 v22, v26  }
0x26a: {  	v30 =	vshra.s32 v18, $0x1;
	v8 =	vmul.f32 v28, v8;
	v14 =	vmul.f32 v27, v14  }
0x26b: {  	v15 =	vsub.s32 $0x5F3759DF, v15;
	v27 =	vmul.f32 v9, v24;
	v18 =	vmul.f32 v29, v22  }
0x26c: {  	v29 =	vsub.s32 $0x5F3759DF, v30;
	v8 =	vmul.f32 v8, v20;
	v20 =	vmul.f32 v14, v16  }
0x26d: {  	v30 =	vmul.f32 v15, v6;
	v25 =	vadd.f32 v25, v1;
	v18 =	vsub.f32 $1.500000000e+00, v18  }
0x26e: {  	v23 =	vsub.f32 $1.500000000e+00, v23;
	v28 =	vmul.f32 v29, v5;
	v20 =	vmul.f32 v20, v14  }
0x26f: {  	v8 =	vmul.f32 v8, v0;
	v18 =	vmul.f32 v18, v22;
	v22 =	vsub.f32 $0.0e+00, v25  }
0x270: {  	v25 =	vmul.f32 v27, v9;
	v27 =	vmul.f32 v12, v17;
	v20 =	vsub.f32 $1.500000000e+00, v20  }
0x271: {  	v12 =	vmul.f32 v29, v28;
	v28 =	vadd.f32 v8, v1;
	v26 =	vmul.f32 v18, v26  }
0x272: {  	v8 =	vmul.f32 $1.442695020e+00, v22;
	v25 =	vsub.f32 $1.500000000e+00, v25;
	v14 =	vmul.f32 v20, v14  }
0x273: {  	s3 =	simm.s32 $0x18490;
	v27 =	vsub.f32 $1.500000000e+00, v27;
	v22 =	vmul.f32 v26, v18;
	v26 =	vmul.f32 v15, v30  }
0x274: {  	s17 =	simm.s32 $0x186C0;
	v20 =	vld [tilespmem:s3+$0xFFFFFFF0];
	(erf) = vpow2.f32 v8;
	v8 =	vmul.f32 v25, v9;
	v9 =	vsub.f32 $1.500000000e+00, v12  }
0x275: {  	v25 =	vld [tilespmem:s17+$0xFFFFFFF0];
	v17 =	vmul.f32 v27, v17;
	v12 =	vmul.f32 v14, v16;
	v22 =	vsub.f32 $1.500000000e+00, v22  }
0x276: {  	v16 =	vmul.f32 v23, v7;
	v23 =	vmul.f32 v8, v24  }
0x277: {  	v9 =	vmul.f32 v29, v9;
	v7 =	vmul.f32 v22, v18;
	v18 =	vsub.f32 $0.0e+00, v28;
	v22 =	vld [tilespmem:s15+$0x0]  }
0x278: {  	v24 =	vld [tilespmem:s17+$0x0];
	v17 =	vmul.f32 v17, v19;
	v12 =	vmul.f32 v12, v14  }
0x279: {  	v26 =	vsub.f32 $1.500000000e+00, v26;
	v10 =	vmul.f32 v16, v10;
	v18 =	vmul.f32 $1.442695020e+00, v18  }
0x27a: {  	v7 =	vmul.f32 v7, v20;
	v20 =	vsub.f32 $1.500000000e+00, v12;
	v12 =	vmax.f32 v25, $1.000000020e-16  }
0x27b: {  	v10 =	vmul.f32 v10, v16;
	v25 =	vshra.s32 v12, $0x1;
	v29 =	vmul.f32 $5.000000000e-01, v12  }
0x27c: {  	s18 =	simm.s32 $0x188D0;
	(erf) = vpow2.f32 v18;
	v12 =	vmul.f32 v11, v22;
	v22 =	vsub.s32 $0x5F3759DF, v25  }
0x27d: {  	v28 =	vld [tilespmem:s18+$0x0];
	v24 =	vmax.f32 v24, $1.000000020e-16;
	v10 =	vsub.f32 $1.500000000e+00, v10;
	v25 =	vmul.f32 v22, v29  }
0x27e: {  	v17 =	vmul.f32 v17, v0;
	v31 =	vshra.s32 v24, $0x1;
	v11 =	vmul.f32 v9, v5;
	v30 =	vpop (erf)  }
0x27f: {  	v18 =	vld [tilespmem:s18+$0xFFFFFFF0];
	v10 =	vmul.f32 v10, v16;
	v30 =	vadd.f32 $1.000000000e+00, v30;
	v25 =	vmul.f32 v22, v25  }
0x280: {  	v31 =	vsub.s32 $0x5F3759DF, v31;
	v16 =	vmul.f32 $5.000000000e-01, v24;
	v11 =	vmul.f32 v11, v9  }
0x281: {  	v13 =	vmul.f32 v10, v13;
	(erf) = vrcp.f32 v30;
	v24 =	vsub.f32 $1.500000000e+00, v25  }
0x282: {  	v28 =	vmax.f32 v28, $1.000000020e-16;
	v30 =	vmul.f32 v15, v26;
	v25 =	vmul.f32 v31, v16  }
0x283: {  	v10 =	vshra.s32 v28, $0x1;
	v15 =	vmul.f32 v20, v14;
	v22 =	vmul.f32 v22, v24  }
0x284: {  	v18 =	vmax.f32 v18, $1.000000020e-16;
	v20 =	vmul.f32 v31, v25;
	v24 =	vmul.f32 v13, v0  }
0x285: {  	v10 =	vsub.s32 $0x5F3759DF, v10;
	v13 =	vmul.f32 $5.000000000e-01, v18;
	v14 =	vpop (erf);
	v26 =	vmul.f32 v22, v29  }
0x286: {  	v25 =	vadd.f32 $1.000000000e+00, v14;
	v14 =	vmul.f32 $5.000000000e-01, v28;
	v20 =	vsub.f32 $1.500000000e+00, v20  }
0x287: {  	v18 =	vshra.s32 v18, $0x1;
	v28 =	vmul.f32 v30, v6;
	v26 =	vmul.f32 v26, v22  }
0x288: {  	v18 =	vsub.s32 $0x5F3759DF, v18;
	v27 =	vmul.f32 v31, v20;
	(erf) = vrcp.f32 v25  }
0x289: {  	v24 =	vadd.f32 v24, v1;
	v25 =	vmul.f32 v18, v13;
	v20 =	vsub.f32 $1.500000000e+00, v26  }
0x28a: {  	v31 =	vmul.f32 v10, v14;
	v26 =	vmul.f32 v27, v16  }
0x28b: {  	v32 =	vmul.f32 v28, v30;
	v19 =	vmul.f32 v20, v22;
	v22 =	vsub.f32 $0.0e+00, v24  }
0x28c: {  	v24 =	vmul.f32 v26, v27;
	v20 =	vmul.f32 v23, v8  }
0x28d: {  	v29 =	vmul.f32 v19, v29;
	v23 =	vmul.f32 $1.442695020e+00, v22  }
0x28e: {  	v28 =	vadd.f32 v17, v1;
	v31 =	vmul.f32 v10, v31;
	v17 =	vsub.f32 $1.500000000e+00, v24  }
0x28f: {  	s30 =	simm.s32 $0x18A60;
	s31 =	simm.s32 $0x18AA0;
	s15 =	simm.s32 $0x184B0;
	v32 =	vsub.f32 $1.500000000e+00, v32;
	v26 =	vmul.f32 v18, v25;
	v24 =	vmul.f32 v29, v19  }
0x290: {  	s11 =	simm.s32 $0x184B0;
	s0 =	simm.s32 $0x18A80;
	s16 =	simm.s32 $0x8;
	v25 =	vpop (erf);
	v22 =	vld [tilespmem:s15+$0xFFFFFFF0];
	v17 =	vmul.f32 v17, v27;
	v29 =	vsub.f32 $1.500000000e+00, v21;
	(erf) = vpow2.f32 v23  }
0x291: {  	s17 =	simm.s32 $0x186E0;
	s18 =	simm.s32 $0x188F0;
	[tilespmem:s30+$0xFFFFFFF0] =	vst v25;
	v27 =	vld [tilespmem:s3+$0x0];
	v21 =	vmul.f32 v32, v30;
	s3 =	simm.s32 $0x18AA0;
	v25 =	vsub.f32 $1.500000000e+00, v24;
	v24 =	vsub.f32 $1.500000000e+00, v31;
	v23 =	vpop (erf)  }
.LBB2_10:
0x292: {  	v30 =	vld [tilespmem:s17+$0xFFFFFFF0];
	s16 =	sadd.s32 $0x2, s16;
	v26 =	vsub.f32 $1.500000000e+00, v26;
	v16 =	vmul.f32 v17, v16;
	v29 =	vmul.f32 v29, v4;
	s31 =	sadd.s32 $0x20, s31;
	[tilespmem:s30+$0x0] =	vst v23;
	v4 =	vmovc v9;
	s30 =	smov.u32 s0  }
0x293: {  	v28 =	vsub.f32 $0.0e+00, v28;
	s0 =	smov.u32 s3;
	v23 =	vld [tilespmem:s18+$0x0];
	p0 =	slt.u32 s16, $0x1E;
	v19 =	vmul.f32 v25, v19;
	v25 =	vmul.f32 v21, v6;
	v6 =	vmovc v14;
	s3 =	smov.u32 s31  }
0x294: {  	v14 =	vld [tilespmem:s18+$0xFFFFFFF0];
	v9 =	vmul.f32 v18, v26;
	v16 =	vmul.f32 v16, v17  }
0x295: {  	v18 =	vld [tilespmem:s17+$0x0];
	v19 =	vmul.f32 v19, v22;
	v22 =	vmul.f32 $1.442695020e+00, v28  }
0x296: {  	v26 =	vsub.f32 $1.500000000e+00, v16;
	v27 =	vmul.f32 v15, v27;
	v15 =	vmul.f32 v29, v2;
	v2 =	vmovc v5;
	v5 =	vmovc v13  }
0x297: {  	v13 =	vmax.f32 v30, $1.000000020e-16;
	v30 =	vmul.f32 v9, v5;
	(erf) = vpow2.f32 v22  }
0x298: {  	v22 =	vshra.s32 v13, $0x1;
	v28 =	vmul.f32 $5.000000000e-01, v13;
	v13 =	vmul.f32 v15, v29  }
0x299: {  	v15 =	vsub.s32 $0x5F3759DF, v22;
	v22 =	vmax.f32 v23, $1.000000020e-16;
	v23 =	vmul.f32 v30, v9;
	v16 =	vpop (erf)  }
0x29a: {  	v30 =	vmul.f32 v15, v28;
	v18 =	vmax.f32 v18, $1.000000020e-16;
	v13 =	vsub.f32 $1.500000000e+00, v13  }
0x29b: {  	v31 =	vmax.f32 v14, $1.000000020e-16;
	v32 =	vadd.f32 $1.000000000e+00, v16;
	v14 =	vshra.s32 v18, $0x1  }
0x29c: {  	v30 =	vmul.f32 v15, v30;
	v33 =	vsub.s32 $0x5F3759DF, v14;
	v13 =	vmul.f32 v13, v29  }
0x29d: {  	v16 =	vmul.f32 $5.000000000e-01, v18;
	v14 =	vshra.s32 v22, $0x1;
	(erf) = vrcp.f32 v32  }
0x29e: {  	v32 =	vsub.s32 $0x5F3759DF, v14;
	v18 =	vsub.f32 $1.500000000e+00, v30;
	v13 =	vmul.f32 v13, v3;
	v3 =	vmovc v7;
	v7 =	vmovc v19  }
0x29f: {  	v29 =	vmul.f32 v33, v16;
	v19 =	vshra.s32 v31, $0x1;
	v30 =	vmul.f32 v10, v24;
	v10 =	vmovc v32  }
0x2a0: {  	v24 =	vmul.f32 v15, v18;
	v18 =	vsub.s32 $0x5F3759DF, v19;
	v15 =	vmul.f32 v26, v17;
	v14 =	vpop (erf)  }
0x2a1: {  	v17 =	vmul.f32 v33, v29;
	v19 =	vmul.f32 v13, v0;
	v26 =	vadd.f32 $1.000000000e+00, v14  }
0x2a2: {  	v20 =	vsub.f32 $1.500000000e+00, v20;
	v14 =	vmul.f32 $5.000000000e-01, v22;
	v29 =	vmul.f32 v24, v28  }
0x2a3: {  	v13 =	vmul.f32 $5.000000000e-01, v31;
	v22 =	vmul.f32 v30, v6;
	v17 =	vsub.f32 $1.500000000e+00, v17  }
0x2a4: {  	v20 =	vmul.f32 v20, v8;
	v8 =	vmovc v21;
	v19 =	vadd.f32 v19, v1;
	v29 =	vmul.f32 v29, v24  }
0x2a5: {  	v17 =	vmul.f32 v33, v17;
	(erf) = vrcp.f32 v26  }
0x2a6: {  	v20 =	vmul.f32 v20, v12;
	v26 =	vmul.f32 v18, v13;
	v21 =	vsub.f32 $1.500000000e+00, v29;
	v12 =	vpop (erf)  }
0x2a7: {  	v31 =	vmul.f32 v10, v14;
	v32 =	vsub.f32 $0.0e+00, v19;
	v29 =	vmul.f32 v17, v16;
	[tilespmem:s30+$0xFFFFFFF0] =	vst v12;
	v12 =	vmovc v27  }
0x2a8: {  	v19 =	vmul.f32 v21, v24;
	v21 =	vmul.f32 v20, v0  }
0x2a9: {  	v22 =	vmul.f32 v22, v30;
	v24 =	vmul.f32 v29, v17  }
.Ltmp4:
0x2aa: {  	v20 =	vmul.f32 v25, v8;
	v27 =	vmul.f32 v19, v28;
	v28 =	vadd.f32 v21, v1;
	(pc) =	sbr.rel @p0 .LBB2_10-.Ltmp4, $4  }
0x2ab: {  	v26 =	vmul.f32 v18, v26;
	v21 =	vsub.f32 $1.500000000e+00, v24;
	v24 =	vmul.f32 $1.442695020e+00, v32  }
0x2ac: {  	s15 =	sadd.s32 $0x20, s15;
	v25 =	vmul.f32 v27, v19;
	v27 =	vmul.f32 v10, v31;
	v31 =	vsub.f32 $1.500000000e+00, v22  }
0x2ad: {  	v29 =	vsub.f32 $1.500000000e+00, v11;
	v11 =	vmovc v23;
	v17 =	vmul.f32 v21, v17;
	v22 =	vld [tilespmem:s15+$0xFFFFFFF0];
	(erf) = vpow2.f32 v24  }
0x2ae: {  	s18 =	sadd.s32 $0x20, s18;
	s17 =	sadd.s32 $0x20, s17;
	v25 =	vsub.f32 $1.500000000e+00, v25;
	v24 =	vsub.f32 $1.500000000e+00, v27;
	v27 =	vld [tilespmem:s11+$0x0];
	v21 =	vmul.f32 v31, v30;
	v23 =	vpop (erf);
	s11 =	smov.u32 s15  }
0x2af: {  	v4 =	vmul.f32 v29, v4;
	_ =	sdelay $0x1  }
0x2b0: {  	v2 =	vmul.f32 v4, v2  }
0x2b1: {  	v28 =	vsub.f32 $0.0e+00, v28  }
0x2b2: {  	v2 =	vmul.f32 v2, v4  }
0x2b3: {  	v28 =	vmul.f32 $1.442695020e+00, v28  }
0x2b4: {  	v2 =	vsub.f32 $1.500000000e+00, v2  }
0x2b5: {  	v20 =	vsub.f32 $1.500000000e+00, v20;
	(erf) = vpow2.f32 v28  }
0x2b6: {  	v2 =	vmul.f32 v2, v4  }
0x2b7: {  	v8 =	vmul.f32 v20, v8  }
0x2b8: {  	v2 =	vmul.f32 v2, v3  }
0x2b9: {  	v12 =	vmul.f32 v8, v12;
	v28 =	vsub.f32 $1.500000000e+00, v11  }
0x2ba: {  	v6 =	vmul.f32 v21, v6;
	v2 =	vmul.f32 v2, v0  }
0x2bb: {  	v31 =	vsub.f32 $1.500000000e+00, v26;
	v8 =	vmul.f32 v28, v9;
	v20 =	vpop (erf);
	v3 =	vmul.f32 v12, v0  }
0x2bc: {  	v36 =	vmul.f32 v10, v24;
	v4 =	vadd.f32 $1.000000000e+00, v20;
	v2 =	vadd.f32 v2, v1  }
0x2bd: {  	v33 =	vmul.f32 v6, v21;
	v5 =	vmul.f32 v8, v5;
	v3 =	vadd.f32 v3, v1  }
0x2be: {  	v35 =	vmul.f32 v15, v27;
	(erf) = vrcp.f32 v4;
	v29 =	vpop (erf);
	v2 =	vsub.f32 $0.0e+00, v2  }
0x2bf: {  	v32 =	vmul.f32 v5, v8;
	v30 =	vadd.f32 $1.000000000e+00, v29;
	v3 =	vsub.f32 $0.0e+00, v3  }
0x2c0: {  	v4 =	vmul.f32 v18, v31;
	v2 =	vmul.f32 $1.442695020e+00, v2  }
0x2c1: {  	v5 =	vsub.f32 $1.500000000e+00, v33;
	(erf) = vrcp.f32 v30;
	v3 =	vmul.f32 $1.442695020e+00, v3  }
0x2c2: {  	v37 =	vmul.f32 v4, v13;
	(erf) = vpow2.f32 v2;
	v2 =	vsub.f32 $1.500000000e+00, v32  }
0x2c3: {  	v5 =	vmul.f32 v5, v21;
	(erf) = vpow2.f32 v3  }
0x2c4: {  	v10 =	vmul.f32 v37, v4;
	v2 =	vmul.f32 v2, v8  }
0x2c5: {  	v38 =	vmul.f32 v36, v14;
	v5 =	vmul.f32 v5, v35  }
0x2c6: {  	v10 =	vsub.f32 $1.500000000e+00, v10;
	v2 =	vmul.f32 v2, v7  }
0x2c7: {  	v5 =	vmul.f32 v5, v0;
	v8 =	vmul.f32 v38, v36  }
0x2c8: {  	v4 =	vmul.f32 v10, v4;
	v2 =	vmul.f32 v2, v0  }
0x2c9: {  	v34 =	vmul.f32 v17, v16;
	v5 =	vadd.f32 v5, v1;
	v39 =	vpop (erf);
	v8 =	vsub.f32 $1.500000000e+00, v8  }
0x2ca: {  	v10 =	vmul.f32 v4, v13;
	v40 =	vpop (erf);
	v2 =	vadd.f32 v2, v1  }
0x2cb: {  	v5 =	vsub.f32 $0.0e+00, v5;
	v3 =	vmul.f32 v34, v17;
	v8 =	vmul.f32 v8, v36;
	v41 =	vpop (erf)  }
0x2cc: {  	v10 =	vmul.f32 v10, v4;
	v11 =	vadd.f32 $1.000000000e+00, v41;
	v42 =	vpop (erf);
	v2 =	vsub.f32 $0.0e+00, v2  }
0x2cd: {  	v5 =	vmul.f32 $1.442695020e+00, v5;
	v44 =	vmul.f32 v8, v14;
	v43 =	vadd.f32 $1.000000000e+00, v42  }
0x2ce: {  	v45 =	vld [tilespmem:s11+$0x0];
	(erf) = vrcp.f32 v11;
	v2 =	vmul.f32 $1.442695020e+00, v2  }
0x2cf: {  	v3 =	vsub.f32 $1.500000000e+00, v3;
	v11 =	vmul.f32 v44, v8;
	(erf) = vrcp.f32 v43  }
0x2d0: {  	v46 =	vmul.f32 v25, v19;
	v47 =	vsub.f32 $1.500000000e+00, v10;
	(erf) = vpow2.f32 v2  }
0x2d1: {  	v3 =	vmul.f32 v3, v17;
	v48 =	vsub.f32 $1.500000000e+00, v11;
	(erf) = vpow2.f32 v5  }
0x2d2: {  	v49 =	vmul.f32 v46, v22;
	v2 =	vmul.f32 v47, v4  }
0x2d3: {  	v3 =	vmul.f32 v3, v45;
	v50 =	vmul.f32 v48, v8  }
0x2d4: {  	v2 =	vmul.f32 v2, v49  }
0x2d5: {  	v3 =	vmul.f32 v50, v3  }
0x2d6: {  	v2 =	vmul.f32 v2, v0  }
0x2d7: {  	v52 =	vmul.f32 v3, v0;
	v51 =	vpop (erf)  }
0x2d8: {  	v2 =	vadd.f32 v2, v1;
	v53 =	vpop (erf)  }
0x2d9: {  	v0 =	vadd.f32 v52, v1;
	v54 =	vpop (erf)  }
0x2da: {  	v2 =	vsub.f32 $0.0e+00, v2;
	v55 =	vadd.f32 $1.000000000e+00, v54;
	v56 =	vpop (erf)  }
0x2db: {  	v0 =	vsub.f32 $0.0e+00, v0;
	v5 =	vadd.f32 $1.000000000e+00, v56  }
0x2dc: {  	v57 =	vmul.f32 $1.442695020e+00, v2;
	(erf) = vrcp.f32 v55  }
0x2dd: {  	v0 =	vmul.f32 $1.442695020e+00, v0;
	(erf) = vrcp.f32 v5  }
0x2de: {  	(erf) = vpow2.f32 v57  }
0x2df: {  	(erf) = vpow2.f32 v0;
	_ =	sdelay $0x5  }
0x2e0: {  	v58 =	vpop (erf)  }
0x2e1: {  	v59 =	vpop (erf)  }
0x2e2: {  	v60 =	vpop (erf)  }
0x2e3: {  	v2 =	vadd.f32 $1.000000000e+00, v60;
	v61 =	vpop (erf)  }
0x2e4: {  	v5 =	vadd.f32 $1.000000000e+00, v61  }
0x2e5: {  	(erf) = vrcp.f32 v2  }
0x2e6: {  	(erf) = vrcp.f32 v5;
	_ =	sdelay $0x1  }
0x2e7: {  	[tilespmem:s30+$0x0] =	vst v23  }
0x2e8: {  	[tilespmem:s0+$0xFFFFFFF0] =	vst v39  }
0x2e9: {  	[tilespmem:s0+$0x0] =	vst v40  }
0x2ea: {  	[tilespmem:s3+$0xFFFFFFF0] =	vst v51  }
0x2eb: {  	s30 =	sadd.s32 $0x20, s31;
	[tilespmem:s3+$0x0] =	vst v53  }
0x2ec: {  	[tilespmem:s30+$0xFFFFFFF0] =	vst v58  }
0x2ed: {  	s29 =	sadd.s32 $0x1, s29;
	s31 =	sadd.s32 $0x20, s30;
	[tilespmem:s30+$0x0] =	vst v59;
	v62 =	vpop (erf)  }
0x2ee: {  	p0 =	sne.s32 s29, s8;
	[tilespmem:s31+$0xFFFFFFF0] =	vst v62;
	v63 =	vpop (erf)  }
.Ltmp5:
0x2ef: {  	[tilespmem:s31+$0x0] =	vst v63;
	(pc) =	sbr.rel @p0 .LBB2_1-.Ltmp5, $4  }
0x2f0: {  	[hbm4b:s7+s2] =	stream.linear.scatter [tilespmem:s28], [sflag:$0x4], $0x200, $0x38;
	[tilespmem:$0x18C50] =	vst v63  }
0x2f1: {  	_ =	swait.ge [sflag:s9], $0x200  }
0x2f2: {  	[sflag:s9] =	ssyncset.done $0x0  }
0x2f3: {  	[sflag:s9] =	ssyncadd.s32 $0xFFFFFE00  }
0x2f4: {  	_ =	sfence.sel $0x180000  }
0x2f5: {  	[bflag:$0x0] =	sbarrier.arrive $0xFFFF  }
0x2f6: {  	_ =	strace $0x90000047  }
0x2f7: {  	s0 =	stileid.u32;
	[bflag:$0x2] =	sbarrier.arrive $0xFFFF  }
0x2f8: {  	p0 =	sne.s32 s0, $0x0;
	s0 =	rddreg [dreg:$0x5]  }
0x2f9: {  	s0 =	sadd.s32 @!p0 $0x100000, s0  }
0x2fa: {  	[sflag:s0] =	ssyncadd.tile.s32 @!p0 $0x1;
	_ =	shalt  }
.Lfunc_end2:
_tile_overlayer_lowered:
.L_overlay_start_2:
0x2fb: {  	(tag) =	ssettag $0x2  }
0x2fc: {  	s0 =	rddreg [dreg:$0x0];
	s2 =	stileid.u32  }
0x2fd: {  	s1 =	rddreg [dreg:$0x1];
	p0 =	sne.s32 s2, $0x0  }
0x2fe: {  	s3 =	rddreg [dreg:$0x2];
	[bflag:$0x3] =	sbarrier.arrive $0xFFFF;
	s2 =	simm.s32 @!p0 $0x1C04  }
0x2ff: {  	[timem:s3], [sflag:s2] =	dma.local @!p0 [hbm:s0], s1  }
0x300: {  	s0 =	simm.s32 @!p0 $0x4  }
0x301: {  	_ =	swait.ge @!p0 [sflag:s0], s1  }
0x302: {  	s1 =	ssub.s32 @!p0 $0x0, s1;
	[sflag:s0] =	ssyncset.done @!p0 $0x0  }
0x303: {  	[sflag:s0] =	ssyncadd.s32 @!p0 s1  }
0x304: {  	[bflag:$0x3] =	sbarrier.arrive $0xFFFF  }
0x305: {  	_ =	shalt  }

</sc_bundles>
